<compile_context>
chip_gen: v7x
topology: tpu7x:2x2x1
jax: 0.10.2.dev20260603
libtpu: 0.0.44.dev20260713+nightly
codegen_flags: <defaults>
</compile_context>

<pallas_src>
import dataclasses

import jax
import jax.numpy as jnp
from jax import lax
from jax.experimental import pallas as pl
from jax.experimental.pallas import tpu as pltpu
from jax.experimental.pallas import tpu_sc as plsc
from jax._src.pallas import mpmd
from jax._src.pallas import core as pallas_core
from jax._src.pallas.mosaic import core as tpu_core

_NUM_ACT = 192
_SIZE = 256
_RANGE = 4.0
_GRID = 2.0 * _RANGE / (_SIZE - 1)
_INV_GRID = 1.0 / _GRID
_HALF_GRID = _GRID / 2.0

_H = 224
_SLAB = _H * _H
_N = 2 * _NUM_ACT * _SLAB
_TBL = _NUM_ACT * _SIZE

_NC, _NS = 2, 16
_CHUNK = _SLAB // 4
_CHUNKS_PER_SLAB = _SLAB // _CHUNK
_GROUP = _NS * _CHUNK
_ROUNDS = _N // (_NC * _GROUP)


def _prep_body(cs_ref, tbl_ref):
    cs = cs_ref[...]
    cs_next = jnp.concatenate([cs[:, 1:], cs[:, _SIZE - 1:]], axis=1)
    slopes = jnp.maximum(cs_next - cs, 0.0)
    col = lax.broadcasted_iota(jnp.int32, (_NUM_ACT, _SIZE), 1)
    slopes = jnp.where((col == 0) | (col >= _SIZE - 2), 0.0, slopes)
    r = lax.broadcasted_iota(jnp.int32, (_SIZE, _SIZE), 0)
    c = lax.broadcasted_iota(jnp.int32, (_SIZE, _SIZE), 1)
    tri = (r < c).astype(jnp.float32)
    new_cs = jnp.dot(slopes, tri, preferred_element_type=jnp.float32)
    centered = new_cs - new_cs[:, _SIZE // 2:_SIZE // 2 + 1]
    a2 = centered + _HALF_GRID
    a2n = jnp.concatenate([a2[:, 1:], a2[:, _SIZE - 1:]], axis=1)
    d = a2n - a2
    ah = lax.bitcast_convert_type(
        a2.astype(jnp.bfloat16).astype(jnp.float32), jnp.int32)
    dh = lax.bitcast_convert_type(
        d.astype(jnp.bfloat16).astype(jnp.float32), jnp.int32)
    tbl_ref[...] = ah | lax.shift_right_logical(dh, 16)


_NSPLIT = 4
_SUB = _GROUP // _NSPLIT


def _scs_body(x_hbm, tbl_hbm, out_hbm, spin, spout,
              in_rdy0, in_rdy1, out_fre0, out_fre1,
              in_fre0, in_fre1, out_rdy0, out_rdy1,
              din0, din1, dout0, dout1):
    cid = lax.axis_index("c")
    in_rdy, out_fre = (in_rdy0, in_rdy1), (out_fre0, out_fre1)
    in_fre, out_rdy = (in_fre0, in_fre1), (out_rdy0, out_rdy1)
    din, dout = (din0, din1), (dout0, dout1)
    base = cid * _ROUNDS * _GROUP

    def bcast(sem, inc):
        for t in range(_NS):
            pltpu.semaphore_signal(sem, inc, device_id={"s": t})

    def in_legs(r, b):
        for j in range(_NSPLIT):
            yield (x_hbm.at[pl.ds(base + r * _GROUP + j * _SUB, _SUB)],
                   spin.at[b, pl.ds(j * _SUB, _SUB)], din[b])

    def out_legs(r, b):
        for j in range(_NSPLIT):
            yield (spout.at[b, pl.ds(j * _SUB, _SUB)],
                   out_hbm.at[pl.ds(base + r * _GROUP + j * _SUB, _SUB)],
                   dout[b])

    def fire(legs):
        for s, d, sem in legs:
            pltpu.async_copy(s, d, sem)

    def drain(legs):
        for s, d, sem in legs:
            pltpu.make_async_copy(s, d, sem).wait()

    bcast(out_fre0, 1)
    bcast(out_fre1, 1)
    fire(in_legs(0, 0))
    fire(in_legs(1, 1))
    drain(in_legs(0, 0))
    bcast(in_rdy0, 1)
    drain(in_legs(1, 1))
    bcast(in_rdy1, 1)

    def pair_body(pr, carry):
        for b in (0, 1):
            r = pr * 2 + b

            @pl.when(r + 2 < _ROUNDS)
            def _():
                pltpu.semaphore_wait(in_fre[b], _NS)
                fire(in_legs(r + 2, b))

            pltpu.semaphore_wait(out_rdy[b], _NS)
            fire(out_legs(r, b))
            drain(out_legs(r, b))
            bcast(out_fre[b], 1)

            @pl.when(r + 2 < _ROUNDS)
            def _():
                drain(in_legs(r + 2, b))
                bcast(in_rdy[b], 1)
        return carry

    lax.fori_loop(0, _ROUNDS // 2, pair_body, jnp.int32(0))
    pltpu.semaphore_wait(in_fre0, _NS)
    pltpu.semaphore_wait(in_fre1, _NS)


def _tec_body(x_hbm, tbl_hbm, out_hbm, spin, spout,
              in_rdy0, in_rdy1, out_fre0, out_fre1,
              in_fre0, in_fre1, out_rdy0, out_rdy1,
              din0, din1, dout0, dout1):
    pl.run_scoped(
        lambda tbl_v, iv: _tec_inner(
            x_hbm, tbl_hbm, out_hbm, tbl_v, iv, spin, spout,
            in_rdy0, in_rdy1, out_fre0, out_fre1,
            in_fre0, in_fre1, out_rdy0, out_rdy1),
        pltpu.VMEM((_TBL,), jnp.int32),
        pltpu.VMEM((_CHUNK,), jnp.float32),
    )


def _tec_inner(x_hbm, tbl_hbm, out_hbm, tbl_v, iv, spin, spout,
               in_rdy0, in_rdy1, out_fre0, out_fre1,
               in_fre0, in_fre1, out_rdy0, out_rdy1):
    cid = lax.axis_index("c")
    sid = lax.axis_index("s")
    in_rdy, out_fre = (in_rdy0, in_rdy1), (out_fre0, out_fre1)
    in_fre, out_rdy = (in_fre0, in_fre1), (out_rdy0, out_rdy1)
    pltpu.sync_copy(tbl_hbm, tbl_v)
    g0 = (cid * _ROUNDS) * _NS + sid

    def pair_body(pr, carry):
        for b in (0, 1):
            r = pr * 2 + b
            g = g0 + r * _NS
            ch = (g // _CHUNKS_PER_SLAB) % _NUM_ACT
            base_v = jnp.full((16,), ch * _SIZE, jnp.int32)
            pltpu.semaphore_wait(in_rdy[b], 1)
            pltpu.sync_copy(spin.at[b, pl.ds(sid * _CHUNK, _CHUNK)], iv)
            pltpu.semaphore_signal(in_fre[b], 1)

            def vbody(i):
                xv = iv[pl.ds(i, 16)]
                u_raw = xv * _INV_GRID + (_SIZE / 2 - 0.5)
                u_cl = jnp.minimum(jnp.maximum(u_raw, 0.0), float(_SIZE - 3))
                iu = u_cl.astype(jnp.int32)
                fr = u_raw - iu.astype(jnp.float32)
                idx = iu + base_v
                w = plsc.load_gather(tbl_v, [idx])
                a2f = plsc.bitcast(w & jnp.int32(-65536), jnp.float32)
                df = plsc.bitcast(lax.shift_left(w, 16), jnp.float32)
                iv[pl.ds(i, 16)] = a2f + fr * df

            plsc.parallel_loop(0, _CHUNK, step=16, unroll=8)(vbody)
            pltpu.semaphore_wait(out_fre[b], 1)
            pltpu.sync_copy(iv, spout.at[b, pl.ds(sid * _CHUNK, _CHUNK)])
            pltpu.semaphore_signal(out_rdy[b], 1)
        return carry

    lax.fori_loop(0, _ROUNDS // 2, pair_body, jnp.int32(0))
    pltpu.semaphore_wait(out_fre0, 1)
    pltpu.semaphore_wait(out_fre1, 1)


def _make_sc():
    smesh = plsc.ScalarSubcoreMesh(axis_name="c", num_cores=_NC)
    vmesh = plsc.VectorSubcoreMesh(
        core_axis_name="c", subcore_axis_name="s",
        num_cores=_NC, num_subcores=_NS)

    def sem(mesh_):
        ref = tpu_core.SemaphoreType.REGULAR(())
        return dataclasses.replace(
            ref, memory_space=pallas_core.CoreMemorySpace(
                tpu_core.MemorySpace.SEMAPHORE, mesh_))

    def dma_sem(mesh_):
        ref = tpu_core.SemaphoreType.DMA(())
        return dataclasses.replace(
            ref, memory_space=pallas_core.CoreMemorySpace(
                tpu_core.MemorySpace.SEMAPHORE, mesh_))

    return mpmd.mpmd_map(
        [(smesh, _scs_body), (vmesh, _tec_body)],
        out_types=jax.ShapeDtypeStruct((_N,), jnp.float32),
        scratch_types=[
            tpu_core.MemorySpace.VMEM_SHARED((2, _GROUP), jnp.float32),
            tpu_core.MemorySpace.VMEM_SHARED((2, _GROUP), jnp.float32),
            sem(vmesh), sem(vmesh), sem(vmesh), sem(vmesh),
            sem(smesh), sem(smesh), sem(smesh), sem(smesh),
            dma_sem(smesh), dma_sem(smesh), dma_sem(smesh), dma_sem(smesh),
        ],
        compiler_params=pltpu.CompilerParams(needs_layout_passes=False),
    )


def kernel(x, coefficients_vect):
    cs = coefficients_vect.reshape(_NUM_ACT, _SIZE)
    tbl = pl.pallas_call(
        _prep_body,
        out_shape=jax.ShapeDtypeStruct((_NUM_ACT, _SIZE), jnp.int32),
    )(cs)
    out_flat = _make_sc()(x.reshape(_N), tbl.reshape(_TBL))
    return out_flat.reshape(x.shape)

# --- scband reference (transcript-rebuilt; emitter-appended) ---
"""Pipeline reference for scband-linear-spline-1236950581328 (READ-ONLY COPY).

The authoritative reference and input builder live on the scoring server;
editing this copy changes nothing except your own understanding.
"""

import jax, jax.numpy as jnp
import numpy as np

NUM_ACT = 192
SIZE = 256
RANGE_ = 4.0
GRID = 2.0 * RANGE_ / (SIZE - 1)
EVEN = (SIZE % 2 == 0)
MONOTONIC = True


def setup_inputs(seed: int = 0) -> dict:
    key = jax.random.key(seed)
    k1, k2 = jax.random.split(key)
    x = jax.random.normal(k1, (2, NUM_ACT, 224, 224), dtype=jnp.float32)
    # learned parameter: spline coefficients, init='relu' on the knot grid (+ small noise)
    grid_tensor = jnp.broadcast_to(jnp.linspace(-RANGE_, RANGE_, SIZE, dtype=jnp.float32), (NUM_ACT, SIZE))
    coeffs = jax.nn.relu(grid_tensor) + 0.01 * jax.random.normal(k2, (NUM_ACT, SIZE), dtype=jnp.float32)
    return {"x": x, "coefficients_vect": coeffs.reshape(-1).astype(jnp.float32)}


def monotonic_clipping(cs):
    new_slopes = jnp.clip(cs[:, 1:] - cs[:, :-1], 0.0, None)
    new_slopes = new_slopes.at[:, 0].set(0.0)
    new_slopes = new_slopes.at[:, -1].set(0.0)
    new_cs = jnp.zeros_like(cs)
    new_cs = new_cs.at[:, 1:].set(jnp.cumsum(new_slopes, axis=1))
    new_cs = new_cs + (-new_cs[:, cs.shape[1] // 2])[:, None]
    return new_cs


def reference(x, coefficients_vect):
    cs = coefficients_vect.reshape(NUM_ACT, SIZE)
    if MONOTONIC:
        cs = monotonic_clipping(cs)
    cv = cs.reshape(-1)
    grid = jnp.float32(GRID)
    zero_knot_indexes = jnp.arange(NUM_ACT, dtype=jnp.int32) * SIZE + SIZE // 2
    max_range = GRID * (SIZE // 2 - 1)
    xx = x
    if EVEN:
        xx = xx - grid / 2
        max_range = GRID * (SIZE // 2 - 2)
    x_clamped = jnp.clip(xx, -(GRID * (SIZE // 2)), max_range)
    floored_x = jnp.floor(x_clamped / grid)
    fracs = xx / grid - floored_x
    indexes = (zero_knot_indexes.reshape(1, -1, 1, 1).astype(jnp.float32) + floored_x).astype(jnp.int32)
    out = jnp.take(cv, indexes + 1) * fracs + jnp.take(cv, indexes) * (1.0 - fracs)
    if EVEN:
        out = out + grid / 2
    return out

if __name__ == "__main__":
    import jax
    _d = setup_inputs()
    print(jax.jit(kernel)(*tuple(_d.values())))

</pallas_src>

<mosaic_0001>
#map = affine_map<(d0) -> (0)>
#map1 = affine_map<(d0, d1) -> (0)>
module attributes {stable_mosaic.version = 14 : i64} {
  func.func @_scs_body(%arg0: i32, %arg1: memref<19267584xf32, #tpu.memory_space<hbm>>, %arg2: memref<49152xi32, #tpu.memory_space<hbm>>, %arg3: memref<19267584xf32, #tpu.memory_space<hbm>>, %arg4: memref<2x200704xf32, #tpu.memory_space<vmem_shared>>, %arg5: memref<2x200704xf32, #tpu.memory_space<vmem_shared>>, %arg6: memref<!tpu.semaphore, #tpu.memory_space<semaphore_mem, sc_vector_subcore>>, %arg7: memref<!tpu.semaphore, #tpu.memory_space<semaphore_mem, sc_vector_subcore>>, %arg8: memref<!tpu.semaphore, #tpu.memory_space<semaphore_mem, sc_vector_subcore>>, %arg9: memref<!tpu.semaphore, #tpu.memory_space<semaphore_mem, sc_vector_subcore>>, %arg10: memref<!tpu.semaphore, #tpu.memory_space<semaphore_mem>>, %arg11: memref<!tpu.semaphore, #tpu.memory_space<semaphore_mem>>, %arg12: memref<!tpu.semaphore, #tpu.memory_space<semaphore_mem>>, %arg13: memref<!tpu.semaphore, #tpu.memory_space<semaphore_mem>>, %arg14: memref<!tpu.dma_semaphore, #tpu.memory_space<semaphore_mem>>, %arg15: memref<!tpu.dma_semaphore, #tpu.memory_space<semaphore_mem>>, %arg16: memref<!tpu.dma_semaphore, #tpu.memory_space<semaphore_mem>>, %arg17: memref<!tpu.dma_semaphore, #tpu.memory_space<semaphore_mem>>) attributes {dimension_semantics = [#tpu.dimension_semantics<core_parallel>], iteration_bounds = array<i64: 2>, scalar_prefetch = 0 : i64, scratch_operands = 14 : i64, tpu.core_type = #tpu.core_type<sc_scalar_subcore>, window_params = [{transform_indices = #map}, {transform_indices = #map}, {transform_indices = #map}]} {
    %mul3A = arith.constant 48 : i32
    %mul3A_0 = arith.muli %arg0, %mul3A : i32
    %mul3A_1 = arith.constant 200704 : i32
    %mul3A_2 = arith.muli %mul3A_0, %mul3A_1 : i32
    %semaphore_signal3A = arith.constant 1 : i32
    %semaphore_signal3A_3 = arith.constant 0 : i32
    tpu.sem_signal %arg8, %semaphore_signal3A core_id %arg0 subcore_id %semaphore_signal3A_3 : memref<!tpu.semaphore, #tpu.memory_space<semaphore_mem, sc_vector_subcore>>
    %semaphore_signal3A_4 = arith.constant 1 : i32
    %semaphore_signal3A_5 = arith.constant 1 : i32
    tpu.sem_signal %arg8, %semaphore_signal3A_4 core_id %arg0 subcore_id %semaphore_signal3A_5 : memref<!tpu.semaphore, #tpu.memory_space<semaphore_mem, sc_vector_subcore>>
    %semaphore_signal3A_6 = arith.constant 1 : i32
    %semaphore_signal3A_7 = arith.constant 2 : i32
    tpu.sem_signal %arg8, %semaphore_signal3A_6 core_id %arg0 subcore_id %semaphore_signal3A_7 : memref<!tpu.semaphore, #tpu.memory_space<semaphore_mem, sc_vector_subcore>>
    %semaphore_signal3A_8 = arith.constant 1 : i32
    %semaphore_signal3A_9 = arith.constant 3 : i32
    tpu.sem_signal %arg8, %semaphore_signal3A_8 core_id %arg0 subcore_id %semaphore_signal3A_9 : memref<!tpu.semaphore, #tpu.memory_space<semaphore_mem, sc_vector_subcore>>
    %semaphore_signal3A_10 = arith.constant 1 : i32
    %semaphore_signal3A_11 = arith.constant 4 : i32
    tpu.sem_signal %arg8, %semaphore_signal3A_10 core_id %arg0 subcore_id %semaphore_signal3A_11 : memref<!tpu.semaphore, #tpu.memory_space<semaphore_mem, sc_vector_subcore>>
    %semaphore_signal3A_12 = arith.constant 1 : i32
    %semaphore_signal3A_13 = arith.constant 5 : i32
    tpu.sem_signal %arg8, %semaphore_signal3A_12 core_id %arg0 subcore_id %semaphore_signal3A_13 : memref<!tpu.semaphore, #tpu.memory_space<semaphore_mem, sc_vector_subcore>>
    %semaphore_signal3A_14 = arith.constant 1 : i32
    %semaphore_signal3A_15 = arith.constant 6 : i32
    tpu.sem_signal %arg8, %semaphore_signal3A_14 core_id %arg0 subcore_id %semaphore_signal3A_15 : memref<!tpu.semaphore, #tpu.memory_space<semaphore_mem, sc_vector_subcore>>
    %semaphore_signal3A_16 = arith.constant 1 : i32
    %semaphore_signal3A_17 = arith.constant 7 : i32
    tpu.sem_signal %arg8, %semaphore_signal3A_16 core_id %arg0 subcore_id %semaphore_signal3A_17 : memref<!tpu.semaphore, #tpu.memory_space<semaphore_mem, sc_vector_subcore>>
    %semaphore_signal3A_18 = arith.constant 1 : i32
    %semaphore_signal3A_19 = arith.constant 8 : i32
    tpu.sem_signal %arg8, %semaphore_signal3A_18 core_id %arg0 subcore_id %semaphore_signal3A_19 : memref<!tpu.semaphore, #tpu.memory_space<semaphore_mem, sc_vector_subcore>>
    %semaphore_signal3A_20 = arith.constant 1 : i32
    %semaphore_signal3A_21 = arith.constant 9 : i32
    tpu.sem_signal %arg8, %semaphore_signal3A_20 core_id %arg0 subcore_id %semaphore_signal3A_21 : memref<!tpu.semaphore, #tpu.memory_space<semaphore_mem, sc_vector_subcore>>
    %semaphore_signal3A_22 = arith.constant 1 : i32
    %semaphore_signal3A_23 = arith.constant 10 : i32
    tpu.sem_signal %arg8, %semaphore_signal3A_22 core_id %arg0 subcore_id %semaphore_signal3A_23 : memref<!tpu.semaphore, #tpu.memory_space<semaphore_mem, sc_vector_subcore>>
    %semaphore_signal3A_24 = arith.constant 1 : i32
    %semaphore_signal3A_25 = arith.constant 11 : i32
    tpu.sem_signal %arg8, %semaphore_signal3A_24 core_id %arg0 subcore_id %semaphore_signal3A_25 : memref<!tpu.semaphore, #tpu.memory_space<semaphore_mem, sc_vector_subcore>>
    %semaphore_signal3A_26 = arith.constant 1 : i32
    %semaphore_signal3A_27 = arith.constant 12 : i32
    tpu.sem_signal %arg8, %semaphore_signal3A_26 core_id %arg0 subcore_id %semaphore_signal3A_27 : memref<!tpu.semaphore, #tpu.memory_space<semaphore_mem, sc_vector_subcore>>
    %semaphore_signal3A_28 = arith.constant 1 : i32
    %semaphore_signal3A_29 = arith.constant 13 : i32
    tpu.sem_signal %arg8, %semaphore_signal3A_28 core_id %arg0 subcore_id %semaphore_signal3A_29 : memref<!tpu.semaphore, #tpu.memory_space<semaphore_mem, sc_vector_subcore>>
    %semaphore_signal3A_30 = arith.constant 1 : i32
    %semaphore_signal3A_31 = arith.constant 14 : i32
    tpu.sem_signal %arg8, %semaphore_signal3A_30 core_id %arg0 subcore_id %semaphore_signal3A_31 : memref<!tpu.semaphore, #tpu.memory_space<semaphore_mem, sc_vector_subcore>>
    %semaphore_signal3A_32 = arith.constant 1 : i32
    %semaphore_signal3A_33 = arith.constant 15 : i32
    tpu.sem_signal %arg8, %semaphore_signal3A_32 core_id %arg0 subcore_id %semaphore_signal3A_33 : memref<!tpu.semaphore, #tpu.memory_space<semaphore_mem, sc_vector_subcore>>
    %semaphore_signal3A_34 = arith.constant 1 : i32
    %semaphore_signal3A_35 = arith.constant 0 : i32
    tpu.sem_signal %arg9, %semaphore_signal3A_34 core_id %arg0 subcore_id %semaphore_signal3A_35 : memref<!tpu.semaphore, #tpu.memory_space<semaphore_mem, sc_vector_subcore>>
    %semaphore_signal3A_36 = arith.constant 1 : i32
    %semaphore_signal3A_37 = arith.constant 1 : i32
    tpu.sem_signal %arg9, %semaphore_signal3A_36 core_id %arg0 subcore_id %semaphore_signal3A_37 : memref<!tpu.semaphore, #tpu.memory_space<semaphore_mem, sc_vector_subcore>>
    %semaphore_signal3A_38 = arith.constant 1 : i32
    %semaphore_signal3A_39 = arith.constant 2 : i32
    tpu.sem_signal %arg9, %semaphore_signal3A_38 core_id %arg0 subcore_id %semaphore_signal3A_39 : memref<!tpu.semaphore, #tpu.memory_space<semaphore_mem, sc_vector_subcore>>
    %semaphore_signal3A_40 = arith.constant 1 : i32
    %semaphore_signal3A_41 = arith.constant 3 : i32
    tpu.sem_signal %arg9, %semaphore_signal3A_40 core_id %arg0 subcore_id %semaphore_signal3A_41 : memref<!tpu.semaphore, #tpu.memory_space<semaphore_mem, sc_vector_subcore>>
    %semaphore_signal3A_42 = arith.constant 1 : i32
    %semaphore_signal3A_43 = arith.constant 4 : i32
    tpu.sem_signal %arg9, %semaphore_signal3A_42 core_id %arg0 subcore_id %semaphore_signal3A_43 : memref<!tpu.semaphore, #tpu.memory_space<semaphore_mem, sc_vector_subcore>>
    %semaphore_signal3A_44 = arith.constant 1 : i32
    %semaphore_signal3A_45 = arith.constant 5 : i32
    tpu.sem_signal %arg9, %semaphore_signal3A_44 core_id %arg0 subcore_id %semaphore_signal3A_45 : memref<!tpu.semaphore, #tpu.memory_space<semaphore_mem, sc_vector_subcore>>
    %semaphore_signal3A_46 = arith.constant 1 : i32
    %semaphore_signal3A_47 = arith.constant 6 : i32
    tpu.sem_signal %arg9, %semaphore_signal3A_46 core_id %arg0 subcore_id %semaphore_signal3A_47 : memref<!tpu.semaphore, #tpu.memory_space<semaphore_mem, sc_vector_subcore>>
    %semaphore_signal3A_48 = arith.constant 1 : i32
    %semaphore_signal3A_49 = arith.constant 7 : i32
    tpu.sem_signal %arg9, %semaphore_signal3A_48 core_id %arg0 subcore_id %semaphore_signal3A_49 : memref<!tpu.semaphore, #tpu.memory_space<semaphore_mem, sc_vector_subcore>>
    %semaphore_signal3A_50 = arith.constant 1 : i32
    %semaphore_signal3A_51 = arith.constant 8 : i32
    tpu.sem_signal %arg9, %semaphore_signal3A_50 core_id %arg0 subcore_id %semaphore_signal3A_51 : memref<!tpu.semaphore, #tpu.memory_space<semaphore_mem, sc_vector_subcore>>
    %semaphore_signal3A_52 = arith.constant 1 : i32
    %semaphore_signal3A_53 = arith.constant 9 : i32
    tpu.sem_signal %arg9, %semaphore_signal3A_52 core_id %arg0 subcore_id %semaphore_signal3A_53 : memref<!tpu.semaphore, #tpu.memory_space<semaphore_mem, sc_vector_subcore>>
    %semaphore_signal3A_54 = arith.constant 1 : i32
    %semaphore_signal3A_55 = arith.constant 10 : i32
    tpu.sem_signal %arg9, %semaphore_signal3A_54 core_id %arg0 subcore_id %semaphore_signal3A_55 : memref<!tpu.semaphore, #tpu.memory_space<semaphore_mem, sc_vector_subcore>>
    %semaphore_signal3A_56 = arith.constant 1 : i32
    %semaphore_signal3A_57 = arith.constant 11 : i32
    tpu.sem_signal %arg9, %semaphore_signal3A_56 core_id %arg0 subcore_id %semaphore_signal3A_57 : memref<!tpu.semaphore, #tpu.memory_space<semaphore_mem, sc_vector_subcore>>
    %semaphore_signal3A_58 = arith.constant 1 : i32
    %semaphore_signal3A_59 = arith.constant 12 : i32
    tpu.sem_signal %arg9, %semaphore_signal3A_58 core_id %arg0 subcore_id %semaphore_signal3A_59 : memref<!tpu.semaphore, #tpu.memory_space<semaphore_mem, sc_vector_subcore>>
    %semaphore_signal3A_60 = arith.constant 1 : i32
    %semaphore_signal3A_61 = arith.constant 13 : i32
    tpu.sem_signal %arg9, %semaphore_signal3A_60 core_id %arg0 subcore_id %semaphore_signal3A_61 : memref<!tpu.semaphore, #tpu.memory_space<semaphore_mem, sc_vector_subcore>>
    %semaphore_signal3A_62 = arith.constant 1 : i32
    %semaphore_signal3A_63 = arith.constant 14 : i32
    tpu.sem_signal %arg9, %semaphore_signal3A_62 core_id %arg0 subcore_id %semaphore_signal3A_63 : memref<!tpu.semaphore, #tpu.memory_space<semaphore_mem, sc_vector_subcore>>
    %semaphore_signal3A_64 = arith.constant 1 : i32
    %semaphore_signal3A_65 = arith.constant 15 : i32
    tpu.sem_signal %arg9, %semaphore_signal3A_64 core_id %arg0 subcore_id %semaphore_signal3A_65 : memref<!tpu.semaphore, #tpu.memory_space<semaphore_mem, sc_vector_subcore>>
    %add3A = arith.constant 0 : i32
    %add3A_66 = arith.addi %mul3A_2, %add3A : i32
    %add3A_67 = arith.constant 0 : i32
    %add3A_68 = arith.addi %add3A_66, %add3A_67 : i32
    %dma_start3A = arith.constant 0 : i32
    %dma_start3A_69 = arith.constant 0 : i32
    %dma_start3A_70 = tpu.memref_slice %arg4[%dma_start3A, %dma_start3A_69] : memref<2x200704xf32, #tpu.memory_space<vmem_shared>> -> memref<1x50176xf32, #tpu.memory_space<vmem_shared>>
    %dma_start3A_71 = tpu.memref_squeeze %dma_start3A_70 : memref<1x50176xf32, #tpu.memory_space<vmem_shared>> -> memref<50176xf32, #tpu.memory_space<vmem_shared>>
    %dma_start3A_72 = tpu.memref_slice %arg1[%add3A_68] : memref<19267584xf32, #tpu.memory_space<hbm>> -> memref<50176xf32, #tpu.memory_space<hbm>>
    tpu.enqueue_dma source(%dma_start3A_72 : memref<50176xf32, #tpu.memory_space<hbm>>) target(%dma_start3A_71 : memref<50176xf32, #tpu.memory_space<vmem_shared>>) target_semaphore(%arg14 : memref<!tpu.dma_semaphore, #tpu.memory_space<semaphore_mem>>)
    %add3A_73 = arith.constant 0 : i32
    %add3A_74 = arith.addi %mul3A_2, %add3A_73 : i32
    %add3A_75 = arith.constant 50176 : i32
    %add3A_76 = arith.addi %add3A_74, %add3A_75 : i32
    %dma_start3A_77 = arith.constant 0 : i32
    %dma_start3A_78 = arith.constant 50176 : i32
    %dma_start3A_79 = tpu.memref_slice %arg4[%dma_start3A_77, %dma_start3A_78] : memref<2x200704xf32, #tpu.memory_space<vmem_shared>> -> memref<1x50176xf32, #tpu.memory_space<vmem_shared>>
    %dma_start3A_80 = tpu.memref_squeeze %dma_start3A_79 : memref<1x50176xf32, #tpu.memory_space<vmem_shared>> -> memref<50176xf32, #tpu.memory_space<vmem_shared>>
    %dma_start3A_81 = tpu.memref_slice %arg1[%add3A_76] : memref<19267584xf32, #tpu.memory_space<hbm>> -> memref<50176xf32, #tpu.memory_space<hbm>>
    tpu.enqueue_dma source(%dma_start3A_81 : memref<50176xf32, #tpu.memory_space<hbm>>) target(%dma_start3A_80 : memref<50176xf32, #tpu.memory_space<vmem_shared>>) target_semaphore(%arg14 : memref<!tpu.dma_semaphore, #tpu.memory_space<semaphore_mem>>)
    %add3A_82 = arith.constant 0 : i32
    %add3A_83 = arith.addi %mul3A_2, %add3A_82 : i32
    %add3A_84 = arith.constant 100352 : i32
    %add3A_85 = arith.addi %add3A_83, %add3A_84 : i32
    %dma_start3A_86 = arith.constant 0 : i32
    %dma_start3A_87 = arith.constant 100352 : i32
    %dma_start3A_88 = tpu.memref_slice %arg4[%dma_start3A_86, %dma_start3A_87] : memref<2x200704xf32, #tpu.memory_space<vmem_shared>> -> memref<1x50176xf32, #tpu.memory_space<vmem_shared>>
    %dma_start3A_89 = tpu.memref_squeeze %dma_start3A_88 : memref<1x50176xf32, #tpu.memory_space<vmem_shared>> -> memref<50176xf32, #tpu.memory_space<vmem_shared>>
    %dma_start3A_90 = tpu.memref_slice %arg1[%add3A_85] : memref<19267584xf32, #tpu.memory_space<hbm>> -> memref<50176xf32, #tpu.memory_space<hbm>>
    tpu.enqueue_dma source(%dma_start3A_90 : memref<50176xf32, #tpu.memory_space<hbm>>) target(%dma_start3A_89 : memref<50176xf32, #tpu.memory_space<vmem_shared>>) target_semaphore(%arg14 : memref<!tpu.dma_semaphore, #tpu.memory_space<semaphore_mem>>)
    %add3A_91 = arith.constant 0 : i32
    %add3A_92 = arith.addi %mul3A_2, %add3A_91 : i32
    %add3A_93 = arith.constant 150528 : i32
    %add3A_94 = arith.addi %add3A_92, %add3A_93 : i32
    %dma_start3A_95 = arith.constant 0 : i32
    %dma_start3A_96 = arith.constant 150528 : i32
    %dma_start3A_97 = tpu.memref_slice %arg4[%dma_start3A_95, %dma_start3A_96] : memref<2x200704xf32, #tpu.memory_space<vmem_shared>> -> memref<1x50176xf32, #tpu.memory_space<vmem_shared>>
    %dma_start3A_98 = tpu.memref_squeeze %dma_start3A_97 : memref<1x50176xf32, #tpu.memory_space<vmem_shared>> -> memref<50176xf32, #tpu.memory_space<vmem_shared>>
    %dma_start3A_99 = tpu.memref_slice %arg1[%add3A_94] : memref<19267584xf32, #tpu.memory_space<hbm>> -> memref<50176xf32, #tpu.memory_space<hbm>>
    tpu.enqueue_dma source(%dma_start3A_99 : memref<50176xf32, #tpu.memory_space<hbm>>) target(%dma_start3A_98 : memref<50176xf32, #tpu.memory_space<vmem_shared>>) target_semaphore(%arg14 : memref<!tpu.dma_semaphore, #tpu.memory_space<semaphore_mem>>)
    %add3A_100 = arith.constant 200704 : i32
    %add3A_101 = arith.addi %mul3A_2, %add3A_100 : i32
    %add3A_102 = arith.constant 0 : i32
    %add3A_103 = arith.addi %add3A_101, %add3A_102 : i32
    %dma_start3A_104 = arith.constant 1 : i32
    %dma_start3A_105 = arith.constant 0 : i32
    %dma_start3A_106 = tpu.memref_slice %arg4[%dma_start3A_104, %dma_start3A_105] : memref<2x200704xf32, #tpu.memory_space<vmem_shared>> -> memref<1x50176xf32, #tpu.memory_space<vmem_shared>>
    %dma_start3A_107 = tpu.memref_squeeze %dma_start3A_106 : memref<1x50176xf32, #tpu.memory_space<vmem_shared>> -> memref<50176xf32, #tpu.memory_space<vmem_shared>>
    %dma_start3A_108 = tpu.memref_slice %arg1[%add3A_103] : memref<19267584xf32, #tpu.memory_space<hbm>> -> memref<50176xf32, #tpu.memory_space<hbm>>
    tpu.enqueue_dma source(%dma_start3A_108 : memref<50176xf32, #tpu.memory_space<hbm>>) target(%dma_start3A_107 : memref<50176xf32, #tpu.memory_space<vmem_shared>>) target_semaphore(%arg15 : memref<!tpu.dma_semaphore, #tpu.memory_space<semaphore_mem>>)
    %add3A_109 = arith.constant 200704 : i32
    %add3A_110 = arith.addi %mul3A_2, %add3A_109 : i32
    %add3A_111 = arith.constant 50176 : i32
    %add3A_112 = arith.addi %add3A_110, %add3A_111 : i32
    %dma_start3A_113 = arith.constant 1 : i32
    %dma_start3A_114 = arith.constant 50176 : i32
    %dma_start3A_115 = tpu.memref_slice %arg4[%dma_start3A_113, %dma_start3A_114] : memref<2x200704xf32, #tpu.memory_space<vmem_shared>> -> memref<1x50176xf32, #tpu.memory_space<vmem_shared>>
    %dma_start3A_116 = tpu.memref_squeeze %dma_start3A_115 : memref<1x50176xf32, #tpu.memory_space<vmem_shared>> -> memref<50176xf32, #tpu.memory_space<vmem_shared>>
    %dma_start3A_117 = tpu.memref_slice %arg1[%add3A_112] : memref<19267584xf32, #tpu.memory_space<hbm>> -> memref<50176xf32, #tpu.memory_space<hbm>>
    tpu.enqueue_dma source(%dma_start3A_117 : memref<50176xf32, #tpu.memory_space<hbm>>) target(%dma_start3A_116 : memref<50176xf32, #tpu.memory_space<vmem_shared>>) target_semaphore(%arg15 : memref<!tpu.dma_semaphore, #tpu.memory_space<semaphore_mem>>)
    %add3A_118 = arith.constant 200704 : i32
    %add3A_119 = arith.addi %mul3A_2, %add3A_118 : i32
    %add3A_120 = arith.constant 100352 : i32
    %add3A_121 = arith.addi %add3A_119, %add3A_120 : i32
    %dma_start3A_122 = arith.constant 1 : i32
    %dma_start3A_123 = arith.constant 100352 : i32
    %dma_start3A_124 = tpu.memref_slice %arg4[%dma_start3A_122, %dma_start3A_123] : memref<2x200704xf32, #tpu.memory_space<vmem_shared>> -> memref<1x50176xf32, #tpu.memory_space<vmem_shared>>
    %dma_start3A_125 = tpu.memref_squeeze %dma_start3A_124 : memref<1x50176xf32, #tpu.memory_space<vmem_shared>> -> memref<50176xf32, #tpu.memory_space<vmem_shared>>
    %dma_start3A_126 = tpu.memref_slice %arg1[%add3A_121] : memref<19267584xf32, #tpu.memory_space<hbm>> -> memref<50176xf32, #tpu.memory_space<hbm>>
    tpu.enqueue_dma source(%dma_start3A_126 : memref<50176xf32, #tpu.memory_space<hbm>>) target(%dma_start3A_125 : memref<50176xf32, #tpu.memory_space<vmem_shared>>) target_semaphore(%arg15 : memref<!tpu.dma_semaphore, #tpu.memory_space<semaphore_mem>>)
    %add3A_127 = arith.constant 200704 : i32
    %add3A_128 = arith.addi %mul3A_2, %add3A_127 : i32
    %add3A_129 = arith.constant 150528 : i32
    %add3A_130 = arith.addi %add3A_128, %add3A_129 : i32
    %dma_start3A_131 = arith.constant 1 : i32
    %dma_start3A_132 = arith.constant 150528 : i32
    %dma_start3A_133 = tpu.memref_slice %arg4[%dma_start3A_131, %dma_start3A_132] : memref<2x200704xf32, #tpu.memory_space<vmem_shared>> -> memref<1x50176xf32, #tpu.memory_space<vmem_shared>>
    %dma_start3A_134 = tpu.memref_squeeze %dma_start3A_133 : memref<1x50176xf32, #tpu.memory_space<vmem_shared>> -> memref<50176xf32, #tpu.memory_space<vmem_shared>>
    %dma_start3A_135 = tpu.memref_slice %arg1[%add3A_130] : memref<19267584xf32, #tpu.memory_space<hbm>> -> memref<50176xf32, #tpu.memory_space<hbm>>
    tpu.enqueue_dma source(%dma_start3A_135 : memref<50176xf32, #tpu.memory_space<hbm>>) target(%dma_start3A_134 : memref<50176xf32, #tpu.memory_space<vmem_shared>>) target_semaphore(%arg15 : memref<!tpu.dma_semaphore, #tpu.memory_space<semaphore_mem>>)
    %add3A_136 = arith.constant 0 : i32
    %add3A_137 = arith.addi %mul3A_2, %add3A_136 : i32
    %add3A_138 = arith.constant 0 : i32
    %add3A_139 = arith.addi %add3A_137, %add3A_138 : i32
    %dma_wait3A = arith.constant 0 : i32
    %dma_wait3A_140 = arith.constant 0 : i32
    %dma_wait3A_141 = tpu.memref_slice %arg4[%dma_wait3A, %dma_wait3A_140] : memref<2x200704xf32, #tpu.memory_space<vmem_shared>> -> memref<1x50176xf32, #tpu.memory_space<vmem_shared>>
    %dma_wait3A_142 = tpu.memref_squeeze %dma_wait3A_141 : memref<1x50176xf32, #tpu.memory_space<vmem_shared>> -> memref<50176xf32, #tpu.memory_space<vmem_shared>>
    %dma_wait3A_143 = tpu.memref_slice %arg1[%add3A_139] : memref<19267584xf32, #tpu.memory_space<hbm>> -> memref<50176xf32, #tpu.memory_space<hbm>>
    tpu.wait_dma2 semaphore(%arg14 : memref<!tpu.dma_semaphore, #tpu.memory_space<semaphore_mem>>) src(%dma_wait3A_143 : memref<50176xf32, #tpu.memory_space<hbm>>) dst(%dma_wait3A_142 : memref<50176xf32, #tpu.memory_space<vmem_shared>>)
    %add3A_144 = arith.constant 0 : i32
    %add3A_145 = arith.addi %mul3A_2, %add3A_144 : i32
    %add3A_146 = arith.constant 50176 : i32
    %add3A_147 = arith.addi %add3A_145, %add3A_146 : i32
    %dma_wait3A_148 = arith.constant 0 : i32
    %dma_wait3A_149 = arith.constant 50176 : i32
    %dma_wait3A_150 = tpu.memref_slice %arg4[%dma_wait3A_148, %dma_wait3A_149] : memref<2x200704xf32, #tpu.memory_space<vmem_shared>> -> memref<1x50176xf32, #tpu.memory_space<vmem_shared>>
    %dma_wait3A_151 = tpu.memref_squeeze %dma_wait3A_150 : memref<1x50176xf32, #tpu.memory_space<vmem_shared>> -> memref<50176xf32, #tpu.memory_space<vmem_shared>>
    %dma_wait3A_152 = tpu.memref_slice %arg1[%add3A_147] : memref<19267584xf32, #tpu.memory_space<hbm>> -> memref<50176xf32, #tpu.memory_space<hbm>>
    tpu.wait_dma2 semaphore(%arg14 : memref<!tpu.dma_semaphore, #tpu.memory_space<semaphore_mem>>) src(%dma_wait3A_152 : memref<50176xf32, #tpu.memory_space<hbm>>) dst(%dma_wait3A_151 : memref<50176xf32, #tpu.memory_space<vmem_shared>>)
    %add3A_153 = arith.constant 0 : i32
    %add3A_154 = arith.addi %mul3A_2, %add3A_153 : i32
    %add3A_155 = arith.constant 100352 : i32
    %add3A_156 = arith.addi %add3A_154, %add3A_155 : i32
    %dma_wait3A_157 = arith.constant 0 : i32
    %dma_wait3A_158 = arith.constant 100352 : i32
    %dma_wait3A_159 = tpu.memref_slice %arg4[%dma_wait3A_157, %dma_wait3A_158] : memref<2x200704xf32, #tpu.memory_space<vmem_shared>> -> memref<1x50176xf32, #tpu.memory_space<vmem_shared>>
    %dma_wait3A_160 = tpu.memref_squeeze %dma_wait3A_159 : memref<1x50176xf32, #tpu.memory_space<vmem_shared>> -> memref<50176xf32, #tpu.memory_space<vmem_shared>>
    %dma_wait3A_161 = tpu.memref_slice %arg1[%add3A_156] : memref<19267584xf32, #tpu.memory_space<hbm>> -> memref<50176xf32, #tpu.memory_space<hbm>>
    tpu.wait_dma2 semaphore(%arg14 : memref<!tpu.dma_semaphore, #tpu.memory_space<semaphore_mem>>) src(%dma_wait3A_161 : memref<50176xf32, #tpu.memory_space<hbm>>) dst(%dma_wait3A_160 : memref<50176xf32, #tpu.memory_space<vmem_shared>>)
    %add3A_162 = arith.constant 0 : i32
    %add3A_163 = arith.addi %mul3A_2, %add3A_162 : i32
    %add3A_164 = arith.constant 150528 : i32
    %add3A_165 = arith.addi %add3A_163, %add3A_164 : i32
    %dma_wait3A_166 = arith.constant 0 : i32
    %dma_wait3A_167 = arith.constant 150528 : i32
    %dma_wait3A_168 = tpu.memref_slice %arg4[%dma_wait3A_166, %dma_wait3A_167] : memref<2x200704xf32, #tpu.memory_space<vmem_shared>> -> memref<1x50176xf32, #tpu.memory_space<vmem_shared>>
    %dma_wait3A_169 = tpu.memref_squeeze %dma_wait3A_168 : memref<1x50176xf32, #tpu.memory_space<vmem_shared>> -> memref<50176xf32, #tpu.memory_space<vmem_shared>>
    %dma_wait3A_170 = tpu.memref_slice %arg1[%add3A_165] : memref<19267584xf32, #tpu.memory_space<hbm>> -> memref<50176xf32, #tpu.memory_space<hbm>>
    tpu.wait_dma2 semaphore(%arg14 : memref<!tpu.dma_semaphore, #tpu.memory_space<semaphore_mem>>) src(%dma_wait3A_170 : memref<50176xf32, #tpu.memory_space<hbm>>) dst(%dma_wait3A_169 : memref<50176xf32, #tpu.memory_space<vmem_shared>>)
    %semaphore_signal3A_171 = arith.constant 1 : i32
    %semaphore_signal3A_172 = arith.constant 0 : i32
    tpu.sem_signal %arg6, %semaphore_signal3A_171 core_id %arg0 subcore_id %semaphore_signal3A_172 : memref<!tpu.semaphore, #tpu.memory_space<semaphore_mem, sc_vector_subcore>>
    %semaphore_signal3A_173 = arith.constant 1 : i32
    %semaphore_signal3A_174 = arith.constant 1 : i32
    tpu.sem_signal %arg6, %semaphore_signal3A_173 core_id %arg0 subcore_id %semaphore_signal3A_174 : memref<!tpu.semaphore, #tpu.memory_space<semaphore_mem, sc_vector_subcore>>
    %semaphore_signal3A_175 = arith.constant 1 : i32
    %semaphore_signal3A_176 = arith.constant 2 : i32
    tpu.sem_signal %arg6, %semaphore_signal3A_175 core_id %arg0 subcore_id %semaphore_signal3A_176 : memref<!tpu.semaphore, #tpu.memory_space<semaphore_mem, sc_vector_subcore>>
    %semaphore_signal3A_177 = arith.constant 1 : i32
    %semaphore_signal3A_178 = arith.constant 3 : i32
    tpu.sem_signal %arg6, %semaphore_signal3A_177 core_id %arg0 subcore_id %semaphore_signal3A_178 : memref<!tpu.semaphore, #tpu.memory_space<semaphore_mem, sc_vector_subcore>>
    %semaphore_signal3A_179 = arith.constant 1 : i32
    %semaphore_signal3A_180 = arith.constant 4 : i32
    tpu.sem_signal %arg6, %semaphore_signal3A_179 core_id %arg0 subcore_id %semaphore_signal3A_180 : memref<!tpu.semaphore, #tpu.memory_space<semaphore_mem, sc_vector_subcore>>
    %semaphore_signal3A_181 = arith.constant 1 : i32
    %semaphore_signal3A_182 = arith.constant 5 : i32
    tpu.sem_signal %arg6, %semaphore_signal3A_181 core_id %arg0 subcore_id %semaphore_signal3A_182 : memref<!tpu.semaphore, #tpu.memory_space<semaphore_mem, sc_vector_subcore>>
    %semaphore_signal3A_183 = arith.constant 1 : i32
    %semaphore_signal3A_184 = arith.constant 6 : i32
    tpu.sem_signal %arg6, %semaphore_signal3A_183 core_id %arg0 subcore_id %semaphore_signal3A_184 : memref<!tpu.semaphore, #tpu.memory_space<semaphore_mem, sc_vector_subcore>>
    %semaphore_signal3A_185 = arith.constant 1 : i32
    %semaphore_signal3A_186 = arith.constant 7 : i32
    tpu.sem_signal %arg6, %semaphore_signal3A_185 core_id %arg0 subcore_id %semaphore_signal3A_186 : memref<!tpu.semaphore, #tpu.memory_space<semaphore_mem, sc_vector_subcore>>
    %semaphore_signal3A_187 = arith.constant 1 : i32
    %semaphore_signal3A_188 = arith.constant 8 : i32
    tpu.sem_signal %arg6, %semaphore_signal3A_187 core_id %arg0 subcore_id %semaphore_signal3A_188 : memref<!tpu.semaphore, #tpu.memory_space<semaphore_mem, sc_vector_subcore>>
    %semaphore_signal3A_189 = arith.constant 1 : i32
    %semaphore_signal3A_190 = arith.constant 9 : i32
    tpu.sem_signal %arg6, %semaphore_signal3A_189 core_id %arg0 subcore_id %semaphore_signal3A_190 : memref<!tpu.semaphore, #tpu.memory_space<semaphore_mem, sc_vector_subcore>>
    %semaphore_signal3A_191 = arith.constant 1 : i32
    %semaphore_signal3A_192 = arith.constant 10 : i32
    tpu.sem_signal %arg6, %semaphore_signal3A_191 core_id %arg0 subcore_id %semaphore_signal3A_192 : memref<!tpu.semaphore, #tpu.memory_space<semaphore_mem, sc_vector_subcore>>
    %semaphore_signal3A_193 = arith.constant 1 : i32
    %semaphore_signal3A_194 = arith.constant 11 : i32
    tpu.sem_signal %arg6, %semaphore_signal3A_193 core_id %arg0 subcore_id %semaphore_signal3A_194 : memref<!tpu.semaphore, #tpu.memory_space<semaphore_mem, sc_vector_subcore>>
    %semaphore_signal3A_195 = arith.constant 1 : i32
    %semaphore_signal3A_196 = arith.constant 12 : i32
    tpu.sem_signal %arg6, %semaphore_signal3A_195 core_id %arg0 subcore_id %semaphore_signal3A_196 : memref<!tpu.semaphore, #tpu.memory_space<semaphore_mem, sc_vector_subcore>>
    %semaphore_signal3A_197 = arith.constant 1 : i32
    %semaphore_signal3A_198 = arith.constant 13 : i32
    tpu.sem_signal %arg6, %semaphore_signal3A_197 core_id %arg0 subcore_id %semaphore_signal3A_198 : memref<!tpu.semaphore, #tpu.memory_space<semaphore_mem, sc_vector_subcore>>
    %semaphore_signal3A_199 = arith.constant 1 : i32
    %semaphore_signal3A_200 = arith.constant 14 : i32
    tpu.sem_signal %arg6, %semaphore_signal3A_199 core_id %arg0 subcore_id %semaphore_signal3A_200 : memref<!tpu.semaphore, #tpu.memory_space<semaphore_mem, sc_vector_subcore>>
    %semaphore_signal3A_201 = arith.constant 1 : i32
    %semaphore_signal3A_202 = arith.constant 15 : i32
    tpu.sem_signal %arg6, %semaphore_signal3A_201 core_id %arg0 subcore_id %semaphore_signal3A_202 : memref<!tpu.semaphore, #tpu.memory_space<semaphore_mem, sc_vector_subcore>>
    %add3A_203 = arith.constant 200704 : i32
    %add3A_204 = arith.addi %mul3A_2, %add3A_203 : i32
    %add3A_205 = arith.constant 0 : i32
    %add3A_206 = arith.addi %add3A_204, %add3A_205 : i32
    %dma_wait3A_207 = arith.constant 1 : i32
    %dma_wait3A_208 = arith.constant 0 : i32
    %dma_wait3A_209 = tpu.memref_slice %arg4[%dma_wait3A_207, %dma_wait3A_208] : memref<2x200704xf32, #tpu.memory_space<vmem_shared>> -> memref<1x50176xf32, #tpu.memory_space<vmem_shared>>
    %dma_wait3A_210 = tpu.memref_squeeze %dma_wait3A_209 : memref<1x50176xf32, #tpu.memory_space<vmem_shared>> -> memref<50176xf32, #tpu.memory_space<vmem_shared>>
    %dma_wait3A_211 = tpu.memref_slice %arg1[%add3A_206] : memref<19267584xf32, #tpu.memory_space<hbm>> -> memref<50176xf32, #tpu.memory_space<hbm>>
    tpu.wait_dma2 semaphore(%arg15 : memref<!tpu.dma_semaphore, #tpu.memory_space<semaphore_mem>>) src(%dma_wait3A_211 : memref<50176xf32, #tpu.memory_space<hbm>>) dst(%dma_wait3A_210 : memref<50176xf32, #tpu.memory_space<vmem_shared>>)
    %add3A_212 = arith.constant 200704 : i32
    %add3A_213 = arith.addi %mul3A_2, %add3A_212 : i32
    %add3A_214 = arith.constant 50176 : i32
    %add3A_215 = arith.addi %add3A_213, %add3A_214 : i32
    %dma_wait3A_216 = arith.constant 1 : i32
    %dma_wait3A_217 = arith.constant 50176 : i32
    %dma_wait3A_218 = tpu.memref_slice %arg4[%dma_wait3A_216, %dma_wait3A_217] : memref<2x200704xf32, #tpu.memory_space<vmem_shared>> -> memref<1x50176xf32, #tpu.memory_space<vmem_shared>>
    %dma_wait3A_219 = tpu.memref_squeeze %dma_wait3A_218 : memref<1x50176xf32, #tpu.memory_space<vmem_shared>> -> memref<50176xf32, #tpu.memory_space<vmem_shared>>
    %dma_wait3A_220 = tpu.memref_slice %arg1[%add3A_215] : memref<19267584xf32, #tpu.memory_space<hbm>> -> memref<50176xf32, #tpu.memory_space<hbm>>
    tpu.wait_dma2 semaphore(%arg15 : memref<!tpu.dma_semaphore, #tpu.memory_space<semaphore_mem>>) src(%dma_wait3A_220 : memref<50176xf32, #tpu.memory_space<hbm>>) dst(%dma_wait3A_219 : memref<50176xf32, #tpu.memory_space<vmem_shared>>)
    %add3A_221 = arith.constant 200704 : i32
    %add3A_222 = arith.addi %mul3A_2, %add3A_221 : i32
    %add3A_223 = arith.constant 100352 : i32
    %add3A_224 = arith.addi %add3A_222, %add3A_223 : i32
    %dma_wait3A_225 = arith.constant 1 : i32
    %dma_wait3A_226 = arith.constant 100352 : i32
    %dma_wait3A_227 = tpu.memref_slice %arg4[%dma_wait3A_225, %dma_wait3A_226] : memref<2x200704xf32, #tpu.memory_space<vmem_shared>> -> memref<1x50176xf32, #tpu.memory_space<vmem_shared>>
    %dma_wait3A_228 = tpu.memref_squeeze %dma_wait3A_227 : memref<1x50176xf32, #tpu.memory_space<vmem_shared>> -> memref<50176xf32, #tpu.memory_space<vmem_shared>>
    %dma_wait3A_229 = tpu.memref_slice %arg1[%add3A_224] : memref<19267584xf32, #tpu.memory_space<hbm>> -> memref<50176xf32, #tpu.memory_space<hbm>>
    tpu.wait_dma2 semaphore(%arg15 : memref<!tpu.dma_semaphore, #tpu.memory_space<semaphore_mem>>) src(%dma_wait3A_229 : memref<50176xf32, #tpu.memory_space<hbm>>) dst(%dma_wait3A_228 : memref<50176xf32, #tpu.memory_space<vmem_shared>>)
    %add3A_230 = arith.constant 200704 : i32
    %add3A_231 = arith.addi %mul3A_2, %add3A_230 : i32
    %add3A_232 = arith.constant 150528 : i32
    %add3A_233 = arith.addi %add3A_231, %add3A_232 : i32
    %dma_wait3A_234 = arith.constant 1 : i32
    %dma_wait3A_235 = arith.constant 150528 : i32
    %dma_wait3A_236 = tpu.memref_slice %arg4[%dma_wait3A_234, %dma_wait3A_235] : memref<2x200704xf32, #tpu.memory_space<vmem_shared>> -> memref<1x50176xf32, #tpu.memory_space<vmem_shared>>
    %dma_wait3A_237 = tpu.memref_squeeze %dma_wait3A_236 : memref<1x50176xf32, #tpu.memory_space<vmem_shared>> -> memref<50176xf32, #tpu.memory_space<vmem_shared>>
    %dma_wait3A_238 = tpu.memref_slice %arg1[%add3A_233] : memref<19267584xf32, #tpu.memory_space<hbm>> -> memref<50176xf32, #tpu.memory_space<hbm>>
    tpu.wait_dma2 semaphore(%arg15 : memref<!tpu.dma_semaphore, #tpu.memory_space<semaphore_mem>>) src(%dma_wait3A_238 : memref<50176xf32, #tpu.memory_space<hbm>>) dst(%dma_wait3A_237 : memref<50176xf32, #tpu.memory_space<vmem_shared>>)
    %semaphore_signal3A_239 = arith.constant 1 : i32
    %semaphore_signal3A_240 = arith.constant 0 : i32
    tpu.sem_signal %arg7, %semaphore_signal3A_239 core_id %arg0 subcore_id %semaphore_signal3A_240 : memref<!tpu.semaphore, #tpu.memory_space<semaphore_mem, sc_vector_subcore>>
    %semaphore_signal3A_241 = arith.constant 1 : i32
    %semaphore_signal3A_242 = arith.constant 1 : i32
    tpu.sem_signal %arg7, %semaphore_signal3A_241 core_id %arg0 subcore_id %semaphore_signal3A_242 : memref<!tpu.semaphore, #tpu.memory_space<semaphore_mem, sc_vector_subcore>>
    %semaphore_signal3A_243 = arith.constant 1 : i32
    %semaphore_signal3A_244 = arith.constant 2 : i32
    tpu.sem_signal %arg7, %semaphore_signal3A_243 core_id %arg0 subcore_id %semaphore_signal3A_244 : memref<!tpu.semaphore, #tpu.memory_space<semaphore_mem, sc_vector_subcore>>
    %semaphore_signal3A_245 = arith.constant 1 : i32
    %semaphore_signal3A_246 = arith.constant 3 : i32
    tpu.sem_signal %arg7, %semaphore_signal3A_245 core_id %arg0 subcore_id %semaphore_signal3A_246 : memref<!tpu.semaphore, #tpu.memory_space<semaphore_mem, sc_vector_subcore>>
    %semaphore_signal3A_247 = arith.constant 1 : i32
    %semaphore_signal3A_248 = arith.constant 4 : i32
    tpu.sem_signal %arg7, %semaphore_signal3A_247 core_id %arg0 subcore_id %semaphore_signal3A_248 : memref<!tpu.semaphore, #tpu.memory_space<semaphore_mem, sc_vector_subcore>>
    %semaphore_signal3A_249 = arith.constant 1 : i32
    %semaphore_signal3A_250 = arith.constant 5 : i32
    tpu.sem_signal %arg7, %semaphore_signal3A_249 core_id %arg0 subcore_id %semaphore_signal3A_250 : memref<!tpu.semaphore, #tpu.memory_space<semaphore_mem, sc_vector_subcore>>
    %semaphore_signal3A_251 = arith.constant 1 : i32
    %semaphore_signal3A_252 = arith.constant 6 : i32
    tpu.sem_signal %arg7, %semaphore_signal3A_251 core_id %arg0 subcore_id %semaphore_signal3A_252 : memref<!tpu.semaphore, #tpu.memory_space<semaphore_mem, sc_vector_subcore>>
    %semaphore_signal3A_253 = arith.constant 1 : i32
    %semaphore_signal3A_254 = arith.constant 7 : i32
    tpu.sem_signal %arg7, %semaphore_signal3A_253 core_id %arg0 subcore_id %semaphore_signal3A_254 : memref<!tpu.semaphore, #tpu.memory_space<semaphore_mem, sc_vector_subcore>>
    %semaphore_signal3A_255 = arith.constant 1 : i32
    %semaphore_signal3A_256 = arith.constant 8 : i32
    tpu.sem_signal %arg7, %semaphore_signal3A_255 core_id %arg0 subcore_id %semaphore_signal3A_256 : memref<!tpu.semaphore, #tpu.memory_space<semaphore_mem, sc_vector_subcore>>
    %semaphore_signal3A_257 = arith.constant 1 : i32
    %semaphore_signal3A_258 = arith.constant 9 : i32
    tpu.sem_signal %arg7, %semaphore_signal3A_257 core_id %arg0 subcore_id %semaphore_signal3A_258 : memref<!tpu.semaphore, #tpu.memory_space<semaphore_mem, sc_vector_subcore>>
    %semaphore_signal3A_259 = arith.constant 1 : i32
    %semaphore_signal3A_260 = arith.constant 10 : i32
    tpu.sem_signal %arg7, %semaphore_signal3A_259 core_id %arg0 subcore_id %semaphore_signal3A_260 : memref<!tpu.semaphore, #tpu.memory_space<semaphore_mem, sc_vector_subcore>>
    %semaphore_signal3A_261 = arith.constant 1 : i32
    %semaphore_signal3A_262 = arith.constant 11 : i32
    tpu.sem_signal %arg7, %semaphore_signal3A_261 core_id %arg0 subcore_id %semaphore_signal3A_262 : memref<!tpu.semaphore, #tpu.memory_space<semaphore_mem, sc_vector_subcore>>
    %semaphore_signal3A_263 = arith.constant 1 : i32
    %semaphore_signal3A_264 = arith.constant 12 : i32
    tpu.sem_signal %arg7, %semaphore_signal3A_263 core_id %arg0 subcore_id %semaphore_signal3A_264 : memref<!tpu.semaphore, #tpu.memory_space<semaphore_mem, sc_vector_subcore>>
    %semaphore_signal3A_265 = arith.constant 1 : i32
    %semaphore_signal3A_266 = arith.constant 13 : i32
    tpu.sem_signal %arg7, %semaphore_signal3A_265 core_id %arg0 subcore_id %semaphore_signal3A_266 : memref<!tpu.semaphore, #tpu.memory_space<semaphore_mem, sc_vector_subcore>>
    %semaphore_signal3A_267 = arith.constant 1 : i32
    %semaphore_signal3A_268 = arith.constant 14 : i32
    tpu.sem_signal %arg7, %semaphore_signal3A_267 core_id %arg0 subcore_id %semaphore_signal3A_268 : memref<!tpu.semaphore, #tpu.memory_space<semaphore_mem, sc_vector_subcore>>
    %semaphore_signal3A_269 = arith.constant 1 : i32
    %semaphore_signal3A_270 = arith.constant 15 : i32
    tpu.sem_signal %arg7, %semaphore_signal3A_269 core_id %arg0 subcore_id %semaphore_signal3A_270 : memref<!tpu.semaphore, #tpu.memory_space<semaphore_mem, sc_vector_subcore>>
    %scan3A = arith.constant 0 : i32
    %scan3A_271 = arith.constant 0 : i32
    %scan3A_272 = arith.constant 24 : i32
    %scan3A_273 = arith.addi %scan3A_271, %scan3A_272 : i32
    %scan3A_274 = arith.constant 1 : i32
    scf.for %scan3A_279 = %scan3A_271 to %scan3A_273 step %scan3A_274  : i32 {
      %mul3A_280 = arith.constant 2 : i32
      %mul3A_281 = arith.muli %scan3A_279, %mul3A_280 : i32
      %add3A_282 = arith.constant 0 : i32
      %add3A_283 = arith.addi %mul3A_281, %add3A_282 : i32
      %add3A_284 = arith.constant 2 : i32
      %add3A_285 = arith.addi %add3A_283, %add3A_284 : i32
      %lt3A = arith.constant 48 : i32
      %lt3A_286 = arith.cmpi slt, %add3A_285, %lt3A : i32
      %convert_element_type3A = arith.extui %lt3A_286 : i1 to i32
      %cond3A = arith.constant 0 : i32
      %cond3A_287 = arith.cmpi ne, %convert_element_type3A, %cond3A : i32
      scf.if %cond3A_287 {
        %semaphore_wait3A_541 = arith.constant 16 : i32
        %semaphore_wait3A_542 = arith.constant true
        tpu.sem_wait %arg10, %semaphore_wait3A_541 : memref<!tpu.semaphore, #tpu.memory_space<semaphore_mem>>
        %add3A_543 = arith.constant 2 : i32
        %add3A_544 = arith.addi %add3A_283, %add3A_543 : i32
        %mul3A_545 = arith.constant 200704 : i32
        %mul3A_546 = arith.muli %add3A_544, %mul3A_545 : i32
        %add3A_547 = arith.addi %mul3A_2, %mul3A_546 : i32
        %add3A_548 = arith.constant 0 : i32
        %add3A_549 = arith.addi %add3A_547, %add3A_548 : i32
        %dma_start3A_550 = arith.constant 0 : i32
        %dma_start3A_551 = arith.constant 0 : i32
        %dma_start3A_552 = tpu.memref_slice %arg4[%dma_start3A_550, %dma_start3A_551] : memref<2x200704xf32, #tpu.memory_space<vmem_shared>> -> memref<1x50176xf32, #tpu.memory_space<vmem_shared>>
        %dma_start3A_553 = tpu.memref_squeeze %dma_start3A_552 : memref<1x50176xf32, #tpu.memory_space<vmem_shared>> -> memref<50176xf32, #tpu.memory_space<vmem_shared>>
        %dma_start3A_554 = tpu.memref_slice %arg1[%add3A_549] : memref<19267584xf32, #tpu.memory_space<hbm>> -> memref<50176xf32, #tpu.memory_space<hbm>>
        tpu.enqueue_dma source(%dma_start3A_554 : memref<50176xf32, #tpu.memory_space<hbm>>) target(%dma_start3A_553 : memref<50176xf32, #tpu.memory_space<vmem_shared>>) target_semaphore(%arg14 : memref<!tpu.dma_semaphore, #tpu.memory_space<semaphore_mem>>)
        %mul3A_555 = arith.constant 200704 : i32
        %mul3A_556 = arith.muli %add3A_544, %mul3A_555 : i32
        %add3A_557 = arith.addi %mul3A_2, %mul3A_556 : i32
        %add3A_558 = arith.constant 50176 : i32
        %add3A_559 = arith.addi %add3A_557, %add3A_558 : i32
        %dma_start3A_560 = arith.constant 0 : i32
        %dma_start3A_561 = arith.constant 50176 : i32
        %dma_start3A_562 = tpu.memref_slice %arg4[%dma_start3A_560, %dma_start3A_561] : memref<2x200704xf32, #tpu.memory_space<vmem_shared>> -> memref<1x50176xf32, #tpu.memory_space<vmem_shared>>
        %dma_start3A_563 = tpu.memref_squeeze %dma_start3A_562 : memref<1x50176xf32, #tpu.memory_space<vmem_shared>> -> memref<50176xf32, #tpu.memory_space<vmem_shared>>
        %dma_start3A_564 = tpu.memref_slice %arg1[%add3A_559] : memref<19267584xf32, #tpu.memory_space<hbm>> -> memref<50176xf32, #tpu.memory_space<hbm>>
        tpu.enqueue_dma source(%dma_start3A_564 : memref<50176xf32, #tpu.memory_space<hbm>>) target(%dma_start3A_563 : memref<50176xf32, #tpu.memory_space<vmem_shared>>) target_semaphore(%arg14 : memref<!tpu.dma_semaphore, #tpu.memory_space<semaphore_mem>>)
        %mul3A_565 = arith.constant 200704 : i32
        %mul3A_566 = arith.muli %add3A_544, %mul3A_565 : i32
        %add3A_567 = arith.addi %mul3A_2, %mul3A_566 : i32
        %add3A_568 = arith.constant 100352 : i32
        %add3A_569 = arith.addi %add3A_567, %add3A_568 : i32
        %dma_start3A_570 = arith.constant 0 : i32
        %dma_start3A_571 = arith.constant 100352 : i32
        %dma_start3A_572 = tpu.memref_slice %arg4[%dma_start3A_570, %dma_start3A_571] : memref<2x200704xf32, #tpu.memory_space<vmem_shared>> -> memref<1x50176xf32, #tpu.memory_space<vmem_shared>>
        %dma_start3A_573 = tpu.memref_squeeze %dma_start3A_572 : memref<1x50176xf32, #tpu.memory_space<vmem_shared>> -> memref<50176xf32, #tpu.memory_space<vmem_shared>>
        %dma_start3A_574 = tpu.memref_slice %arg1[%add3A_569] : memref<19267584xf32, #tpu.memory_space<hbm>> -> memref<50176xf32, #tpu.memory_space<hbm>>
        tpu.enqueue_dma source(%dma_start3A_574 : memref<50176xf32, #tpu.memory_space<hbm>>) target(%dma_start3A_573 : memref<50176xf32, #tpu.memory_space<vmem_shared>>) target_semaphore(%arg14 : memref<!tpu.dma_semaphore, #tpu.memory_space<semaphore_mem>>)
        %mul3A_575 = arith.constant 200704 : i32
        %mul3A_576 = arith.muli %add3A_544, %mul3A_575 : i32
        %add3A_577 = arith.addi %mul3A_2, %mul3A_576 : i32
        %add3A_578 = arith.constant 150528 : i32
        %add3A_579 = arith.addi %add3A_577, %add3A_578 : i32
        %dma_start3A_580 = arith.constant 0 : i32
        %dma_start3A_581 = arith.constant 150528 : i32
        %dma_start3A_582 = tpu.memref_slice %arg4[%dma_start3A_580, %dma_start3A_581] : memref<2x200704xf32, #tpu.memory_space<vmem_shared>> -> memref<1x50176xf32, #tpu.memory_space<vmem_shared>>
        %dma_start3A_583 = tpu.memref_squeeze %dma_start3A_582 : memref<1x50176xf32, #tpu.memory_space<vmem_shared>> -> memref<50176xf32, #tpu.memory_space<vmem_shared>>
        %dma_start3A_584 = tpu.memref_slice %arg1[%add3A_579] : memref<19267584xf32, #tpu.memory_space<hbm>> -> memref<50176xf32, #tpu.memory_space<hbm>>
        tpu.enqueue_dma source(%dma_start3A_584 : memref<50176xf32, #tpu.memory_space<hbm>>) target(%dma_start3A_583 : memref<50176xf32, #tpu.memory_space<vmem_shared>>) target_semaphore(%arg14 : memref<!tpu.dma_semaphore, #tpu.memory_space<semaphore_mem>>)
      } else {
      }
      %semaphore_wait3A_288 = arith.constant 16 : i32
      %semaphore_wait3A_289 = arith.constant true
      tpu.sem_wait %arg12, %semaphore_wait3A_288 : memref<!tpu.semaphore, #tpu.memory_space<semaphore_mem>>
      %mul3A_290 = arith.constant 200704 : i32
      %mul3A_291 = arith.muli %add3A_283, %mul3A_290 : i32
      %add3A_292 = arith.addi %mul3A_2, %mul3A_291 : i32
      %add3A_293 = arith.constant 0 : i32
      %add3A_294 = arith.addi %add3A_292, %add3A_293 : i32
      %dma_start3A_295 = arith.constant 0 : i32
      %dma_start3A_296 = tpu.memref_slice %arg3[%add3A_294] : memref<19267584xf32, #tpu.memory_space<hbm>> -> memref<50176xf32, #tpu.memory_space<hbm>>
      %dma_start3A_297 = arith.constant 0 : i32
      %dma_start3A_298 = tpu.memref_slice %arg5[%dma_start3A_295, %dma_start3A_297] : memref<2x200704xf32, #tpu.memory_space<vmem_shared>> -> memref<1x50176xf32, #tpu.memory_space<vmem_shared>>
      %dma_start3A_299 = tpu.memref_squeeze %dma_start3A_298 : memref<1x50176xf32, #tpu.memory_space<vmem_shared>> -> memref<50176xf32, #tpu.memory_space<vmem_shared>>
      tpu.enqueue_dma source(%dma_start3A_299 : memref<50176xf32, #tpu.memory_space<vmem_shared>>) target(%dma_start3A_296 : memref<50176xf32, #tpu.memory_space<hbm>>) target_semaphore(%arg16 : memref<!tpu.dma_semaphore, #tpu.memory_space<semaphore_mem>>)
      %mul3A_300 = arith.constant 200704 : i32
      %mul3A_301 = arith.muli %add3A_283, %mul3A_300 : i32
      %add3A_302 = arith.addi %mul3A_2, %mul3A_301 : i32
      %add3A_303 = arith.constant 50176 : i32
      %add3A_304 = arith.addi %add3A_302, %add3A_303 : i32
      %dma_start3A_305 = arith.constant 0 : i32
      %dma_start3A_306 = tpu.memref_slice %arg3[%add3A_304] : memref<19267584xf32, #tpu.memory_space<hbm>> -> memref<50176xf32, #tpu.memory_space<hbm>>
      %dma_start3A_307 = arith.constant 50176 : i32
      %dma_start3A_308 = tpu.memref_slice %arg5[%dma_start3A_305, %dma_start3A_307] : memref<2x200704xf32, #tpu.memory_space<vmem_shared>> -> memref<1x50176xf32, #tpu.memory_space<vmem_shared>>
      %dma_start3A_309 = tpu.memref_squeeze %dma_start3A_308 : memref<1x50176xf32, #tpu.memory_space<vmem_shared>> -> memref<50176xf32, #tpu.memory_space<vmem_shared>>
      tpu.enqueue_dma source(%dma_start3A_309 : memref<50176xf32, #tpu.memory_space<vmem_shared>>) target(%dma_start3A_306 : memref<50176xf32, #tpu.memory_space<hbm>>) target_semaphore(%arg16 : memref<!tpu.dma_semaphore, #tpu.memory_space<semaphore_mem>>)
      %mul3A_310 = arith.constant 200704 : i32
      %mul3A_311 = arith.muli %add3A_283, %mul3A_310 : i32
      %add3A_312 = arith.addi %mul3A_2, %mul3A_311 : i32
      %add3A_313 = arith.constant 100352 : i32
      %add3A_314 = arith.addi %add3A_312, %add3A_313 : i32
      %dma_start3A_315 = arith.constant 0 : i32
      %dma_start3A_316 = tpu.memref_slice %arg3[%add3A_314] : memref<19267584xf32, #tpu.memory_space<hbm>> -> memref<50176xf32, #tpu.memory_space<hbm>>
      %dma_start3A_317 = arith.constant 100352 : i32
      %dma_start3A_318 = tpu.memref_slice %arg5[%dma_start3A_315, %dma_start3A_317] : memref<2x200704xf32, #tpu.memory_space<vmem_shared>> -> memref<1x50176xf32, #tpu.memory_space<vmem_shared>>
      %dma_start3A_319 = tpu.memref_squeeze %dma_start3A_318 : memref<1x50176xf32, #tpu.memory_space<vmem_shared>> -> memref<50176xf32, #tpu.memory_space<vmem_shared>>
      tpu.enqueue_dma source(%dma_start3A_319 : memref<50176xf32, #tpu.memory_space<vmem_shared>>) target(%dma_start3A_316 : memref<50176xf32, #tpu.memory_space<hbm>>) target_semaphore(%arg16 : memref<!tpu.dma_semaphore, #tpu.memory_space<semaphore_mem>>)
      %mul3A_320 = arith.constant 200704 : i32
      %mul3A_321 = arith.muli %add3A_283, %mul3A_320 : i32
      %add3A_322 = arith.addi %mul3A_2, %mul3A_321 : i32
      %add3A_323 = arith.constant 150528 : i32
      %add3A_324 = arith.addi %add3A_322, %add3A_323 : i32
      %dma_start3A_325 = arith.constant 0 : i32
      %dma_start3A_326 = tpu.memref_slice %arg3[%add3A_324] : memref<19267584xf32, #tpu.memory_space<hbm>> -> memref<50176xf32, #tpu.memory_space<hbm>>
      %dma_start3A_327 = arith.constant 150528 : i32
      %dma_start3A_328 = tpu.memref_slice %arg5[%dma_start3A_325, %dma_start3A_327] : memref<2x200704xf32, #tpu.memory_space<vmem_shared>> -> memref<1x50176xf32, #tpu.memory_space<vmem_shared>>
      %dma_start3A_329 = tpu.memref_squeeze %dma_start3A_328 : memref<1x50176xf32, #tpu.memory_space<vmem_shared>> -> memref<50176xf32, #tpu.memory_space<vmem_shared>>
      tpu.enqueue_dma source(%dma_start3A_329 : memref<50176xf32, #tpu.memory_space<vmem_shared>>) target(%dma_start3A_326 : memref<50176xf32, #tpu.memory_space<hbm>>) target_semaphore(%arg16 : memref<!tpu.dma_semaphore, #tpu.memory_space<semaphore_mem>>)
      %mul3A_330 = arith.constant 200704 : i32
      %mul3A_331 = arith.muli %add3A_283, %mul3A_330 : i32
      %add3A_332 = arith.addi %mul3A_2, %mul3A_331 : i32
      %add3A_333 = arith.constant 0 : i32
      %add3A_334 = arith.addi %add3A_332, %add3A_333 : i32
      %dma_wait3A_335 = arith.constant 0 : i32
      %dma_wait3A_336 = tpu.memref_slice %arg3[%add3A_334] : memref<19267584xf32, #tpu.memory_space<hbm>> -> memref<50176xf32, #tpu.memory_space<hbm>>
      %dma_wait3A_337 = arith.constant 0 : i32
      %dma_wait3A_338 = tpu.memref_slice %arg5[%dma_wait3A_335, %dma_wait3A_337] : memref<2x200704xf32, #tpu.memory_space<vmem_shared>> -> memref<1x50176xf32, #tpu.memory_space<vmem_shared>>
      %dma_wait3A_339 = tpu.memref_squeeze %dma_wait3A_338 : memref<1x50176xf32, #tpu.memory_space<vmem_shared>> -> memref<50176xf32, #tpu.memory_space<vmem_shared>>
      tpu.wait_dma2 semaphore(%arg16 : memref<!tpu.dma_semaphore, #tpu.memory_space<semaphore_mem>>) src(%dma_wait3A_339 : memref<50176xf32, #tpu.memory_space<vmem_shared>>) dst(%dma_wait3A_336 : memref<50176xf32, #tpu.memory_space<hbm>>)
      %mul3A_340 = arith.constant 200704 : i32
      %mul3A_341 = arith.muli %add3A_283, %mul3A_340 : i32
      %add3A_342 = arith.addi %mul3A_2, %mul3A_341 : i32
      %add3A_343 = arith.constant 50176 : i32
      %add3A_344 = arith.addi %add3A_342, %add3A_343 : i32
      %dma_wait3A_345 = arith.constant 0 : i32
      %dma_wait3A_346 = tpu.memref_slice %arg3[%add3A_344] : memref<19267584xf32, #tpu.memory_space<hbm>> -> memref<50176xf32, #tpu.memory_space<hbm>>
      %dma_wait3A_347 = arith.constant 50176 : i32
      %dma_wait3A_348 = tpu.memref_slice %arg5[%dma_wait3A_345, %dma_wait3A_347] : memref<2x200704xf32, #tpu.memory_space<vmem_shared>> -> memref<1x50176xf32, #tpu.memory_space<vmem_shared>>
      %dma_wait3A_349 = tpu.memref_squeeze %dma_wait3A_348 : memref<1x50176xf32, #tpu.memory_space<vmem_shared>> -> memref<50176xf32, #tpu.memory_space<vmem_shared>>
      tpu.wait_dma2 semaphore(%arg16 : memref<!tpu.dma_semaphore, #tpu.memory_space<semaphore_mem>>) src(%dma_wait3A_349 : memref<50176xf32, #tpu.memory_space<vmem_shared>>) dst(%dma_wait3A_346 : memref<50176xf32, #tpu.memory_space<hbm>>)
      %mul3A_350 = arith.constant 200704 : i32
      %mul3A_351 = arith.muli %add3A_283, %mul3A_350 : i32
      %add3A_352 = arith.addi %mul3A_2, %mul3A_351 : i32
      %add3A_353 = arith.constant 100352 : i32
      %add3A_354 = arith.addi %add3A_352, %add3A_353 : i32
      %dma_wait3A_355 = arith.constant 0 : i32
      %dma_wait3A_356 = tpu.memref_slice %arg3[%add3A_354] : memref<19267584xf32, #tpu.memory_space<hbm>> -> memref<50176xf32, #tpu.memory_space<hbm>>
      %dma_wait3A_357 = arith.constant 100352 : i32
      %dma_wait3A_358 = tpu.memref_slice %arg5[%dma_wait3A_355, %dma_wait3A_357] : memref<2x200704xf32, #tpu.memory_space<vmem_shared>> -> memref<1x50176xf32, #tpu.memory_space<vmem_shared>>
      %dma_wait3A_359 = tpu.memref_squeeze %dma_wait3A_358 : memref<1x50176xf32, #tpu.memory_space<vmem_shared>> -> memref<50176xf32, #tpu.memory_space<vmem_shared>>
      tpu.wait_dma2 semaphore(%arg16 : memref<!tpu.dma_semaphore, #tpu.memory_space<semaphore_mem>>) src(%dma_wait3A_359 : memref<50176xf32, #tpu.memory_space<vmem_shared>>) dst(%dma_wait3A_356 : memref<50176xf32, #tpu.memory_space<hbm>>)
      %mul3A_360 = arith.constant 200704 : i32
      %mul3A_361 = arith.muli %add3A_283, %mul3A_360 : i32
      %add3A_362 = arith.addi %mul3A_2, %mul3A_361 : i32
      %add3A_363 = arith.constant 150528 : i32
      %add3A_364 = arith.addi %add3A_362, %add3A_363 : i32
      %dma_wait3A_365 = arith.constant 0 : i32
      %dma_wait3A_366 = tpu.memref_slice %arg3[%add3A_364] : memref<19267584xf32, #tpu.memory_space<hbm>> -> memref<50176xf32, #tpu.memory_space<hbm>>
      %dma_wait3A_367 = arith.constant 150528 : i32
      %dma_wait3A_368 = tpu.memref_slice %arg5[%dma_wait3A_365, %dma_wait3A_367] : memref<2x200704xf32, #tpu.memory_space<vmem_shared>> -> memref<1x50176xf32, #tpu.memory_space<vmem_shared>>
      %dma_wait3A_369 = tpu.memref_squeeze %dma_wait3A_368 : memref<1x50176xf32, #tpu.memory_space<vmem_shared>> -> memref<50176xf32, #tpu.memory_space<vmem_shared>>
      tpu.wait_dma2 semaphore(%arg16 : memref<!tpu.dma_semaphore, #tpu.memory_space<semaphore_mem>>) src(%dma_wait3A_369 : memref<50176xf32, #tpu.memory_space<vmem_shared>>) dst(%dma_wait3A_366 : memref<50176xf32, #tpu.memory_space<hbm>>)
      %semaphore_signal3A_370 = arith.constant 1 : i32
      %semaphore_signal3A_371 = arith.constant 0 : i32
      tpu.sem_signal %arg8, %semaphore_signal3A_370 core_id %arg0 subcore_id %semaphore_signal3A_371 : memref<!tpu.semaphore, #tpu.memory_space<semaphore_mem, sc_vector_subcore>>
      %semaphore_signal3A_372 = arith.constant 1 : i32
      %semaphore_signal3A_373 = arith.constant 1 : i32
      tpu.sem_signal %arg8, %semaphore_signal3A_372 core_id %arg0 subcore_id %semaphore_signal3A_373 : memref<!tpu.semaphore, #tpu.memory_space<semaphore_mem, sc_vector_subcore>>
      %semaphore_signal3A_374 = arith.constant 1 : i32
      %semaphore_signal3A_375 = arith.constant 2 : i32
      tpu.sem_signal %arg8, %semaphore_signal3A_374 core_id %arg0 subcore_id %semaphore_signal3A_375 : memref<!tpu.semaphore, #tpu.memory_space<semaphore_mem, sc_vector_subcore>>
      %semaphore_signal3A_376 = arith.constant 1 : i32
      %semaphore_signal3A_377 = arith.constant 3 : i32
      tpu.sem_signal %arg8, %semaphore_signal3A_376 core_id %arg0 subcore_id %semaphore_signal3A_377 : memref<!tpu.semaphore, #tpu.memory_space<semaphore_mem, sc_vector_subcore>>
      %semaphore_signal3A_378 = arith.constant 1 : i32
      %semaphore_signal3A_379 = arith.constant 4 : i32
      tpu.sem_signal %arg8, %semaphore_signal3A_378 core_id %arg0 subcore_id %semaphore_signal3A_379 : memref<!tpu.semaphore, #tpu.memory_space<semaphore_mem, sc_vector_subcore>>
      %semaphore_signal3A_380 = arith.constant 1 : i32
      %semaphore_signal3A_381 = arith.constant 5 : i32
      tpu.sem_signal %arg8, %semaphore_signal3A_380 core_id %arg0 subcore_id %semaphore_signal3A_381 : memref<!tpu.semaphore, #tpu.memory_space<semaphore_mem, sc_vector_subcore>>
      %semaphore_signal3A_382 = arith.constant 1 : i32
      %semaphore_signal3A_383 = arith.constant 6 : i32
      tpu.sem_signal %arg8, %semaphore_signal3A_382 core_id %arg0 subcore_id %semaphore_signal3A_383 : memref<!tpu.semaphore, #tpu.memory_space<semaphore_mem, sc_vector_subcore>>
      %semaphore_signal3A_384 = arith.constant 1 : i32
      %semaphore_signal3A_385 = arith.constant 7 : i32
      tpu.sem_signal %arg8, %semaphore_signal3A_384 core_id %arg0 subcore_id %semaphore_signal3A_385 : memref<!tpu.semaphore, #tpu.memory_space<semaphore_mem, sc_vector_subcore>>
      %semaphore_signal3A_386 = arith.constant 1 : i32
      %semaphore_signal3A_387 = arith.constant 8 : i32
      tpu.sem_signal %arg8, %semaphore_signal3A_386 core_id %arg0 subcore_id %semaphore_signal3A_387 : memref<!tpu.semaphore, #tpu.memory_space<semaphore_mem, sc_vector_subcore>>
      %semaphore_signal3A_388 = arith.constant 1 : i32
      %semaphore_signal3A_389 = arith.constant 9 : i32
      tpu.sem_signal %arg8, %semaphore_signal3A_388 core_id %arg0 subcore_id %semaphore_signal3A_389 : memref<!tpu.semaphore, #tpu.memory_space<semaphore_mem, sc_vector_subcore>>
      %semaphore_signal3A_390 = arith.constant 1 : i32
      %semaphore_signal3A_391 = arith.constant 10 : i32
      tpu.sem_signal %arg8, %semaphore_signal3A_390 core_id %arg0 subcore_id %semaphore_signal3A_391 : memref<!tpu.semaphore, #tpu.memory_space<semaphore_mem, sc_vector_subcore>>
      %semaphore_signal3A_392 = arith.constant 1 : i32
      %semaphore_signal3A_393 = arith.constant 11 : i32
      tpu.sem_signal %arg8, %semaphore_signal3A_392 core_id %arg0 subcore_id %semaphore_signal3A_393 : memref<!tpu.semaphore, #tpu.memory_space<semaphore_mem, sc_vector_subcore>>
      %semaphore_signal3A_394 = arith.constant 1 : i32
      %semaphore_signal3A_395 = arith.constant 12 : i32
      tpu.sem_signal %arg8, %semaphore_signal3A_394 core_id %arg0 subcore_id %semaphore_signal3A_395 : memref<!tpu.semaphore, #tpu.memory_space<semaphore_mem, sc_vector_subcore>>
      %semaphore_signal3A_396 = arith.constant 1 : i32
      %semaphore_signal3A_397 = arith.constant 13 : i32
      tpu.sem_signal %arg8, %semaphore_signal3A_396 core_id %arg0 subcore_id %semaphore_signal3A_397 : memref<!tpu.semaphore, #tpu.memory_space<semaphore_mem, sc_vector_subcore>>
      %semaphore_signal3A_398 = arith.constant 1 : i32
      %semaphore_signal3A_399 = arith.constant 14 : i32
      tpu.sem_signal %arg8, %semaphore_signal3A_398 core_id %arg0 subcore_id %semaphore_signal3A_399 : memref<!tpu.semaphore, #tpu.memory_space<semaphore_mem, sc_vector_subcore>>
      %semaphore_signal3A_400 = arith.constant 1 : i32
      %semaphore_signal3A_401 = arith.constant 15 : i32
      tpu.sem_signal %arg8, %semaphore_signal3A_400 core_id %arg0 subcore_id %semaphore_signal3A_401 : memref<!tpu.semaphore, #tpu.memory_space<semaphore_mem, sc_vector_subcore>>
      %add3A_402 = arith.constant 2 : i32
      %add3A_403 = arith.addi %add3A_283, %add3A_402 : i32
      %lt3A_404 = arith.constant 48 : i32
      %lt3A_405 = arith.cmpi slt, %add3A_403, %lt3A_404 : i32
      %convert_element_type3A_406 = arith.extui %lt3A_405 : i1 to i32
      %cond3A_407 = arith.constant 0 : i32
      %cond3A_408 = arith.cmpi ne, %convert_element_type3A_406, %cond3A_407 : i32
      scf.if %cond3A_408 {
        %add3A_541 = arith.constant 2 : i32
        %add3A_542 = arith.addi %add3A_283, %add3A_541 : i32
        %mul3A_543 = arith.constant 200704 : i32
        %mul3A_544 = arith.muli %add3A_542, %mul3A_543 : i32
        %add3A_545 = arith.addi %mul3A_2, %mul3A_544 : i32
        %add3A_546 = arith.constant 0 : i32
        %add3A_547 = arith.addi %add3A_545, %add3A_546 : i32
        %dma_wait3A_548 = arith.constant 0 : i32
        %dma_wait3A_549 = arith.constant 0 : i32
        %dma_wait3A_550 = tpu.memref_slice %arg4[%dma_wait3A_548, %dma_wait3A_549] : memref<2x200704xf32, #tpu.memory_space<vmem_shared>> -> memref<1x50176xf32, #tpu.memory_space<vmem_shared>>
        %dma_wait3A_551 = tpu.memref_squeeze %dma_wait3A_550 : memref<1x50176xf32, #tpu.memory_space<vmem_shared>> -> memref<50176xf32, #tpu.memory_space<vmem_shared>>
        %dma_wait3A_552 = tpu.memref_slice %arg1[%add3A_547] : memref<19267584xf32, #tpu.memory_space<hbm>> -> memref<50176xf32, #tpu.memory_space<hbm>>
        tpu.wait_dma2 semaphore(%arg14 : memref<!tpu.dma_semaphore, #tpu.memory_space<semaphore_mem>>) src(%dma_wait3A_552 : memref<50176xf32, #tpu.memory_space<hbm>>) dst(%dma_wait3A_551 : memref<50176xf32, #tpu.memory_space<vmem_shared>>)
        %mul3A_553 = arith.constant 200704 : i32
        %mul3A_554 = arith.muli %add3A_542, %mul3A_553 : i32
        %add3A_555 = arith.addi %mul3A_2, %mul3A_554 : i32
        %add3A_556 = arith.constant 50176 : i32
        %add3A_557 = arith.addi %add3A_555, %add3A_556 : i32
        %dma_wait3A_558 = arith.constant 0 : i32
        %dma_wait3A_559 = arith.constant 50176 : i32
        %dma_wait3A_560 = tpu.memref_slice %arg4[%dma_wait3A_558, %dma_wait3A_559] : memref<2x200704xf32, #tpu.memory_space<vmem_shared>> -> memref<1x50176xf32, #tpu.memory_space<vmem_shared>>
        %dma_wait3A_561 = tpu.memref_squeeze %dma_wait3A_560 : memref<1x50176xf32, #tpu.memory_space<vmem_shared>> -> memref<50176xf32, #tpu.memory_space<vmem_shared>>
        %dma_wait3A_562 = tpu.memref_slice %arg1[%add3A_557] : memref<19267584xf32, #tpu.memory_space<hbm>> -> memref<50176xf32, #tpu.memory_space<hbm>>
        tpu.wait_dma2 semaphore(%arg14 : memref<!tpu.dma_semaphore, #tpu.memory_space<semaphore_mem>>) src(%dma_wait3A_562 : memref<50176xf32, #tpu.memory_space<hbm>>) dst(%dma_wait3A_561 : memref<50176xf32, #tpu.memory_space<vmem_shared>>)
        %mul3A_563 = arith.constant 200704 : i32
        %mul3A_564 = arith.muli %add3A_542, %mul3A_563 : i32
        %add3A_565 = arith.addi %mul3A_2, %mul3A_564 : i32
        %add3A_566 = arith.constant 100352 : i32
        %add3A_567 = arith.addi %add3A_565, %add3A_566 : i32
        %dma_wait3A_568 = arith.constant 0 : i32
        %dma_wait3A_569 = arith.constant 100352 : i32
        %dma_wait3A_570 = tpu.memref_slice %arg4[%dma_wait3A_568, %dma_wait3A_569] : memref<2x200704xf32, #tpu.memory_space<vmem_shared>> -> memref<1x50176xf32, #tpu.memory_space<vmem_shared>>
        %dma_wait3A_571 = tpu.memref_squeeze %dma_wait3A_570 : memref<1x50176xf32, #tpu.memory_space<vmem_shared>> -> memref<50176xf32, #tpu.memory_space<vmem_shared>>
        %dma_wait3A_572 = tpu.memref_slice %arg1[%add3A_567] : memref<19267584xf32, #tpu.memory_space<hbm>> -> memref<50176xf32, #tpu.memory_space<hbm>>
        tpu.wait_dma2 semaphore(%arg14 : memref<!tpu.dma_semaphore, #tpu.memory_space<semaphore_mem>>) src(%dma_wait3A_572 : memref<50176xf32, #tpu.memory_space<hbm>>) dst(%dma_wait3A_571 : memref<50176xf32, #tpu.memory_space<vmem_shared>>)
        %mul3A_573 = arith.constant 200704 : i32
        %mul3A_574 = arith.muli %add3A_542, %mul3A_573 : i32
        %add3A_575 = arith.addi %mul3A_2, %mul3A_574 : i32
        %add3A_576 = arith.constant 150528 : i32
        %add3A_577 = arith.addi %add3A_575, %add3A_576 : i32
        %dma_wait3A_578 = arith.constant 0 : i32
        %dma_wait3A_579 = arith.constant 150528 : i32
        %dma_wait3A_580 = tpu.memref_slice %arg4[%dma_wait3A_578, %dma_wait3A_579] : memref<2x200704xf32, #tpu.memory_space<vmem_shared>> -> memref<1x50176xf32, #tpu.memory_space<vmem_shared>>
        %dma_wait3A_581 = tpu.memref_squeeze %dma_wait3A_580 : memref<1x50176xf32, #tpu.memory_space<vmem_shared>> -> memref<50176xf32, #tpu.memory_space<vmem_shared>>
        %dma_wait3A_582 = tpu.memref_slice %arg1[%add3A_577] : memref<19267584xf32, #tpu.memory_space<hbm>> -> memref<50176xf32, #tpu.memory_space<hbm>>
        tpu.wait_dma2 semaphore(%arg14 : memref<!tpu.dma_semaphore, #tpu.memory_space<semaphore_mem>>) src(%dma_wait3A_582 : memref<50176xf32, #tpu.memory_space<hbm>>) dst(%dma_wait3A_581 : memref<50176xf32, #tpu.memory_space<vmem_shared>>)
        %semaphore_signal3A_583 = arith.constant 1 : i32
        %semaphore_signal3A_584 = arith.constant 0 : i32
        tpu.sem_signal %arg6, %semaphore_signal3A_583 core_id %arg0 subcore_id %semaphore_signal3A_584 : memref<!tpu.semaphore, #tpu.memory_space<semaphore_mem, sc_vector_subcore>>
        %semaphore_signal3A_585 = arith.constant 1 : i32
        %semaphore_signal3A_586 = arith.constant 1 : i32
        tpu.sem_signal %arg6, %semaphore_signal3A_585 core_id %arg0 subcore_id %semaphore_signal3A_586 : memref<!tpu.semaphore, #tpu.memory_space<semaphore_mem, sc_vector_subcore>>
        %semaphore_signal3A_587 = arith.constant 1 : i32
        %semaphore_signal3A_588 = arith.constant 2 : i32
        tpu.sem_signal %arg6, %semaphore_signal3A_587 core_id %arg0 subcore_id %semaphore_signal3A_588 : memref<!tpu.semaphore, #tpu.memory_space<semaphore_mem, sc_vector_subcore>>
        %semaphore_signal3A_589 = arith.constant 1 : i32
        %semaphore_signal3A_590 = arith.constant 3 : i32
        tpu.sem_signal %arg6, %semaphore_signal3A_589 core_id %arg0 subcore_id %semaphore_signal3A_590 : memref<!tpu.semaphore, #tpu.memory_space<semaphore_mem, sc_vector_subcore>>
        %semaphore_signal3A_591 = arith.constant 1 : i32
        %semaphore_signal3A_592 = arith.constant 4 : i32
        tpu.sem_signal %arg6, %semaphore_signal3A_591 core_id %arg0 subcore_id %semaphore_signal3A_592 : memref<!tpu.semaphore, #tpu.memory_space<semaphore_mem, sc_vector_subcore>>
        %semaphore_signal3A_593 = arith.constant 1 : i32
        %semaphore_signal3A_594 = arith.constant 5 : i32
        tpu.sem_signal %arg6, %semaphore_signal3A_593 core_id %arg0 subcore_id %semaphore_signal3A_594 : memref<!tpu.semaphore, #tpu.memory_space<semaphore_mem, sc_vector_subcore>>
        %semaphore_signal3A_595 = arith.constant 1 : i32
        %semaphore_signal3A_596 = arith.constant 6 : i32
        tpu.sem_signal %arg6, %semaphore_signal3A_595 core_id %arg0 subcore_id %semaphore_signal3A_596 : memref<!tpu.semaphore, #tpu.memory_space<semaphore_mem, sc_vector_subcore>>
        %semaphore_signal3A_597 = arith.constant 1 : i32
        %semaphore_signal3A_598 = arith.constant 7 : i32
        tpu.sem_signal %arg6, %semaphore_signal3A_597 core_id %arg0 subcore_id %semaphore_signal3A_598 : memref<!tpu.semaphore, #tpu.memory_space<semaphore_mem, sc_vector_subcore>>
        %semaphore_signal3A_599 = arith.constant 1 : i32
        %semaphore_signal3A_600 = arith.constant 8 : i32
        tpu.sem_signal %arg6, %semaphore_signal3A_599 core_id %arg0 subcore_id %semaphore_signal3A_600 : memref<!tpu.semaphore, #tpu.memory_space<semaphore_mem, sc_vector_subcore>>
        %semaphore_signal3A_601 = arith.constant 1 : i32
        %semaphore_signal3A_602 = arith.constant 9 : i32
        tpu.sem_signal %arg6, %semaphore_signal3A_601 core_id %arg0 subcore_id %semaphore_signal3A_602 : memref<!tpu.semaphore, #tpu.memory_space<semaphore_mem, sc_vector_subcore>>
        %semaphore_signal3A_603 = arith.constant 1 : i32
        %semaphore_signal3A_604 = arith.constant 10 : i32
        tpu.sem_signal %arg6, %semaphore_signal3A_603 core_id %arg0 subcore_id %semaphore_signal3A_604 : memref<!tpu.semaphore, #tpu.memory_space<semaphore_mem, sc_vector_subcore>>
        %semaphore_signal3A_605 = arith.constant 1 : i32
        %semaphore_signal3A_606 = arith.constant 11 : i32
        tpu.sem_signal %arg6, %semaphore_signal3A_605 core_id %arg0 subcore_id %semaphore_signal3A_606 : memref<!tpu.semaphore, #tpu.memory_space<semaphore_mem, sc_vector_subcore>>
        %semaphore_signal3A_607 = arith.constant 1 : i32
        %semaphore_signal3A_608 = arith.constant 12 : i32
        tpu.sem_signal %arg6, %semaphore_signal3A_607 core_id %arg0 subcore_id %semaphore_signal3A_608 : memref<!tpu.semaphore, #tpu.memory_space<semaphore_mem, sc_vector_subcore>>
        %semaphore_signal3A_609 = arith.constant 1 : i32
        %semaphore_signal3A_610 = arith.constant 13 : i32
        tpu.sem_signal %arg6, %semaphore_signal3A_609 core_id %arg0 subcore_id %semaphore_signal3A_610 : memref<!tpu.semaphore, #tpu.memory_space<semaphore_mem, sc_vector_subcore>>
        %semaphore_signal3A_611 = arith.constant 1 : i32
        %semaphore_signal3A_612 = arith.constant 14 : i32
        tpu.sem_signal %arg6, %semaphore_signal3A_611 core_id %arg0 subcore_id %semaphore_signal3A_612 : memref<!tpu.semaphore, #tpu.memory_space<semaphore_mem, sc_vector_subcore>>
        %semaphore_signal3A_613 = arith.constant 1 : i32
        %semaphore_signal3A_614 = arith.constant 15 : i32
        tpu.sem_signal %arg6, %semaphore_signal3A_613 core_id %arg0 subcore_id %semaphore_signal3A_614 : memref<!tpu.semaphore, #tpu.memory_space<semaphore_mem, sc_vector_subcore>>
      } else {
      }
      %mul3A_409 = arith.constant 2 : i32
      %mul3A_410 = arith.muli %scan3A_279, %mul3A_409 : i32
      %add3A_411 = arith.constant 1 : i32
      %add3A_412 = arith.addi %mul3A_410, %add3A_411 : i32
      %add3A_413 = arith.constant 2 : i32
      %add3A_414 = arith.addi %add3A_412, %add3A_413 : i32
      %lt3A_415 = arith.constant 48 : i32
      %lt3A_416 = arith.cmpi slt, %add3A_414, %lt3A_415 : i32
      %convert_element_type3A_417 = arith.extui %lt3A_416 : i1 to i32
      %cond3A_418 = arith.constant 0 : i32
      %cond3A_419 = arith.cmpi ne, %convert_element_type3A_417, %cond3A_418 : i32
      scf.if %cond3A_419 {
        %semaphore_wait3A_541 = arith.constant 16 : i32
        %semaphore_wait3A_542 = arith.constant true
        tpu.sem_wait %arg11, %semaphore_wait3A_541 : memref<!tpu.semaphore, #tpu.memory_space<semaphore_mem>>
        %add3A_543 = arith.constant 2 : i32
        %add3A_544 = arith.addi %add3A_412, %add3A_543 : i32
        %mul3A_545 = arith.constant 200704 : i32
        %mul3A_546 = arith.muli %add3A_544, %mul3A_545 : i32
        %add3A_547 = arith.addi %mul3A_2, %mul3A_546 : i32
        %add3A_548 = arith.constant 0 : i32
        %add3A_549 = arith.addi %add3A_547, %add3A_548 : i32
        %dma_start3A_550 = arith.constant 1 : i32
        %dma_start3A_551 = arith.constant 0 : i32
        %dma_start3A_552 = tpu.memref_slice %arg4[%dma_start3A_550, %dma_start3A_551] : memref<2x200704xf32, #tpu.memory_space<vmem_shared>> -> memref<1x50176xf32, #tpu.memory_space<vmem_shared>>
        %dma_start3A_553 = tpu.memref_squeeze %dma_start3A_552 : memref<1x50176xf32, #tpu.memory_space<vmem_shared>> -> memref<50176xf32, #tpu.memory_space<vmem_shared>>
        %dma_start3A_554 = tpu.memref_slice %arg1[%add3A_549] : memref<19267584xf32, #tpu.memory_space<hbm>> -> memref<50176xf32, #tpu.memory_space<hbm>>
        tpu.enqueue_dma source(%dma_start3A_554 : memref<50176xf32, #tpu.memory_space<hbm>>) target(%dma_start3A_553 : memref<50176xf32, #tpu.memory_space<vmem_shared>>) target_semaphore(%arg15 : memref<!tpu.dma_semaphore, #tpu.memory_space<semaphore_mem>>)
        %mul3A_555 = arith.constant 200704 : i32
        %mul3A_556 = arith.muli %add3A_544, %mul3A_555 : i32
        %add3A_557 = arith.addi %mul3A_2, %mul3A_556 : i32
        %add3A_558 = arith.constant 50176 : i32
        %add3A_559 = arith.addi %add3A_557, %add3A_558 : i32
        %dma_start3A_560 = arith.constant 1 : i32
        %dma_start3A_561 = arith.constant 50176 : i32
        %dma_start3A_562 = tpu.memref_slice %arg4[%dma_start3A_560, %dma_start3A_561] : memref<2x200704xf32, #tpu.memory_space<vmem_shared>> -> memref<1x50176xf32, #tpu.memory_space<vmem_shared>>
        %dma_start3A_563 = tpu.memref_squeeze %dma_start3A_562 : memref<1x50176xf32, #tpu.memory_space<vmem_shared>> -> memref<50176xf32, #tpu.memory_space<vmem_shared>>
        %dma_start3A_564 = tpu.memref_slice %arg1[%add3A_559] : memref<19267584xf32, #tpu.memory_space<hbm>> -> memref<50176xf32, #tpu.memory_space<hbm>>
        tpu.enqueue_dma source(%dma_start3A_564 : memref<50176xf32, #tpu.memory_space<hbm>>) target(%dma_start3A_563 : memref<50176xf32, #tpu.memory_space<vmem_shared>>) target_semaphore(%arg15 : memref<!tpu.dma_semaphore, #tpu.memory_space<semaphore_mem>>)
        %mul3A_565 = arith.constant 200704 : i32
        %mul3A_566 = arith.muli %add3A_544, %mul3A_565 : i32
        %add3A_567 = arith.addi %mul3A_2, %mul3A_566 : i32
        %add3A_568 = arith.constant 100352 : i32
        %add3A_569 = arith.addi %add3A_567, %add3A_568 : i32
        %dma_start3A_570 = arith.constant 1 : i32
        %dma_start3A_571 = arith.constant 100352 : i32
        %dma_start3A_572 = tpu.memref_slice %arg4[%dma_start3A_570, %dma_start3A_571] : memref<2x200704xf32, #tpu.memory_space<vmem_shared>> -> memref<1x50176xf32, #tpu.memory_space<vmem_shared>>
        %dma_start3A_573 = tpu.memref_squeeze %dma_start3A_572 : memref<1x50176xf32, #tpu.memory_space<vmem_shared>> -> memref<50176xf32, #tpu.memory_space<vmem_shared>>
        %dma_start3A_574 = tpu.memref_slice %arg1[%add3A_569] : memref<19267584xf32, #tpu.memory_space<hbm>> -> memref<50176xf32, #tpu.memory_space<hbm>>
        tpu.enqueue_dma source(%dma_start3A_574 : memref<50176xf32, #tpu.memory_space<hbm>>) target(%dma_start3A_573 : memref<50176xf32, #tpu.memory_space<vmem_shared>>) target_semaphore(%arg15 : memref<!tpu.dma_semaphore, #tpu.memory_space<semaphore_mem>>)
        %mul3A_575 = arith.constant 200704 : i32
        %mul3A_576 = arith.muli %add3A_544, %mul3A_575 : i32
        %add3A_577 = arith.addi %mul3A_2, %mul3A_576 : i32
        %add3A_578 = arith.constant 150528 : i32
        %add3A_579 = arith.addi %add3A_577, %add3A_578 : i32
        %dma_start3A_580 = arith.constant 1 : i32
        %dma_start3A_581 = arith.constant 150528 : i32
        %dma_start3A_582 = tpu.memref_slice %arg4[%dma_start3A_580, %dma_start3A_581] : memref<2x200704xf32, #tpu.memory_space<vmem_shared>> -> memref<1x50176xf32, #tpu.memory_space<vmem_shared>>
        %dma_start3A_583 = tpu.memref_squeeze %dma_start3A_582 : memref<1x50176xf32, #tpu.memory_space<vmem_shared>> -> memref<50176xf32, #tpu.memory_space<vmem_shared>>
        %dma_start3A_584 = tpu.memref_slice %arg1[%add3A_579] : memref<19267584xf32, #tpu.memory_space<hbm>> -> memref<50176xf32, #tpu.memory_space<hbm>>
        tpu.enqueue_dma source(%dma_start3A_584 : memref<50176xf32, #tpu.memory_space<hbm>>) target(%dma_start3A_583 : memref<50176xf32, #tpu.memory_space<vmem_shared>>) target_semaphore(%arg15 : memref<!tpu.dma_semaphore, #tpu.memory_space<semaphore_mem>>)
      } else {
      }
      %semaphore_wait3A_420 = arith.constant 16 : i32
      %semaphore_wait3A_421 = arith.constant true
      tpu.sem_wait %arg13, %semaphore_wait3A_420 : memref<!tpu.semaphore, #tpu.memory_space<semaphore_mem>>
      %mul3A_422 = arith.constant 200704 : i32
      %mul3A_423 = arith.muli %add3A_412, %mul3A_422 : i32
      %add3A_424 = arith.addi %mul3A_2, %mul3A_423 : i32
      %add3A_425 = arith.constant 0 : i32
      %add3A_426 = arith.addi %add3A_424, %add3A_425 : i32
      %dma_start3A_427 = arith.constant 1 : i32
      %dma_start3A_428 = tpu.memref_slice %arg3[%add3A_426] : memref<19267584xf32, #tpu.memory_space<hbm>> -> memref<50176xf32, #tpu.memory_space<hbm>>
      %dma_start3A_429 = arith.constant 0 : i32
      %dma_start3A_430 = tpu.memref_slice %arg5[%dma_start3A_427, %dma_start3A_429] : memref<2x200704xf32, #tpu.memory_space<vmem_shared>> -> memref<1x50176xf32, #tpu.memory_space<vmem_shared>>
      %dma_start3A_431 = tpu.memref_squeeze %dma_start3A_430 : memref<1x50176xf32, #tpu.memory_space<vmem_shared>> -> memref<50176xf32, #tpu.memory_space<vmem_shared>>
      tpu.enqueue_dma source(%dma_start3A_431 : memref<50176xf32, #tpu.memory_space<vmem_shared>>) target(%dma_start3A_428 : memref<50176xf32, #tpu.memory_space<hbm>>) target_semaphore(%arg17 : memref<!tpu.dma_semaphore, #tpu.memory_space<semaphore_mem>>)
      %mul3A_432 = arith.constant 200704 : i32
      %mul3A_433 = arith.muli %add3A_412, %mul3A_432 : i32
      %add3A_434 = arith.addi %mul3A_2, %mul3A_433 : i32
      %add3A_435 = arith.constant 50176 : i32
      %add3A_436 = arith.addi %add3A_434, %add3A_435 : i32
      %dma_start3A_437 = arith.constant 1 : i32
      %dma_start3A_438 = tpu.memref_slice %arg3[%add3A_436] : memref<19267584xf32, #tpu.memory_space<hbm>> -> memref<50176xf32, #tpu.memory_space<hbm>>
      %dma_start3A_439 = arith.constant 50176 : i32
      %dma_start3A_440 = tpu.memref_slice %arg5[%dma_start3A_437, %dma_start3A_439] : memref<2x200704xf32, #tpu.memory_space<vmem_shared>> -> memref<1x50176xf32, #tpu.memory_space<vmem_shared>>
      %dma_start3A_441 = tpu.memref_squeeze %dma_start3A_440 : memref<1x50176xf32, #tpu.memory_space<vmem_shared>> -> memref<50176xf32, #tpu.memory_space<vmem_shared>>
      tpu.enqueue_dma source(%dma_start3A_441 : memref<50176xf32, #tpu.memory_space<vmem_shared>>) target(%dma_start3A_438 : memref<50176xf32, #tpu.memory_space<hbm>>) target_semaphore(%arg17 : memref<!tpu.dma_semaphore, #tpu.memory_space<semaphore_mem>>)
      %mul3A_442 = arith.constant 200704 : i32
      %mul3A_443 = arith.muli %add3A_412, %mul3A_442 : i32
      %add3A_444 = arith.addi %mul3A_2, %mul3A_443 : i32
      %add3A_445 = arith.constant 100352 : i32
      %add3A_446 = arith.addi %add3A_444, %add3A_445 : i32
      %dma_start3A_447 = arith.constant 1 : i32
      %dma_start3A_448 = tpu.memref_slice %arg3[%add3A_446] : memref<19267584xf32, #tpu.memory_space<hbm>> -> memref<50176xf32, #tpu.memory_space<hbm>>
      %dma_start3A_449 = arith.constant 100352 : i32
      %dma_start3A_450 = tpu.memref_slice %arg5[%dma_start3A_447, %dma_start3A_449] : memref<2x200704xf32, #tpu.memory_space<vmem_shared>> -> memref<1x50176xf32, #tpu.memory_space<vmem_shared>>
      %dma_start3A_451 = tpu.memref_squeeze %dma_start3A_450 : memref<1x50176xf32, #tpu.memory_space<vmem_shared>> -> memref<50176xf32, #tpu.memory_space<vmem_shared>>
      tpu.enqueue_dma source(%dma_start3A_451 : memref<50176xf32, #tpu.memory_space<vmem_shared>>) target(%dma_start3A_448 : memref<50176xf32, #tpu.memory_space<hbm>>) target_semaphore(%arg17 : memref<!tpu.dma_semaphore, #tpu.memory_space<semaphore_mem>>)
      %mul3A_452 = arith.constant 200704 : i32
      %mul3A_453 = arith.muli %add3A_412, %mul3A_452 : i32
      %add3A_454 = arith.addi %mul3A_2, %mul3A_453 : i32
      %add3A_455 = arith.constant 150528 : i32
      %add3A_456 = arith.addi %add3A_454, %add3A_455 : i32
      %dma_start3A_457 = arith.constant 1 : i32
      %dma_start3A_458 = tpu.memref_slice %arg3[%add3A_456] : memref<19267584xf32, #tpu.memory_space<hbm>> -> memref<50176xf32, #tpu.memory_space<hbm>>
      %dma_start3A_459 = arith.constant 150528 : i32
      %dma_start3A_460 = tpu.memref_slice %arg5[%dma_start3A_457, %dma_start3A_459] : memref<2x200704xf32, #tpu.memory_space<vmem_shared>> -> memref<1x50176xf32, #tpu.memory_space<vmem_shared>>
      %dma_start3A_461 = tpu.memref_squeeze %dma_start3A_460 : memref<1x50176xf32, #tpu.memory_space<vmem_shared>> -> memref<50176xf32, #tpu.memory_space<vmem_shared>>
      tpu.enqueue_dma source(%dma_start3A_461 : memref<50176xf32, #tpu.memory_space<vmem_shared>>) target(%dma_start3A_458 : memref<50176xf32, #tpu.memory_space<hbm>>) target_semaphore(%arg17 : memref<!tpu.dma_semaphore, #tpu.memory_space<semaphore_mem>>)
      %mul3A_462 = arith.constant 200704 : i32
      %mul3A_463 = arith.muli %add3A_412, %mul3A_462 : i32
      %add3A_464 = arith.addi %mul3A_2, %mul3A_463 : i32
      %add3A_465 = arith.constant 0 : i32
      %add3A_466 = arith.addi %add3A_464, %add3A_465 : i32
      %dma_wait3A_467 = arith.constant 1 : i32
      %dma_wait3A_468 = tpu.memref_slice %arg3[%add3A_466] : memref<19267584xf32, #tpu.memory_space<hbm>> -> memref<50176xf32, #tpu.memory_space<hbm>>
      %dma_wait3A_469 = arith.constant 0 : i32
      %dma_wait3A_470 = tpu.memref_slice %arg5[%dma_wait3A_467, %dma_wait3A_469] : memref<2x200704xf32, #tpu.memory_space<vmem_shared>> -> memref<1x50176xf32, #tpu.memory_space<vmem_shared>>
      %dma_wait3A_471 = tpu.memref_squeeze %dma_wait3A_470 : memref<1x50176xf32, #tpu.memory_space<vmem_shared>> -> memref<50176xf32, #tpu.memory_space<vmem_shared>>
      tpu.wait_dma2 semaphore(%arg17 : memref<!tpu.dma_semaphore, #tpu.memory_space<semaphore_mem>>) src(%dma_wait3A_471 : memref<50176xf32, #tpu.memory_space<vmem_shared>>) dst(%dma_wait3A_468 : memref<50176xf32, #tpu.memory_space<hbm>>)
      %mul3A_472 = arith.constant 200704 : i32
      %mul3A_473 = arith.muli %add3A_412, %mul3A_472 : i32
      %add3A_474 = arith.addi %mul3A_2, %mul3A_473 : i32
      %add3A_475 = arith.constant 50176 : i32
      %add3A_476 = arith.addi %add3A_474, %add3A_475 : i32
      %dma_wait3A_477 = arith.constant 1 : i32
      %dma_wait3A_478 = tpu.memref_slice %arg3[%add3A_476] : memref<19267584xf32, #tpu.memory_space<hbm>> -> memref<50176xf32, #tpu.memory_space<hbm>>
      %dma_wait3A_479 = arith.constant 50176 : i32
      %dma_wait3A_480 = tpu.memref_slice %arg5[%dma_wait3A_477, %dma_wait3A_479] : memref<2x200704xf32, #tpu.memory_space<vmem_shared>> -> memref<1x50176xf32, #tpu.memory_space<vmem_shared>>
      %dma_wait3A_481 = tpu.memref_squeeze %dma_wait3A_480 : memref<1x50176xf32, #tpu.memory_space<vmem_shared>> -> memref<50176xf32, #tpu.memory_space<vmem_shared>>
      tpu.wait_dma2 semaphore(%arg17 : memref<!tpu.dma_semaphore, #tpu.memory_space<semaphore_mem>>) src(%dma_wait3A_481 : memref<50176xf32, #tpu.memory_space<vmem_shared>>) dst(%dma_wait3A_478 : memref<50176xf32, #tpu.memory_space<hbm>>)
      %mul3A_482 = arith.constant 200704 : i32
      %mul3A_483 = arith.muli %add3A_412, %mul3A_482 : i32
      %add3A_484 = arith.addi %mul3A_2, %mul3A_483 : i32
      %add3A_485 = arith.constant 100352 : i32
      %add3A_486 = arith.addi %add3A_484, %add3A_485 : i32
      %dma_wait3A_487 = arith.constant 1 : i32
      %dma_wait3A_488 = tpu.memref_slice %arg3[%add3A_486] : memref<19267584xf32, #tpu.memory_space<hbm>> -> memref<50176xf32, #tpu.memory_space<hbm>>
      %dma_wait3A_489 = arith.constant 100352 : i32
      %dma_wait3A_490 = tpu.memref_slice %arg5[%dma_wait3A_487, %dma_wait3A_489] : memref<2x200704xf32, #tpu.memory_space<vmem_shared>> -> memref<1x50176xf32, #tpu.memory_space<vmem_shared>>
      %dma_wait3A_491 = tpu.memref_squeeze %dma_wait3A_490 : memref<1x50176xf32, #tpu.memory_space<vmem_shared>> -> memref<50176xf32, #tpu.memory_space<vmem_shared>>
      tpu.wait_dma2 semaphore(%arg17 : memref<!tpu.dma_semaphore, #tpu.memory_space<semaphore_mem>>) src(%dma_wait3A_491 : memref<50176xf32, #tpu.memory_space<vmem_shared>>) dst(%dma_wait3A_488 : memref<50176xf32, #tpu.memory_space<hbm>>)
      %mul3A_492 = arith.constant 200704 : i32
      %mul3A_493 = arith.muli %add3A_412, %mul3A_492 : i32
      %add3A_494 = arith.addi %mul3A_2, %mul3A_493 : i32
      %add3A_495 = arith.constant 150528 : i32
      %add3A_496 = arith.addi %add3A_494, %add3A_495 : i32
      %dma_wait3A_497 = arith.constant 1 : i32
      %dma_wait3A_498 = tpu.memref_slice %arg3[%add3A_496] : memref<19267584xf32, #tpu.memory_space<hbm>> -> memref<50176xf32, #tpu.memory_space<hbm>>
      %dma_wait3A_499 = arith.constant 150528 : i32
      %dma_wait3A_500 = tpu.memref_slice %arg5[%dma_wait3A_497, %dma_wait3A_499] : memref<2x200704xf32, #tpu.memory_space<vmem_shared>> -> memref<1x50176xf32, #tpu.memory_space<vmem_shared>>
      %dma_wait3A_501 = tpu.memref_squeeze %dma_wait3A_500 : memref<1x50176xf32, #tpu.memory_space<vmem_shared>> -> memref<50176xf32, #tpu.memory_space<vmem_shared>>
      tpu.wait_dma2 semaphore(%arg17 : memref<!tpu.dma_semaphore, #tpu.memory_space<semaphore_mem>>) src(%dma_wait3A_501 : memref<50176xf32, #tpu.memory_space<vmem_shared>>) dst(%dma_wait3A_498 : memref<50176xf32, #tpu.memory_space<hbm>>)
      %semaphore_signal3A_502 = arith.constant 1 : i32
      %semaphore_signal3A_503 = arith.constant 0 : i32
      tpu.sem_signal %arg9, %semaphore_signal3A_502 core_id %arg0 subcore_id %semaphore_signal3A_503 : memref<!tpu.semaphore, #tpu.memory_space<semaphore_mem, sc_vector_subcore>>
      %semaphore_signal3A_504 = arith.constant 1 : i32
      %semaphore_signal3A_505 = arith.constant 1 : i32
      tpu.sem_signal %arg9, %semaphore_signal3A_504 core_id %arg0 subcore_id %semaphore_signal3A_505 : memref<!tpu.semaphore, #tpu.memory_space<semaphore_mem, sc_vector_subcore>>
      %semaphore_signal3A_506 = arith.constant 1 : i32
      %semaphore_signal3A_507 = arith.constant 2 : i32
      tpu.sem_signal %arg9, %semaphore_signal3A_506 core_id %arg0 subcore_id %semaphore_signal3A_507 : memref<!tpu.semaphore, #tpu.memory_space<semaphore_mem, sc_vector_subcore>>
      %semaphore_signal3A_508 = arith.constant 1 : i32
      %semaphore_signal3A_509 = arith.constant 3 : i32
      tpu.sem_signal %arg9, %semaphore_signal3A_508 core_id %arg0 subcore_id %semaphore_signal3A_509 : memref<!tpu.semaphore, #tpu.memory_space<semaphore_mem, sc_vector_subcore>>
      %semaphore_signal3A_510 = arith.constant 1 : i32
      %semaphore_signal3A_511 = arith.constant 4 : i32
      tpu.sem_signal %arg9, %semaphore_signal3A_510 core_id %arg0 subcore_id %semaphore_signal3A_511 : memref<!tpu.semaphore, #tpu.memory_space<semaphore_mem, sc_vector_subcore>>
      %semaphore_signal3A_512 = arith.constant 1 : i32
      %semaphore_signal3A_513 = arith.constant 5 : i32
      tpu.sem_signal %arg9, %semaphore_signal3A_512 core_id %arg0 subcore_id %semaphore_signal3A_513 : memref<!tpu.semaphore, #tpu.memory_space<semaphore_mem, sc_vector_subcore>>
      %semaphore_signal3A_514 = arith.constant 1 : i32
      %semaphore_signal3A_515 = arith.constant 6 : i32
      tpu.sem_signal %arg9, %semaphore_signal3A_514 core_id %arg0 subcore_id %semaphore_signal3A_515 : memref<!tpu.semaphore, #tpu.memory_space<semaphore_mem, sc_vector_subcore>>
      %semaphore_signal3A_516 = arith.constant 1 : i32
      %semaphore_signal3A_517 = arith.constant 7 : i32
      tpu.sem_signal %arg9, %semaphore_signal3A_516 core_id %arg0 subcore_id %semaphore_signal3A_517 : memref<!tpu.semaphore, #tpu.memory_space<semaphore_mem, sc_vector_subcore>>
      %semaphore_signal3A_518 = arith.constant 1 : i32
      %semaphore_signal3A_519 = arith.constant 8 : i32
      tpu.sem_signal %arg9, %semaphore_signal3A_518 core_id %arg0 subcore_id %semaphore_signal3A_519 : memref<!tpu.semaphore, #tpu.memory_space<semaphore_mem, sc_vector_subcore>>
      %semaphore_signal3A_520 = arith.constant 1 : i32
      %semaphore_signal3A_521 = arith.constant 9 : i32
      tpu.sem_signal %arg9, %semaphore_signal3A_520 core_id %arg0 subcore_id %semaphore_signal3A_521 : memref<!tpu.semaphore, #tpu.memory_space<semaphore_mem, sc_vector_subcore>>
      %semaphore_signal3A_522 = arith.constant 1 : i32
      %semaphore_signal3A_523 = arith.constant 10 : i32
      tpu.sem_signal %arg9, %semaphore_signal3A_522 core_id %arg0 subcore_id %semaphore_signal3A_523 : memref<!tpu.semaphore, #tpu.memory_space<semaphore_mem, sc_vector_subcore>>
      %semaphore_signal3A_524 = arith.constant 1 : i32
      %semaphore_signal3A_525 = arith.constant 11 : i32
      tpu.sem_signal %arg9, %semaphore_signal3A_524 core_id %arg0 subcore_id %semaphore_signal3A_525 : memref<!tpu.semaphore, #tpu.memory_space<semaphore_mem, sc_vector_subcore>>
      %semaphore_signal3A_526 = arith.constant 1 : i32
      %semaphore_signal3A_527 = arith.constant 12 : i32
      tpu.sem_signal %arg9, %semaphore_signal3A_526 core_id %arg0 subcore_id %semaphore_signal3A_527 : memref<!tpu.semaphore, #tpu.memory_space<semaphore_mem, sc_vector_subcore>>
      %semaphore_signal3A_528 = arith.constant 1 : i32
      %semaphore_signal3A_529 = arith.constant 13 : i32
      tpu.sem_signal %arg9, %semaphore_signal3A_528 core_id %arg0 subcore_id %semaphore_signal3A_529 : memref<!tpu.semaphore, #tpu.memory_space<semaphore_mem, sc_vector_subcore>>
      %semaphore_signal3A_530 = arith.constant 1 : i32
      %semaphore_signal3A_531 = arith.constant 14 : i32
      tpu.sem_signal %arg9, %semaphore_signal3A_530 core_id %arg0 subcore_id %semaphore_signal3A_531 : memref<!tpu.semaphore, #tpu.memory_space<semaphore_mem, sc_vector_subcore>>
      %semaphore_signal3A_532 = arith.constant 1 : i32
      %semaphore_signal3A_533 = arith.constant 15 : i32
      tpu.sem_signal %arg9, %semaphore_signal3A_532 core_id %arg0 subcore_id %semaphore_signal3A_533 : memref<!tpu.semaphore, #tpu.memory_space<semaphore_mem, sc_vector_subcore>>
      %add3A_534 = arith.constant 2 : i32
      %add3A_535 = arith.addi %add3A_412, %add3A_534 : i32
      %lt3A_536 = arith.constant 48 : i32
      %lt3A_537 = arith.cmpi slt, %add3A_535, %lt3A_536 : i32
      %convert_element_type3A_538 = arith.extui %lt3A_537 : i1 to i32
      %cond3A_539 = arith.constant 0 : i32
      %cond3A_540 = arith.cmpi ne, %convert_element_type3A_538, %cond3A_539 : i32
      scf.if %cond3A_540 {
        %add3A_541 = arith.constant 2 : i32
        %add3A_542 = arith.addi %add3A_412, %add3A_541 : i32
        %mul3A_543 = arith.constant 200704 : i32
        %mul3A_544 = arith.muli %add3A_542, %mul3A_543 : i32
        %add3A_545 = arith.addi %mul3A_2, %mul3A_544 : i32
        %add3A_546 = arith.constant 0 : i32
        %add3A_547 = arith.addi %add3A_545, %add3A_546 : i32
        %dma_wait3A_548 = arith.constant 1 : i32
        %dma_wait3A_549 = arith.constant 0 : i32
        %dma_wait3A_550 = tpu.memref_slice %arg4[%dma_wait3A_548, %dma_wait3A_549] : memref<2x200704xf32, #tpu.memory_space<vmem_shared>> -> memref<1x50176xf32, #tpu.memory_space<vmem_shared>>
        %dma_wait3A_551 = tpu.memref_squeeze %dma_wait3A_550 : memref<1x50176xf32, #tpu.memory_space<vmem_shared>> -> memref<50176xf32, #tpu.memory_space<vmem_shared>>
        %dma_wait3A_552 = tpu.memref_slice %arg1[%add3A_547] : memref<19267584xf32, #tpu.memory_space<hbm>> -> memref<50176xf32, #tpu.memory_space<hbm>>
        tpu.wait_dma2 semaphore(%arg15 : memref<!tpu.dma_semaphore, #tpu.memory_space<semaphore_mem>>) src(%dma_wait3A_552 : memref<50176xf32, #tpu.memory_space<hbm>>) dst(%dma_wait3A_551 : memref<50176xf32, #tpu.memory_space<vmem_shared>>)
        %mul3A_553 = arith.constant 200704 : i32
        %mul3A_554 = arith.muli %add3A_542, %mul3A_553 : i32
        %add3A_555 = arith.addi %mul3A_2, %mul3A_554 : i32
        %add3A_556 = arith.constant 50176 : i32
        %add3A_557 = arith.addi %add3A_555, %add3A_556 : i32
        %dma_wait3A_558 = arith.constant 1 : i32
        %dma_wait3A_559 = arith.constant 50176 : i32
        %dma_wait3A_560 = tpu.memref_slice %arg4[%dma_wait3A_558, %dma_wait3A_559] : memref<2x200704xf32, #tpu.memory_space<vmem_shared>> -> memref<1x50176xf32, #tpu.memory_space<vmem_shared>>
        %dma_wait3A_561 = tpu.memref_squeeze %dma_wait3A_560 : memref<1x50176xf32, #tpu.memory_space<vmem_shared>> -> memref<50176xf32, #tpu.memory_space<vmem_shared>>
        %dma_wait3A_562 = tpu.memref_slice %arg1[%add3A_557] : memref<19267584xf32, #tpu.memory_space<hbm>> -> memref<50176xf32, #tpu.memory_space<hbm>>
        tpu.wait_dma2 semaphore(%arg15 : memref<!tpu.dma_semaphore, #tpu.memory_space<semaphore_mem>>) src(%dma_wait3A_562 : memref<50176xf32, #tpu.memory_space<hbm>>) dst(%dma_wait3A_561 : memref<50176xf32, #tpu.memory_space<vmem_shared>>)
        %mul3A_563 = arith.constant 200704 : i32
        %mul3A_564 = arith.muli %add3A_542, %mul3A_563 : i32
        %add3A_565 = arith.addi %mul3A_2, %mul3A_564 : i32
        %add3A_566 = arith.constant 100352 : i32
        %add3A_567 = arith.addi %add3A_565, %add3A_566 : i32
        %dma_wait3A_568 = arith.constant 1 : i32
        %dma_wait3A_569 = arith.constant 100352 : i32
        %dma_wait3A_570 = tpu.memref_slice %arg4[%dma_wait3A_568, %dma_wait3A_569] : memref<2x200704xf32, #tpu.memory_space<vmem_shared>> -> memref<1x50176xf32, #tpu.memory_space<vmem_shared>>
        %dma_wait3A_571 = tpu.memref_squeeze %dma_wait3A_570 : memref<1x50176xf32, #tpu.memory_space<vmem_shared>> -> memref<50176xf32, #tpu.memory_space<vmem_shared>>
        %dma_wait3A_572 = tpu.memref_slice %arg1[%add3A_567] : memref<19267584xf32, #tpu.memory_space<hbm>> -> memref<50176xf32, #tpu.memory_space<hbm>>
        tpu.wait_dma2 semaphore(%arg15 : memref<!tpu.dma_semaphore, #tpu.memory_space<semaphore_mem>>) src(%dma_wait3A_572 : memref<50176xf32, #tpu.memory_space<hbm>>) dst(%dma_wait3A_571 : memref<50176xf32, #tpu.memory_space<vmem_shared>>)
        %mul3A_573 = arith.constant 200704 : i32
        %mul3A_574 = arith.muli %add3A_542, %mul3A_573 : i32
        %add3A_575 = arith.addi %mul3A_2, %mul3A_574 : i32
        %add3A_576 = arith.constant 150528 : i32
        %add3A_577 = arith.addi %add3A_575, %add3A_576 : i32
        %dma_wait3A_578 = arith.constant 1 : i32
        %dma_wait3A_579 = arith.constant 150528 : i32
        %dma_wait3A_580 = tpu.memref_slice %arg4[%dma_wait3A_578, %dma_wait3A_579] : memref<2x200704xf32, #tpu.memory_space<vmem_shared>> -> memref<1x50176xf32, #tpu.memory_space<vmem_shared>>
        %dma_wait3A_581 = tpu.memref_squeeze %dma_wait3A_580 : memref<1x50176xf32, #tpu.memory_space<vmem_shared>> -> memref<50176xf32, #tpu.memory_space<vmem_shared>>
        %dma_wait3A_582 = tpu.memref_slice %arg1[%add3A_577] : memref<19267584xf32, #tpu.memory_space<hbm>> -> memref<50176xf32, #tpu.memory_space<hbm>>
        tpu.wait_dma2 semaphore(%arg15 : memref<!tpu.dma_semaphore, #tpu.memory_space<semaphore_mem>>) src(%dma_wait3A_582 : memref<50176xf32, #tpu.memory_space<hbm>>) dst(%dma_wait3A_581 : memref<50176xf32, #tpu.memory_space<vmem_shared>>)
        %semaphore_signal3A_583 = arith.constant 1 : i32
        %semaphore_signal3A_584 = arith.constant 0 : i32
        tpu.sem_signal %arg7, %semaphore_signal3A_583 core_id %arg0 subcore_id %semaphore_signal3A_584 : memref<!tpu.semaphore, #tpu.memory_space<semaphore_mem, sc_vector_subcore>>
        %semaphore_signal3A_585 = arith.constant 1 : i32
        %semaphore_signal3A_586 = arith.constant 1 : i32
        tpu.sem_signal %arg7, %semaphore_signal3A_585 core_id %arg0 subcore_id %semaphore_signal3A_586 : memref<!tpu.semaphore, #tpu.memory_space<semaphore_mem, sc_vector_subcore>>
        %semaphore_signal3A_587 = arith.constant 1 : i32
        %semaphore_signal3A_588 = arith.constant 2 : i32
        tpu.sem_signal %arg7, %semaphore_signal3A_587 core_id %arg0 subcore_id %semaphore_signal3A_588 : memref<!tpu.semaphore, #tpu.memory_space<semaphore_mem, sc_vector_subcore>>
        %semaphore_signal3A_589 = arith.constant 1 : i32
        %semaphore_signal3A_590 = arith.constant 3 : i32
        tpu.sem_signal %arg7, %semaphore_signal3A_589 core_id %arg0 subcore_id %semaphore_signal3A_590 : memref<!tpu.semaphore, #tpu.memory_space<semaphore_mem, sc_vector_subcore>>
        %semaphore_signal3A_591 = arith.constant 1 : i32
        %semaphore_signal3A_592 = arith.constant 4 : i32
        tpu.sem_signal %arg7, %semaphore_signal3A_591 core_id %arg0 subcore_id %semaphore_signal3A_592 : memref<!tpu.semaphore, #tpu.memory_space<semaphore_mem, sc_vector_subcore>>
        %semaphore_signal3A_593 = arith.constant 1 : i32
        %semaphore_signal3A_594 = arith.constant 5 : i32
        tpu.sem_signal %arg7, %semaphore_signal3A_593 core_id %arg0 subcore_id %semaphore_signal3A_594 : memref<!tpu.semaphore, #tpu.memory_space<semaphore_mem, sc_vector_subcore>>
        %semaphore_signal3A_595 = arith.constant 1 : i32
        %semaphore_signal3A_596 = arith.constant 6 : i32
        tpu.sem_signal %arg7, %semaphore_signal3A_595 core_id %arg0 subcore_id %semaphore_signal3A_596 : memref<!tpu.semaphore, #tpu.memory_space<semaphore_mem, sc_vector_subcore>>
        %semaphore_signal3A_597 = arith.constant 1 : i32
        %semaphore_signal3A_598 = arith.constant 7 : i32
        tpu.sem_signal %arg7, %semaphore_signal3A_597 core_id %arg0 subcore_id %semaphore_signal3A_598 : memref<!tpu.semaphore, #tpu.memory_space<semaphore_mem, sc_vector_subcore>>
        %semaphore_signal3A_599 = arith.constant 1 : i32
        %semaphore_signal3A_600 = arith.constant 8 : i32
        tpu.sem_signal %arg7, %semaphore_signal3A_599 core_id %arg0 subcore_id %semaphore_signal3A_600 : memref<!tpu.semaphore, #tpu.memory_space<semaphore_mem, sc_vector_subcore>>
        %semaphore_signal3A_601 = arith.constant 1 : i32
        %semaphore_signal3A_602 = arith.constant 9 : i32
        tpu.sem_signal %arg7, %semaphore_signal3A_601 core_id %arg0 subcore_id %semaphore_signal3A_602 : memref<!tpu.semaphore, #tpu.memory_space<semaphore_mem, sc_vector_subcore>>
        %semaphore_signal3A_603 = arith.constant 1 : i32
        %semaphore_signal3A_604 = arith.constant 10 : i32
        tpu.sem_signal %arg7, %semaphore_signal3A_603 core_id %arg0 subcore_id %semaphore_signal3A_604 : memref<!tpu.semaphore, #tpu.memory_space<semaphore_mem, sc_vector_subcore>>
        %semaphore_signal3A_605 = arith.constant 1 : i32
        %semaphore_signal3A_606 = arith.constant 11 : i32
        tpu.sem_signal %arg7, %semaphore_signal3A_605 core_id %arg0 subcore_id %semaphore_signal3A_606 : memref<!tpu.semaphore, #tpu.memory_space<semaphore_mem, sc_vector_subcore>>
        %semaphore_signal3A_607 = arith.constant 1 : i32
        %semaphore_signal3A_608 = arith.constant 12 : i32
        tpu.sem_signal %arg7, %semaphore_signal3A_607 core_id %arg0 subcore_id %semaphore_signal3A_608 : memref<!tpu.semaphore, #tpu.memory_space<semaphore_mem, sc_vector_subcore>>
        %semaphore_signal3A_609 = arith.constant 1 : i32
        %semaphore_signal3A_610 = arith.constant 13 : i32
        tpu.sem_signal %arg7, %semaphore_signal3A_609 core_id %arg0 subcore_id %semaphore_signal3A_610 : memref<!tpu.semaphore, #tpu.memory_space<semaphore_mem, sc_vector_subcore>>
        %semaphore_signal3A_611 = arith.constant 1 : i32
        %semaphore_signal3A_612 = arith.constant 14 : i32
        tpu.sem_signal %arg7, %semaphore_signal3A_611 core_id %arg0 subcore_id %semaphore_signal3A_612 : memref<!tpu.semaphore, #tpu.memory_space<semaphore_mem, sc_vector_subcore>>
        %semaphore_signal3A_613 = arith.constant 1 : i32
        %semaphore_signal3A_614 = arith.constant 15 : i32
        tpu.sem_signal %arg7, %semaphore_signal3A_613 core_id %arg0 subcore_id %semaphore_signal3A_614 : memref<!tpu.semaphore, #tpu.memory_space<semaphore_mem, sc_vector_subcore>>
      } else {
      }
    }
    %scan3A_275 = arith.constant 24 : i32
    %semaphore_wait3A = arith.constant 16 : i32
    %semaphore_wait3A_276 = arith.constant true
    tpu.sem_wait %arg10, %semaphore_wait3A : memref<!tpu.semaphore, #tpu.memory_space<semaphore_mem>>
    %semaphore_wait3A_277 = arith.constant 16 : i32
    %semaphore_wait3A_278 = arith.constant true
    tpu.sem_wait %arg11, %semaphore_wait3A_277 : memref<!tpu.semaphore, #tpu.memory_space<semaphore_mem>>
    return
  }
  func.func @_tec_body(%arg0: i32, %arg1: i32, %arg2: memref<19267584xf32, #tpu.memory_space<hbm>>, %arg3: memref<49152xi32, #tpu.memory_space<hbm>>, %arg4: memref<19267584xf32, #tpu.memory_space<hbm>>, %arg5: memref<2x200704xf32, #tpu.memory_space<vmem_shared>>, %arg6: memref<2x200704xf32, #tpu.memory_space<vmem_shared>>, %arg7: memref<!tpu.semaphore, #tpu.memory_space<semaphore_mem>>, %arg8: memref<!tpu.semaphore, #tpu.memory_space<semaphore_mem>>, %arg9: memref<!tpu.semaphore, #tpu.memory_space<semaphore_mem>>, %arg10: memref<!tpu.semaphore, #tpu.memory_space<semaphore_mem>>, %arg11: memref<!tpu.semaphore, #tpu.memory_space<semaphore_mem, sc_scalar_subcore>>, %arg12: memref<!tpu.semaphore, #tpu.memory_space<semaphore_mem, sc_scalar_subcore>>, %arg13: memref<!tpu.semaphore, #tpu.memory_space<semaphore_mem, sc_scalar_subcore>>, %arg14: memref<!tpu.semaphore, #tpu.memory_space<semaphore_mem, sc_scalar_subcore>>, %arg15: memref<!tpu.dma_semaphore, #tpu.memory_space<semaphore_mem, sc_scalar_subcore>>, %arg16: memref<!tpu.dma_semaphore, #tpu.memory_space<semaphore_mem, sc_scalar_subcore>>, %arg17: memref<!tpu.dma_semaphore, #tpu.memory_space<semaphore_mem, sc_scalar_subcore>>, %arg18: memref<!tpu.dma_semaphore, #tpu.memory_space<semaphore_mem, sc_scalar_subcore>>) attributes {dimension_semantics = [#tpu.dimension_semantics<core_parallel>, #tpu.dimension_semantics<subcore_parallel>], iteration_bounds = array<i64: 2, 16>, scalar_prefetch = 0 : i64, scratch_operands = 14 : i64, tpu.core_type = #tpu.core_type<sc_vector_subcore>, window_params = [{transform_indices = #map1}, {transform_indices = #map1}, {transform_indices = #map1}]} {
    "tpu.region"() ({
      %run_scoped3A = memref.alloca() : memref<49152xi32, #tpu.memory_space<vmem>>
      %run_scoped3A_0 = memref.alloca() : memref<12544xf32, #tpu.memory_space<vmem>>
      "tpu.region"() ({
        %run_scoped3A_12 = tpu.sem_alloc : memref<!tpu.dma_semaphore, #tpu.memory_space<semaphore_mem>>
        tpu.enqueue_dma source(%arg3 : memref<49152xi32, #tpu.memory_space<hbm>>) target(%run_scoped3A : memref<49152xi32, #tpu.memory_space<vmem>>) target_semaphore(%run_scoped3A_12 : memref<!tpu.dma_semaphore, #tpu.memory_space<semaphore_mem>>)
        tpu.wait_dma2 semaphore(%run_scoped3A_12 : memref<!tpu.dma_semaphore, #tpu.memory_space<semaphore_mem>>) src(%arg3 : memref<49152xi32, #tpu.memory_space<hbm>>) dst(%run_scoped3A : memref<49152xi32, #tpu.memory_space<vmem>>)
        tpu.yield
      }) : () -> ()
      %mul3A = arith.constant 48 : i32
      %mul3A_1 = arith.muli %arg0, %mul3A : i32
      %mul3A_2 = arith.constant 16 : i32
      %mul3A_3 = arith.muli %mul3A_1, %mul3A_2 : i32
      %add3A = arith.addi %mul3A_3, %arg1 : i32
      %scan3A = arith.constant 0 : i32
      %scan3A_4 = arith.constant 0 : i32
      %scan3A_5 = arith.constant 24 : i32
      %scan3A_6 = arith.addi %scan3A_4, %scan3A_5 : i32
      %scan3A_7 = arith.constant 1 : i32
      scf.for %scan3A_12 = %scan3A_4 to %scan3A_6 step %scan3A_7  : i32 {
        %mul3A_13 = arith.constant 2 : i32
        %mul3A_14 = arith.muli %scan3A_12, %mul3A_13 : i32
        %add3A_15 = arith.constant 0 : i32
        %add3A_16 = arith.addi %mul3A_14, %add3A_15 : i32
        %mul3A_17 = arith.constant 16 : i32
        %mul3A_18 = arith.muli %add3A_16, %mul3A_17 : i32
        %add3A_19 = arith.addi %add3A, %mul3A_18 : i32
        %jit3A = arith.constant 4 : i32
        %div3A = arith.divsi %add3A_19, %jit3A : i32
        %sign3A = arith.constant 0 : i32
        %sign3A_20 = arith.cmpi sgt, %add3A_19, %sign3A : i32
        %sign3A_21 = arith.extui %sign3A_20 : i1 to i32
        %sign3A_22 = arith.constant 0 : i32
        %sign3A_23 = arith.cmpi slt, %add3A_19, %sign3A_22 : i32
        %sign3A_24 = arith.extui %sign3A_23 : i1 to i32
        %sign3A_25 = arith.subi %sign3A_21, %sign3A_24 : i32
        %sign3A_26 = arith.constant 0 : i32
        %sign3A_27 = arith.cmpi sgt, %jit3A, %sign3A_26 : i32
        %sign3A_28 = arith.extui %sign3A_27 : i1 to i32
        %sign3A_29 = arith.constant 0 : i32
        %sign3A_30 = arith.cmpi slt, %jit3A, %sign3A_29 : i32
        %sign3A_31 = arith.extui %sign3A_30 : i1 to i32
        %sign3A_32 = arith.subi %sign3A_28, %sign3A_31 : i32
        %ne3A = arith.cmpi ne, %sign3A_25, %sign3A_32 : i32
        %rem3A = arith.remsi %add3A_19, %jit3A : i32
        %ne3A_33 = arith.constant 0 : i32
        %ne3A_34 = arith.cmpi ne, %rem3A, %ne3A_33 : i32
        %and3A = arith.andi %ne3A, %ne3A_34 : i1
        %sub3A = arith.constant 1 : i32
        %sub3A_35 = arith.subi %div3A, %sub3A : i32
        %select_n3A = arith.select %and3A, %sub3A_35, %div3A : i32
        %jit3A_36 = arith.constant 192 : i32
        %eq3A = arith.constant 0 : i32
        %eq3A_37 = arith.cmpi eq, %jit3A_36, %eq3A : i32
        %jit3A_38 = arith.constant 1 : i32
        %select_n3A_39 = arith.select %eq3A_37, %jit3A_38, %jit3A_36 : i32
        %rem3A_40 = arith.remsi %select_n3A, %select_n3A_39 : i32
        %ne3A_41 = arith.constant 0 : i32
        %ne3A_42 = arith.cmpi ne, %rem3A_40, %ne3A_41 : i32
        %lt3A = arith.constant 0 : i32
        %lt3A_43 = arith.cmpi slt, %rem3A_40, %lt3A : i32
        %lt3A_44 = arith.constant 0 : i32
        %lt3A_45 = arith.cmpi slt, %select_n3A_39, %lt3A_44 : i32
        %ne3A_46 = arith.xori %lt3A_43, %lt3A_45 : i1
        %and3A_47 = arith.andi %ne3A_46, %ne3A_42 : i1
        %add3A_48 = arith.addi %rem3A_40, %select_n3A_39 : i32
        %select_n3A_49 = arith.select %and3A_47, %add3A_48, %rem3A_40 : i32
        %mul3A_50 = arith.constant 256 : i32
        %mul3A_51 = arith.muli %select_n3A_49, %mul3A_50 : i32
        %broadcast_in_dim3A = vector.broadcast %mul3A_51 : i32 to vector<16xi32>
        %semaphore_wait3A_52 = arith.constant 1 : i32
        %semaphore_wait3A_53 = arith.constant true
        tpu.sem_wait %arg7, %semaphore_wait3A_52 : memref<!tpu.semaphore, #tpu.memory_space<semaphore_mem>>
        %mul3A_54 = arith.constant 12544 : i32
        %mul3A_55 = arith.muli %arg1, %mul3A_54 : i32
        %run_scoped3A_56 = arith.constant 0 : i32
        "tpu.region"() ({
          %run_scoped3A_130 = tpu.sem_alloc : memref<!tpu.dma_semaphore, #tpu.memory_space<semaphore_mem>>
          %dma_start3A = tpu.memref_slice %arg5[%run_scoped3A_56, %mul3A_55] : memref<2x200704xf32, #tpu.memory_space<vmem_shared>> -> memref<1x12544xf32, #tpu.memory_space<vmem_shared>>
          %dma_start3A_131 = tpu.memref_squeeze %dma_start3A : memref<1x12544xf32, #tpu.memory_space<vmem_shared>> -> memref<12544xf32, #tpu.memory_space<vmem_shared>>
          %dma_start3A_132 = tpu.memref_slice %arg5[%run_scoped3A_56, %mul3A_55] : memref<2x200704xf32, #tpu.memory_space<vmem_shared>> -> memref<1x12544xf32, #tpu.memory_space<vmem_shared>>
          %dma_start3A_133 = tpu.memref_squeeze %dma_start3A_132 : memref<1x12544xf32, #tpu.memory_space<vmem_shared>> -> memref<12544xf32, #tpu.memory_space<vmem_shared>>
          tpu.enqueue_dma source(%dma_start3A_133 : memref<12544xf32, #tpu.memory_space<vmem_shared>>) target(%run_scoped3A_0 : memref<12544xf32, #tpu.memory_space<vmem>>) target_semaphore(%run_scoped3A_130 : memref<!tpu.dma_semaphore, #tpu.memory_space<semaphore_mem>>)
          %dma_wait3A = tpu.memref_slice %arg5[%run_scoped3A_56, %mul3A_55] : memref<2x200704xf32, #tpu.memory_space<vmem_shared>> -> memref<1x12544xf32, #tpu.memory_space<vmem_shared>>
          %dma_wait3A_134 = tpu.memref_squeeze %dma_wait3A : memref<1x12544xf32, #tpu.memory_space<vmem_shared>> -> memref<12544xf32, #tpu.memory_space<vmem_shared>>
          %dma_wait3A_135 = tpu.memref_slice %arg5[%run_scoped3A_56, %mul3A_55] : memref<2x200704xf32, #tpu.memory_space<vmem_shared>> -> memref<1x12544xf32, #tpu.memory_space<vmem_shared>>
          %dma_wait3A_136 = tpu.memref_squeeze %dma_wait3A_135 : memref<1x12544xf32, #tpu.memory_space<vmem_shared>> -> memref<12544xf32, #tpu.memory_space<vmem_shared>>
          tpu.wait_dma2 semaphore(%run_scoped3A_130 : memref<!tpu.dma_semaphore, #tpu.memory_space<semaphore_mem>>) src(%dma_wait3A_136 : memref<12544xf32, #tpu.memory_space<vmem_shared>>) dst(%run_scoped3A_0 : memref<12544xf32, #tpu.memory_space<vmem>>)
          tpu.yield
        }) : () -> ()
        %semaphore_signal3A = arith.constant 1 : i32
        tpu.sem_signal %arg11, %semaphore_signal3A core_id %arg0 : memref<!tpu.semaphore, #tpu.memory_space<semaphore_mem, sc_scalar_subcore>>
        %parallel_loop3A = arith.constant 0 : i32
        %parallel_loop3A_57 = arith.constant 12544 : i32
        %parallel_loop3A_58 = arith.constant 16 : i32
        scf.for %parallel_loop3A_130 = %parallel_loop3A to %parallel_loop3A_57 step %parallel_loop3A_58  : i32 {
          %parallel_loop3A_131 = arith.index_cast %parallel_loop3A_130 : i32 to index
          %parallel_loop3A_132 = tpu.vector_load %run_scoped3A_0[%parallel_loop3A_131] {strides = array<i32>} : memref<12544xf32, #tpu.memory_space<vmem>>, vector<16xf32>,
          %parallel_loop3A_133 = arith.constant 3.187500e+01 : f32
          %parallel_loop3A_134 = vector.broadcast %parallel_loop3A_133 : f32 to vector<16xf32>
          %parallel_loop3A_135 = arith.mulf %parallel_loop3A_132, %parallel_loop3A_134 : vector<16xf32>
          %parallel_loop3A_136 = arith.constant 1.275000e+02 : f32
          %parallel_loop3A_137 = vector.broadcast %parallel_loop3A_136 : f32 to vector<16xf32>
          %parallel_loop3A_138 = arith.addf %parallel_loop3A_135, %parallel_loop3A_137 : vector<16xf32>
          %parallel_loop3A_139 = arith.constant 0.000000e+00 : f32
          %parallel_loop3A_140 = vector.broadcast %parallel_loop3A_139 : f32 to vector<16xf32>
          %parallel_loop3A_141 = arith.maximumf %parallel_loop3A_138, %parallel_loop3A_140 : vector<16xf32>
          %parallel_loop3A_142 = arith.constant 2.530000e+02 : f32
          %parallel_loop3A_143 = vector.broadcast %parallel_loop3A_142 : f32 to vector<16xf32>
          %parallel_loop3A_144 = arith.minimumf %parallel_loop3A_141, %parallel_loop3A_143 : vector<16xf32>
          %parallel_loop3A_145 = arith.fptosi %parallel_loop3A_144 : vector<16xf32> to vector<16xi32>
          %parallel_loop3A_146 = arith.sitofp %parallel_loop3A_145 : vector<16xi32> to vector<16xf32>
          %parallel_loop3A_147 = arith.subf %parallel_loop3A_138, %parallel_loop3A_146 : vector<16xf32>
          %parallel_loop3A_148 = arith.addi %parallel_loop3A_145, %broadcast_in_dim3A : vector<16xi32>
          %parallel_loop3A_149 = tpu.vector_load_idx %run_scoped3A[%parallel_loop3A_148] : memref<49152xi32, #tpu.memory_space<vmem>>[vector<16xi32>], vector<16xi32>,
          %parallel_loop3A_150 = arith.constant -65536 : i32
          %parallel_loop3A_151 = vector.broadcast %parallel_loop3A_150 : i32 to vector<16xi32>
          %parallel_loop3A_152 = arith.andi %parallel_loop3A_149, %parallel_loop3A_151 : vector<16xi32>
          %parallel_loop3A_153 = vector.bitcast %parallel_loop3A_152 : vector<16xi32> to vector<16xf32>
          %parallel_loop3A_154 = arith.constant 16 : i32
          %parallel_loop3A_155 = vector.broadcast %parallel_loop3A_154 : i32 to vector<16xi32>
          %parallel_loop3A_156 = arith.shli %parallel_loop3A_149, %parallel_loop3A_155 : vector<16xi32>
          %parallel_loop3A_157 = vector.bitcast %parallel_loop3A_156 : vector<16xi32> to vector<16xf32>
          %parallel_loop3A_158 = arith.mulf %parallel_loop3A_147, %parallel_loop3A_157 : vector<16xf32>
          %parallel_loop3A_159 = arith.addf %parallel_loop3A_153, %parallel_loop3A_158 : vector<16xf32>
          %parallel_loop3A_160 = arith.index_cast %parallel_loop3A_130 : i32 to index
          %parallel_loop3A_161 = tpu.vector_load %run_scoped3A_0[%parallel_loop3A_160] {strides = array<i32>} : memref<12544xf32, #tpu.memory_space<vmem>>, vector<16xf32>,
          tpu.vector_store %run_scoped3A_0[%parallel_loop3A_160], %parallel_loop3A_159 {strides = array<i32>} : memref<12544xf32, #tpu.memory_space<vmem>>, vector<16xf32>,
        } {sc.loop_unroll_factor = 8 : i64, sc.parallel_access}
        %semaphore_wait3A_59 = arith.constant 1 : i32
        %semaphore_wait3A_60 = arith.constant true
        tpu.sem_wait %arg9, %semaphore_wait3A_59 : memref<!tpu.semaphore, #tpu.memory_space<semaphore_mem>>
        %mul3A_61 = arith.constant 12544 : i32
        %mul3A_62 = arith.muli %arg1, %mul3A_61 : i32
        %run_scoped3A_63 = arith.constant 0 : i32
        "tpu.region"() ({
          %run_scoped3A_130 = tpu.sem_alloc : memref<!tpu.dma_semaphore, #tpu.memory_space<semaphore_mem>>
          %dma_start3A = tpu.memref_slice %arg6[%run_scoped3A_63, %mul3A_62] : memref<2x200704xf32, #tpu.memory_space<vmem_shared>> -> memref<1x12544xf32, #tpu.memory_space<vmem_shared>>
          %dma_start3A_131 = tpu.memref_squeeze %dma_start3A : memref<1x12544xf32, #tpu.memory_space<vmem_shared>> -> memref<12544xf32, #tpu.memory_space<vmem_shared>>
          %dma_start3A_132 = tpu.memref_slice %arg6[%run_scoped3A_63, %mul3A_62] : memref<2x200704xf32, #tpu.memory_space<vmem_shared>> -> memref<1x12544xf32, #tpu.memory_space<vmem_shared>>
          %dma_start3A_133 = tpu.memref_squeeze %dma_start3A_132 : memref<1x12544xf32, #tpu.memory_space<vmem_shared>> -> memref<12544xf32, #tpu.memory_space<vmem_shared>>
          tpu.enqueue_dma source(%run_scoped3A_0 : memref<12544xf32, #tpu.memory_space<vmem>>) target(%dma_start3A_133 : memref<12544xf32, #tpu.memory_space<vmem_shared>>) target_semaphore(%run_scoped3A_130 : memref<!tpu.dma_semaphore, #tpu.memory_space<semaphore_mem>>)
          %dma_wait3A = tpu.memref_slice %arg6[%run_scoped3A_63, %mul3A_62] : memref<2x200704xf32, #tpu.memory_space<vmem_shared>> -> memref<1x12544xf32, #tpu.memory_space<vmem_shared>>
          %dma_wait3A_134 = tpu.memref_squeeze %dma_wait3A : memref<1x12544xf32, #tpu.memory_space<vmem_shared>> -> memref<12544xf32, #tpu.memory_space<vmem_shared>>
          %dma_wait3A_135 = tpu.memref_slice %arg6[%run_scoped3A_63, %mul3A_62] : memref<2x200704xf32, #tpu.memory_space<vmem_shared>> -> memref<1x12544xf32, #tpu.memory_space<vmem_shared>>
          %dma_wait3A_136 = tpu.memref_squeeze %dma_wait3A_135 : memref<1x12544xf32, #tpu.memory_space<vmem_shared>> -> memref<12544xf32, #tpu.memory_space<vmem_shared>>
          tpu.wait_dma2 semaphore(%run_scoped3A_130 : memref<!tpu.dma_semaphore, #tpu.memory_space<semaphore_mem>>) src(%run_scoped3A_0 : memref<12544xf32, #tpu.memory_space<vmem>>) dst(%dma_wait3A_136 : memref<12544xf32, #tpu.memory_space<vmem_shared>>)
          tpu.yield
        }) : () -> ()
        %semaphore_signal3A_64 = arith.constant 1 : i32
        tpu.sem_signal %arg13, %semaphore_signal3A_64 core_id %arg0 : memref<!tpu.semaphore, #tpu.memory_space<semaphore_mem, sc_scalar_subcore>>
        %mul3A_65 = arith.constant 2 : i32
        %mul3A_66 = arith.muli %scan3A_12, %mul3A_65 : i32
        %add3A_67 = arith.constant 1 : i32
        %add3A_68 = arith.addi %mul3A_66, %add3A_67 : i32
        %mul3A_69 = arith.constant 16 : i32
        %mul3A_70 = arith.muli %add3A_68, %mul3A_69 : i32
        %add3A_71 = arith.addi %add3A, %mul3A_70 : i32
        %jit3A_72 = arith.constant 4 : i32
        %div3A_73 = arith.divsi %add3A_71, %jit3A_72 : i32
        %sign3A_74 = arith.constant 0 : i32
        %sign3A_75 = arith.cmpi sgt, %add3A_71, %sign3A_74 : i32
        %sign3A_76 = arith.extui %sign3A_75 : i1 to i32
        %sign3A_77 = arith.constant 0 : i32
        %sign3A_78 = arith.cmpi slt, %add3A_71, %sign3A_77 : i32
        %sign3A_79 = arith.extui %sign3A_78 : i1 to i32
        %sign3A_80 = arith.subi %sign3A_76, %sign3A_79 : i32
        %sign3A_81 = arith.constant 0 : i32
        %sign3A_82 = arith.cmpi sgt, %jit3A_72, %sign3A_81 : i32
        %sign3A_83 = arith.extui %sign3A_82 : i1 to i32
        %sign3A_84 = arith.constant 0 : i32
        %sign3A_85 = arith.cmpi slt, %jit3A_72, %sign3A_84 : i32
        %sign3A_86 = arith.extui %sign3A_85 : i1 to i32
        %sign3A_87 = arith.subi %sign3A_83, %sign3A_86 : i32
        %ne3A_88 = arith.cmpi ne, %sign3A_80, %sign3A_87 : i32
        %rem3A_89 = arith.remsi %add3A_71, %jit3A_72 : i32
        %ne3A_90 = arith.constant 0 : i32
        %ne3A_91 = arith.cmpi ne, %rem3A_89, %ne3A_90 : i32
        %and3A_92 = arith.andi %ne3A_88, %ne3A_91 : i1
        %sub3A_93 = arith.constant 1 : i32
        %sub3A_94 = arith.subi %div3A_73, %sub3A_93 : i32
        %select_n3A_95 = arith.select %and3A_92, %sub3A_94, %div3A_73 : i32
        %jit3A_96 = arith.constant 192 : i32
        %eq3A_97 = arith.constant 0 : i32
        %eq3A_98 = arith.cmpi eq, %jit3A_96, %eq3A_97 : i32
        %jit3A_99 = arith.constant 1 : i32
        %select_n3A_100 = arith.select %eq3A_98, %jit3A_99, %jit3A_96 : i32
        %rem3A_101 = arith.remsi %select_n3A_95, %select_n3A_100 : i32
        %ne3A_102 = arith.constant 0 : i32
        %ne3A_103 = arith.cmpi ne, %rem3A_101, %ne3A_102 : i32
        %lt3A_104 = arith.constant 0 : i32
        %lt3A_105 = arith.cmpi slt, %rem3A_101, %lt3A_104 : i32
        %lt3A_106 = arith.constant 0 : i32
        %lt3A_107 = arith.cmpi slt, %select_n3A_100, %lt3A_106 : i32
        %ne3A_108 = arith.xori %lt3A_105, %lt3A_107 : i1
        %and3A_109 = arith.andi %ne3A_108, %ne3A_103 : i1
        %add3A_110 = arith.addi %rem3A_101, %select_n3A_100 : i32
        %select_n3A_111 = arith.select %and3A_109, %add3A_110, %rem3A_101 : i32
        %mul3A_112 = arith.constant 256 : i32
        %mul3A_113 = arith.muli %select_n3A_111, %mul3A_112 : i32
        %broadcast_in_dim3A_114 = vector.broadcast %mul3A_113 : i32 to vector<16xi32>
        %semaphore_wait3A_115 = arith.constant 1 : i32
        %semaphore_wait3A_116 = arith.constant true
        tpu.sem_wait %arg8, %semaphore_wait3A_115 : memref<!tpu.semaphore, #tpu.memory_space<semaphore_mem>>
        %mul3A_117 = arith.constant 12544 : i32
        %mul3A_118 = arith.muli %arg1, %mul3A_117 : i32
        %run_scoped3A_119 = arith.constant 1 : i32
        "tpu.region"() ({
          %run_scoped3A_130 = tpu.sem_alloc : memref<!tpu.dma_semaphore, #tpu.memory_space<semaphore_mem>>
          %dma_start3A = tpu.memref_slice %arg5[%run_scoped3A_119, %mul3A_118] : memref<2x200704xf32, #tpu.memory_space<vmem_shared>> -> memref<1x12544xf32, #tpu.memory_space<vmem_shared>>
          %dma_start3A_131 = tpu.memref_squeeze %dma_start3A : memref<1x12544xf32, #tpu.memory_space<vmem_shared>> -> memref<12544xf32, #tpu.memory_space<vmem_shared>>
          %dma_start3A_132 = tpu.memref_slice %arg5[%run_scoped3A_119, %mul3A_118] : memref<2x200704xf32, #tpu.memory_space<vmem_shared>> -> memref<1x12544xf32, #tpu.memory_space<vmem_shared>>
          %dma_start3A_133 = tpu.memref_squeeze %dma_start3A_132 : memref<1x12544xf32, #tpu.memory_space<vmem_shared>> -> memref<12544xf32, #tpu.memory_space<vmem_shared>>
          tpu.enqueue_dma source(%dma_start3A_133 : memref<12544xf32, #tpu.memory_space<vmem_shared>>) target(%run_scoped3A_0 : memref<12544xf32, #tpu.memory_space<vmem>>) target_semaphore(%run_scoped3A_130 : memref<!tpu.dma_semaphore, #tpu.memory_space<semaphore_mem>>)
          %dma_wait3A = tpu.memref_slice %arg5[%run_scoped3A_119, %mul3A_118] : memref<2x200704xf32, #tpu.memory_space<vmem_shared>> -> memref<1x12544xf32, #tpu.memory_space<vmem_shared>>
          %dma_wait3A_134 = tpu.memref_squeeze %dma_wait3A : memref<1x12544xf32, #tpu.memory_space<vmem_shared>> -> memref<12544xf32, #tpu.memory_space<vmem_shared>>
          %dma_wait3A_135 = tpu.memref_slice %arg5[%run_scoped3A_119, %mul3A_118] : memref<2x200704xf32, #tpu.memory_space<vmem_shared>> -> memref<1x12544xf32, #tpu.memory_space<vmem_shared>>
          %dma_wait3A_136 = tpu.memref_squeeze %dma_wait3A_135 : memref<1x12544xf32, #tpu.memory_space<vmem_shared>> -> memref<12544xf32, #tpu.memory_space<vmem_shared>>
          tpu.wait_dma2 semaphore(%run_scoped3A_130 : memref<!tpu.dma_semaphore, #tpu.memory_space<semaphore_mem>>) src(%dma_wait3A_136 : memref<12544xf32, #tpu.memory_space<vmem_shared>>) dst(%run_scoped3A_0 : memref<12544xf32, #tpu.memory_space<vmem>>)
          tpu.yield
        }) : () -> ()
        %semaphore_signal3A_120 = arith.constant 1 : i32
        tpu.sem_signal %arg12, %semaphore_signal3A_120 core_id %arg0 : memref<!tpu.semaphore, #tpu.memory_space<semaphore_mem, sc_scalar_subcore>>
        %parallel_loop3A_121 = arith.constant 0 : i32
        %parallel_loop3A_122 = arith.constant 12544 : i32
        %parallel_loop3A_123 = arith.constant 16 : i32
        scf.for %parallel_loop3A_130 = %parallel_loop3A_121 to %parallel_loop3A_122 step %parallel_loop3A_123  : i32 {
          %parallel_loop3A_131 = arith.index_cast %parallel_loop3A_130 : i32 to index
          %parallel_loop3A_132 = tpu.vector_load %run_scoped3A_0[%parallel_loop3A_131] {strides = array<i32>} : memref<12544xf32, #tpu.memory_space<vmem>>, vector<16xf32>,
          %parallel_loop3A_133 = arith.constant 3.187500e+01 : f32
          %parallel_loop3A_134 = vector.broadcast %parallel_loop3A_133 : f32 to vector<16xf32>
          %parallel_loop3A_135 = arith.mulf %parallel_loop3A_132, %parallel_loop3A_134 : vector<16xf32>
          %parallel_loop3A_136 = arith.constant 1.275000e+02 : f32
          %parallel_loop3A_137 = vector.broadcast %parallel_loop3A_136 : f32 to vector<16xf32>
          %parallel_loop3A_138 = arith.addf %parallel_loop3A_135, %parallel_loop3A_137 : vector<16xf32>
          %parallel_loop3A_139 = arith.constant 0.000000e+00 : f32
          %parallel_loop3A_140 = vector.broadcast %parallel_loop3A_139 : f32 to vector<16xf32>
          %parallel_loop3A_141 = arith.maximumf %parallel_loop3A_138, %parallel_loop3A_140 : vector<16xf32>
          %parallel_loop3A_142 = arith.constant 2.530000e+02 : f32
          %parallel_loop3A_143 = vector.broadcast %parallel_loop3A_142 : f32 to vector<16xf32>
          %parallel_loop3A_144 = arith.minimumf %parallel_loop3A_141, %parallel_loop3A_143 : vector<16xf32>
          %parallel_loop3A_145 = arith.fptosi %parallel_loop3A_144 : vector<16xf32> to vector<16xi32>
          %parallel_loop3A_146 = arith.sitofp %parallel_loop3A_145 : vector<16xi32> to vector<16xf32>
          %parallel_loop3A_147 = arith.subf %parallel_loop3A_138, %parallel_loop3A_146 : vector<16xf32>
          %parallel_loop3A_148 = arith.addi %parallel_loop3A_145, %broadcast_in_dim3A_114 : vector<16xi32>
          %parallel_loop3A_149 = tpu.vector_load_idx %run_scoped3A[%parallel_loop3A_148] : memref<49152xi32, #tpu.memory_space<vmem>>[vector<16xi32>], vector<16xi32>,
          %parallel_loop3A_150 = arith.constant -65536 : i32
          %parallel_loop3A_151 = vector.broadcast %parallel_loop3A_150 : i32 to vector<16xi32>
          %parallel_loop3A_152 = arith.andi %parallel_loop3A_149, %parallel_loop3A_151 : vector<16xi32>
          %parallel_loop3A_153 = vector.bitcast %parallel_loop3A_152 : vector<16xi32> to vector<16xf32>
          %parallel_loop3A_154 = arith.constant 16 : i32
          %parallel_loop3A_155 = vector.broadcast %parallel_loop3A_154 : i32 to vector<16xi32>
          %parallel_loop3A_156 = arith.shli %parallel_loop3A_149, %parallel_loop3A_155 : vector<16xi32>
          %parallel_loop3A_157 = vector.bitcast %parallel_loop3A_156 : vector<16xi32> to vector<16xf32>
          %parallel_loop3A_158 = arith.mulf %parallel_loop3A_147, %parallel_loop3A_157 : vector<16xf32>
          %parallel_loop3A_159 = arith.addf %parallel_loop3A_153, %parallel_loop3A_158 : vector<16xf32>
          %parallel_loop3A_160 = arith.index_cast %parallel_loop3A_130 : i32 to index
          %parallel_loop3A_161 = tpu.vector_load %run_scoped3A_0[%parallel_loop3A_160] {strides = array<i32>} : memref<12544xf32, #tpu.memory_space<vmem>>, vector<16xf32>,
          tpu.vector_store %run_scoped3A_0[%parallel_loop3A_160], %parallel_loop3A_159 {strides = array<i32>} : memref<12544xf32, #tpu.memory_space<vmem>>, vector<16xf32>,
        } {sc.loop_unroll_factor = 8 : i64, sc.parallel_access}
        %semaphore_wait3A_124 = arith.constant 1 : i32
        %semaphore_wait3A_125 = arith.constant true
        tpu.sem_wait %arg10, %semaphore_wait3A_124 : memref<!tpu.semaphore, #tpu.memory_space<semaphore_mem>>
        %mul3A_126 = arith.constant 12544 : i32
        %mul3A_127 = arith.muli %arg1, %mul3A_126 : i32
        %run_scoped3A_128 = arith.constant 1 : i32
        "tpu.region"() ({
          %run_scoped3A_130 = tpu.sem_alloc : memref<!tpu.dma_semaphore, #tpu.memory_space<semaphore_mem>>
          %dma_start3A = tpu.memref_slice %arg6[%run_scoped3A_128, %mul3A_127] : memref<2x200704xf32, #tpu.memory_space<vmem_shared>> -> memref<1x12544xf32, #tpu.memory_space<vmem_shared>>
          %dma_start3A_131 = tpu.memref_squeeze %dma_start3A : memref<1x12544xf32, #tpu.memory_space<vmem_shared>> -> memref<12544xf32, #tpu.memory_space<vmem_shared>>
          %dma_start3A_132 = tpu.memref_slice %arg6[%run_scoped3A_128, %mul3A_127] : memref<2x200704xf32, #tpu.memory_space<vmem_shared>> -> memref<1x12544xf32, #tpu.memory_space<vmem_shared>>
          %dma_start3A_133 = tpu.memref_squeeze %dma_start3A_132 : memref<1x12544xf32, #tpu.memory_space<vmem_shared>> -> memref<12544xf32, #tpu.memory_space<vmem_shared>>
          tpu.enqueue_dma source(%run_scoped3A_0 : memref<12544xf32, #tpu.memory_space<vmem>>) target(%dma_start3A_133 : memref<12544xf32, #tpu.memory_space<vmem_shared>>) target_semaphore(%run_scoped3A_130 : memref<!tpu.dma_semaphore, #tpu.memory_space<semaphore_mem>>)
          %dma_wait3A = tpu.memref_slice %arg6[%run_scoped3A_128, %mul3A_127] : memref<2x200704xf32, #tpu.memory_space<vmem_shared>> -> memref<1x12544xf32, #tpu.memory_space<vmem_shared>>
          %dma_wait3A_134 = tpu.memref_squeeze %dma_wait3A : memref<1x12544xf32, #tpu.memory_space<vmem_shared>> -> memref<12544xf32, #tpu.memory_space<vmem_shared>>
          %dma_wait3A_135 = tpu.memref_slice %arg6[%run_scoped3A_128, %mul3A_127] : memref<2x200704xf32, #tpu.memory_space<vmem_shared>> -> memref<1x12544xf32, #tpu.memory_space<vmem_shared>>
          %dma_wait3A_136 = tpu.memref_squeeze %dma_wait3A_135 : memref<1x12544xf32, #tpu.memory_space<vmem_shared>> -> memref<12544xf32, #tpu.memory_space<vmem_shared>>
          tpu.wait_dma2 semaphore(%run_scoped3A_130 : memref<!tpu.dma_semaphore, #tpu.memory_space<semaphore_mem>>) src(%run_scoped3A_0 : memref<12544xf32, #tpu.memory_space<vmem>>) dst(%dma_wait3A_136 : memref<12544xf32, #tpu.memory_space<vmem_shared>>)
          tpu.yield
        }) : () -> ()
        %semaphore_signal3A_129 = arith.constant 1 : i32
        tpu.sem_signal %arg14, %semaphore_signal3A_129 core_id %arg0 : memref<!tpu.semaphore, #tpu.memory_space<semaphore_mem, sc_scalar_subcore>>
      }
      %scan3A_8 = arith.constant 24 : i32
      %semaphore_wait3A = arith.constant 1 : i32
      %semaphore_wait3A_9 = arith.constant true
      tpu.sem_wait %arg9, %semaphore_wait3A : memref<!tpu.semaphore, #tpu.memory_space<semaphore_mem>>
      %semaphore_wait3A_10 = arith.constant 1 : i32
      %semaphore_wait3A_11 = arith.constant true
      tpu.sem_wait %arg10, %semaphore_wait3A_10 : memref<!tpu.semaphore, #tpu.memory_space<semaphore_mem>>
      tpu.yield
    }) : () -> ()
    return
  }
}

module attributes {stable_mosaic.version = 14 : i64} {
  func.func @_prep_body(%arg0: memref<192x256xf32, #tpu.memory_space<vmem>>, %arg1: memref<192x256xi32, #tpu.memory_space<vmem>>) attributes {dimension_semantics = [], scalar_prefetch = 0 : i64, scratch_operands = 0 : i64, tpu.core_type = #tpu.core_type<tc>} {
    %get3A = arith.constant 0 : index
    %get3A_0 = arith.constant 0 : index
    %get3A_1 = vector.load %arg0[%get3A, %get3A_0] : memref<192x256xf32, #tpu.memory_space<vmem>>, vector<192x256xf32>
    %slice3A = vector.extract_strided_slice %get3A_1 {offsets = [0, 1], sizes = [192, 255], strides = [1, 1]} : vector<192x256xf32> to vector<192x255xf32>
    %slice3A_2 = vector.extract_strided_slice %get3A_1 {offsets = [0, 255], sizes = [192, 1], strides = [1, 1]} : vector<192x256xf32> to vector<192x1xf32>
    %concatenate3A = tpu.concatenate %slice3A, %slice3A_2 in 1 : vector<192x255xf32>, vector<192x1xf32> -> vector<192x256xf32>
    %sub3A = arith.subf %concatenate3A, %get3A_1 : vector<192x256xf32>
    %max3A = arith.constant 0.000000e+00 : f32
    %max3A_3 = vector.broadcast %max3A : f32 to vector<192x256xf32>
    %max3A_4 = arith.maximumf %sub3A, %max3A_3 : vector<192x256xf32>
    %iota3A = tpu.iota {dimensions = array<i32: 1>} : vector<192x256xi32>
    %eq3A = arith.constant 0 : i32
    %eq3A_5 = vector.broadcast %eq3A : i32 to vector<192x256xi32>
    %eq3A_6 = arith.cmpi eq, %iota3A, %eq3A_5 : vector<192x256xi32>
    %ge3A = arith.constant 254 : i32
    %ge3A_7 = vector.broadcast %ge3A : i32 to vector<192x256xi32>
    %ge3A_8 = arith.cmpi sge, %iota3A, %ge3A_7 : vector<192x256xi32>
    %or3A = arith.ori %eq3A_6, %ge3A_8 : vector<192x256xi1>
    %jit3A = arith.constant 0.000000e+00 : f32
    %broadcast_in_dim3A = vector.broadcast %jit3A : f32 to vector<192x256xf32>
    %select_n3A = arith.select %or3A, %broadcast_in_dim3A, %max3A_4 : vector<192x256xi1>, vector<192x256xf32>
    %iota3A_9 = tpu.iota {dimensions = array<i32: 0>} : vector<256x256xi32>
    %iota3A_10 = tpu.iota {dimensions = array<i32: 1>} : vector<256x256xi32>
    %lt3A = arith.cmpi slt, %iota3A_9, %iota3A_10 : vector<256x256xi32>
    %convert_element_type3A = arith.extui %lt3A : vector<256x256xi1> to vector<256x256xi32>
    %convert_element_type3A_11 = arith.sitofp %convert_element_type3A : vector<256x256xi32> to vector<256x256xf32>
    %dot_general3A = arith.constant dense<0.000000e+00> : vector<192x256xf32>
    %dot_general3A_12 = tpu.matmul %select_n3A, %convert_element_type3A_11, %dot_general3A {dimension_numbers = #tpu.dot_dimension_numbers<[1], [0], [0], [1], [0, 0, 1, 1], [], []>, transpose_lhs_hint = false} : vector<192x256xf32>, vector<256x256xf32>, vector<192x256xf32> -> vector<192x256xf32>
    %slice3A_13 = vector.extract_strided_slice %dot_general3A_12 {offsets = [0, 128], sizes = [192, 1], strides = [1, 1]} : vector<192x256xf32> to vector<192x1xf32>
    %sub3A_14 = vector.broadcast %slice3A_13 : vector<192x1xf32> to vector<192x256xf32>
    %sub3A_15 = arith.subf %dot_general3A_12, %sub3A_14 : vector<192x256xf32>
    %add3A = arith.constant 0.0156862754 : f32
    %add3A_16 = vector.broadcast %add3A : f32 to vector<192x256xf32>
    %add3A_17 = arith.addf %sub3A_15, %add3A_16 : vector<192x256xf32>
    %slice3A_18 = vector.extract_strided_slice %add3A_17 {offsets = [0, 1], sizes = [192, 255], strides = [1, 1]} : vector<192x256xf32> to vector<192x255xf32>
    %slice3A_19 = vector.extract_strided_slice %add3A_17 {offsets = [0, 255], sizes = [192, 1], strides = [1, 1]} : vector<192x256xf32> to vector<192x1xf32>
    %concatenate3A_20 = tpu.concatenate %slice3A_18, %slice3A_19 in 1 : vector<192x255xf32>, vector<192x1xf32> -> vector<192x256xf32>
    %sub3A_21 = arith.subf %concatenate3A_20, %add3A_17 : vector<192x256xf32>
    %convert_element_type3A_22 = arith.truncf %add3A_17 : vector<192x256xf32> to vector<192x256xbf16>
    %convert_element_type3A_23 = arith.extf %convert_element_type3A_22 : vector<192x256xbf16> to vector<192x256xf32>
    %bitcast_convert_type3A = tpu.bitcast %convert_element_type3A_23 : vector<192x256xf32> -> vector<192x256xi32>
    %convert_element_type3A_24 = arith.truncf %sub3A_21 : vector<192x256xf32> to vector<192x256xbf16>
    %convert_element_type3A_25 = arith.extf %convert_element_type3A_24 : vector<192x256xbf16> to vector<192x256xf32>
    %bitcast_convert_type3A_26 = tpu.bitcast %convert_element_type3A_25 : vector<192x256xf32> -> vector<192x256xi32>
    %shift_right_logical3A = arith.constant 16 : i32
    %shift_right_logical3A_27 = vector.broadcast %shift_right_logical3A : i32 to vector<192x256xi32>
    %shift_right_logical3A_28 = arith.shrui %bitcast_convert_type3A_26, %shift_right_logical3A_27 : vector<192x256xi32>
    %or3A_29 = arith.ori %bitcast_convert_type3A, %shift_right_logical3A_28 : vector<192x256xi32>
    %swap3A = arith.constant 0 : index
    %swap3A_30 = arith.constant 0 : index
    %swap3A_31 = vector.load %arg1[%swap3A, %swap3A_30] : memref<192x256xi32, #tpu.memory_space<vmem>>, vector<192x256xi32>
    tpu.vector_store %arg1[%swap3A, %swap3A_30], %or3A_29 {strides = array<i32>} : memref<192x256xi32, #tpu.memory_space<vmem>>, vector<192x256xi32>,
    return
  }
}

</mosaic_0001>

<sc_bundles>
// kernel: kernel.4.cloned.1.call-start
scs
__scs_entry_jumppad:
0x0: {  	(pc) =	sbr.rel $0x88, $3  }
0x1: {  	(tag) =	ssettag $0x0;
	lr =	simm.s32 $0x1  }
0x2: {  	[smem:$0x3F9F] =	sst lr;
	_ =	strace $0xD0000000  }
0x3: {  	_ = 	snop  }
0x4: {  	_ = 	snop  }
0x5: {  	_ = 	snop  }
0x6: {  	_ = 	snop  }
0x7: {  	_ = 	snop  }
__scs_overlays_trampoline_lowered:
0x8: {  	[smem:$0x3FAE] =	sst s0  }
0x9: {  	[smem:$0x3FAF] =	sst s1  }
0xa: {  	[smem:$0x3FB0] =	sst s2  }
0xb: {  	[smem:$0x3FB1] =	sst s3  }
0xc: {  	[smem:$0x3FB2] =	sst s4  }
0xd: {  	[smem:$0x3FB3] =	sst s5  }
0xe: {  	[smem:$0x3FB4] =	sst s6  }
0xf: {  	[smem:$0x3FB5] =	sst s7  }
0x10: {  	[smem:$0x3FB6] =	sst s8  }
0x11: {  	[smem:$0x3FB7] =	sst s9;
	s0 =	simm.s32 @!p0 $0x0  }
0x12: {  	s1 =	sld [smem:$0x3F9D];
	s0 =	simm.s32 @p0 $0x1  }
0x13: {  	[smem:$0x3FB8] =	sst s0;
	s0 =	simm.s32 @!p1 $0x0  }
0x14: {  	s2 =	sld [smem:$0x3F9C];
	s0 =	simm.s32 @p1 $0x1  }
0x15: {  	[smem:$0x3FB9] =	sst s0;
	s0 =	simm.s32 @!p2 $0x0  }
0x16: {  	s3 =	sld [smem:$0x3FDB];
	s0 =	simm.s32 @p2 $0x1  }
0x17: {  	s4 =	simm.s32 $0x1BF5;
	[smem:$0x3FBB] =	sst s0  }
0x18: {  	s0 =	sld [smem:$0x3F9E];
	_ =	swait.ge [sflag:s4], $0x0  }
0x19: {  	s7 =	sld [smem:$0x3F9F]  }
0x1a: {  	s8 =	sadd.s32 $0xFFFFE003, lr  }
0x1b: {  	s9 =	sadd.s32 $0xFFFFFEF7, lr;
	s5 =	simm.s32 $0xFFFFFFFF;
	p2 =	slt.u32 s8, $0xFFFFF086  }
0x1c: {  	p1 =	slt.u32 s9, $0xF7A;
	s5 =	simm.s32 @!p2 $0x0  }
0x1d: {  	s5 =	simm.s32 @p1 $0x1;
	p0 =	seq.s32 s7, s2  }
0x1e: {  	s7 =	smul.u32 @!p0 $0xF7A, s2;
	p2 =	seq.s32 @!p0 s5, $0x0  }
0x1f: {  	s9 =	smul.u32 $0xF7A, s1;
	s8 =	simm.s32 @!p0 $0x1BF5;
	p2 =	por !p2, p0  }
0x20: {  	[sflag:s8] =	ssyncset.s32 @!p0 $0xFFFFF086;
	s6 =	sadd.s32 @!p0 s3, s7;
	s7 =	simm.s32 @!p0 $0x108  }
0x21: {  	s3 =	sadd.s32 s3, s9;
	s6 =	sadd.s32 @!p0 $0x88, s6;
	s7 =	simm.s32 @p2 $0x1082  }
0x22: {  	[simem:s7], [sflag:s8] =	dma.local @!p0 [hbm:s6], $0xF7A  }
0x23: {  	s9 =	sor.u32 $0xD0000000, s2;
	s6 =	simm.s32 $0x108;
	_ =	swait.ge @!p0 [sflag:s8], $0x0  }
0x24: {  	s3 =	sadd.s32 $0x88, s3;
	s6 =	simm.s32 @!p1 $0x1082;
	[sflag:s4] =	ssyncset.s32 $0xFFFFF086  }
0x25: {  	[simem:s6], [sflag:s4] =	dma.local [hbm:s3], $0xF7A  }
0x26: {  	[smem:$0x3F9F] =	sst s1;
	(tag) =	ssettag s2;
	_ =	strace s9  }
0x27: {  	s1 =	sld [smem:$0x3FAF]  }
0x28: {  	s2 =	sld [smem:$0x3FB0]  }
0x29: {  	s4 =	sld [smem:$0x3FB2]  }
0x2a: {  	p0 =	seq.s32 s5, $0x0;
	s5 =	sld [smem:$0x3FB3]  }
0x2b: {  	s6 =	sld [smem:$0x3FB4]  }
0x2c: {  	s7 =	sld [smem:$0x3FB5]  }
0x2d: {  	s3 =	simm.s32 $0x108;
	s8 =	sld [smem:$0x3FB6]  }
0x2e: {  	s3 =	simm.s32 @!p0 $0x1082;
	s9 =	sld [smem:$0x3FB7]  }
0x2f: {  	lr =	sadd.s32 s0, s3;
	s0 =	sld [smem:$0x3FAE]  }
0x30: {  	s3 =	sld [smem:$0x3FB1]  }
0x31: {  	[smem:$0x3FBA] =	sst s10  }
0x32: {  	s10 =	sld [smem:$0x3FB8];
	_ =	sdelay $0x3  }
0x33: {  	p0 =	seq.s32 s10, $0x1;
	s10 =	sld [smem:$0x3FBA];
	_ =	sdelay $0x3  }
0x34: {  	[smem:$0x3FBA] =	sst s10  }
0x35: {  	s10 =	sld [smem:$0x3FB9];
	_ =	sdelay $0x3  }
0x36: {  	p1 =	seq.s32 s10, $0x1;
	s10 =	sld [smem:$0x3FBA];
	_ =	sdelay $0x3  }
0x37: {  	[smem:$0x3FBA] =	sst s10  }
0x38: {  	s10 =	sld [smem:$0x3FBB]  }
0x39: {  	_ = 	snop;
	(pc) =	sbr.ind lr, $3  }
0x3a: {  	_ = 	snop  }
0x3b: {  	_ = 	snop  }
0x3c: {  	p2 =	seq.s32 s10, $0x1;
	s10 =	sld [smem:$0x3FBA]  }
0x3d: {  	_ =	shalt  }
0x3e: {  	_ =	shalt  }
0x3f: {  	_ =	shalt  }
0x40: {  	_ =	shalt  }
0x41: {  	_ =	shalt  }
0x42: {  	_ =	shalt  }
0x43: {  	_ =	shalt  }
0x44: {  	_ =	shalt  }
0x45: {  	_ =	shalt  }
0x46: {  	_ =	shalt  }
0x47: {  	_ =	shalt  }
0x48: {  	_ =	shalt  }
0x49: {  	_ =	shalt  }
0x4a: {  	_ =	shalt  }
0x4b: {  	_ =	shalt  }
0x4c: {  	_ =	shalt  }
0x4d: {  	_ =	shalt  }
0x4e: {  	_ =	shalt  }
0x4f: {  	_ =	shalt  }
0x50: {  	_ =	shalt  }
0x51: {  	_ =	shalt  }
0x52: {  	_ =	shalt  }
0x53: {  	_ =	shalt  }
0x54: {  	_ =	shalt  }
0x55: {  	_ =	shalt  }
0x56: {  	_ =	shalt  }
0x57: {  	_ =	shalt  }
0x58: {  	_ =	shalt  }
0x59: {  	_ =	shalt  }
0x5a: {  	_ =	shalt  }
0x5b: {  	_ =	shalt  }
0x5c: {  	_ =	shalt  }
0x5d: {  	_ =	shalt  }
0x5e: {  	_ =	shalt  }
0x5f: {  	_ =	shalt  }
0x60: {  	_ =	shalt  }
0x61: {  	_ =	shalt  }
0x62: {  	_ =	shalt  }
0x63: {  	_ =	shalt  }
0x64: {  	_ =	shalt  }
0x65: {  	_ =	shalt  }
0x66: {  	_ =	shalt  }
0x67: {  	_ =	shalt  }
0x68: {  	_ =	shalt  }
0x69: {  	_ =	shalt  }
0x6a: {  	_ =	shalt  }
0x6b: {  	_ =	shalt  }
0x6c: {  	_ =	shalt  }
0x6d: {  	_ =	shalt  }
0x6e: {  	_ =	shalt  }
0x6f: {  	_ =	shalt  }
0x70: {  	_ =	shalt  }
0x71: {  	_ =	shalt  }
0x72: {  	_ =	shalt  }
0x73: {  	_ =	shalt  }
0x74: {  	_ =	shalt  }
0x75: {  	_ =	shalt  }
0x76: {  	_ =	shalt  }
0x77: {  	_ =	shalt  }
0x78: {  	_ =	shalt  }
0x79: {  	_ =	shalt  }
0x7a: {  	_ =	shalt  }
0x7b: {  	_ =	shalt  }
0x7c: {  	_ =	shalt  }
0x7d: {  	_ =	shalt  }
0x7e: {  	_ =	shalt  }
0x7f: {  	_ =	shalt  }
0x80: {  	_ =	shalt  }
0x81: {  	_ =	shalt  }
0x82: {  	_ =	shalt  }
0x83: {  	_ =	shalt  }
0x84: {  	_ =	shalt  }
0x85: {  	_ =	shalt  }
0x86: {  	_ =	shalt  }
0x87: {  	_ =	shalt  }
.Lfunc_end0:
.L_simem_size_0:
called_computation_lowered:
.L_overlay_start_0:
0x88: {  	s0 =	sld [smem:$0x3FD9]  }
0x89: {  	s1 =	sld [smem:$0x3FFE];
	_ =	sdelay $0x1  }
0x8a: {  	s4 =	srdreg.scid  }
0x8b: {  	s6 =	sand.u32 $0x1, s4  }
0x8c: {  	s13 =	sshll.u32 s6, $0xA;
	s0 =	sadd.s32 s1, s0  }
0x8d: {  	s0 =	sadd.s32 s0, s13  }
0x8e: {  	s23 =	simm.s32 $0x0;
	[smem:$0x3FC6] =	sst s0  }
0x8f: {  	[smem:$0xF] =	sst s23  }
0x90: {  	s13 =	sld [smem:$0x3FD0];
	(tm) =	ssettm $0x1  }
0x91: {  	s14 =	sld [smem:$0x3FFB];
	_ =	sdelay $0x3  }
0x92: {  	_ =	strace s14  }
0x93: {  	s0 =	sld [smem:$0x3FFC];
	_ =	sdelay $0x3  }
0x94: {  	_ =	strace s0  }
0x95: {  	s0 =	sld [smem:$0x3FFD];
	_ =	sdelay $0x3  }
0x96: {  	_ =	strace s0  }
0x97: {  	_ =	strace $0x8FFFFFFF  }
0x98: {  	s15 =	sld [smem:$0x3FDB];
	_ =	sdelay $0x2  }
0x99: {  	s16 =	simm.s32 $_scs_section_size;
	s2 =	simm.s32 $_tile_overlayer_lowered  }
0x9a: {  	s17 =	simm.s32 $_size__tile_overlayer_lowered;
	s2 =	sshll.u32 s2, $0x1;
	s1 =	sadd.s32 s16, s15  }
0x9b: {  	s3 =	simm.s32 $0x1BFF;
	s0 =	sshll.u32 s17, $0x1;
	s2 =	sadd.s32 s2, s1  }
0x9c: {  	[timem:s23], [sflag:s3] =	dma.local [hbm:s2], s0  }
0x9d: {  	_ =	swait.ge [sflag:s3], s0  }
0x9e: {  	s0 =	ssub.s32 $0x0, s0;
	[sflag:s3] =	ssyncset.done $0x0  }
0x9f: {  	[sflag:s3] =	ssyncadd.s32 s0;
	_ =	sdelay $0x1  }
0xa0: {  	s18 =	simm.s32 $0x1B8B  }
0xa1: {  	_ =	swait.ge [sflag:s18], $0x1  }
0xa2: {  	[sflag:s18] =	ssyncset.done $0x0  }
0xa3: {  	s19 =	simm.s32 $0x1B8E;
	s0 =	sld [smem:$0x3FFE];
	[sflag:s18] =	ssyncadd.s32 $0xFFFFFFFF  }
0xa4: {  	s20 =	simm.s32 $execute0_lowered;
	[smem:$0x3FD2] =	sst s19  }
0xa5: {  	s2 =	sshll.u32 s20, $0x1;
	_ =	strace $0x80000046;
	[dreg:$0x1] =	wrdreg $0xFFFFFFFF  }
0xa6: {  	s21 =	simm.s32 $_size_execute0_lowered;
	s1 =	sadd.s32 s1, s2;
	[dreg:$0x0] =	wrdreg $0x0  }
0xa7: {  	s2 =	sshll.u32 s21, $0x1;
	[dreg:$0x2] =	wrdreg s1  }
0xa8: {  	[dreg:$0x3] =	wrdreg s2  }
0xa9: {  	[dreg:$0x4] =	wrdreg $0xC0  }
0xaa: {  	_ =	task [dreg:s23], $0x5FFFF  }
0xab: {  	[dreg:$0x1] =	wrdreg $0xFFFFFFFF  }
0xac: {  	[dreg:$0x0] =	wrdreg $0x60  }
0xad: {  	[dreg:$0x2] =	wrdreg s0  }
0xae: {  	[dreg:$0x3] =	wrdreg $0x0  }
0xaf: {  	[dreg:$0x4] =	wrdreg $0x62000  }
0xb0: {  	[dreg:$0x5] =	wrdreg $0x9  }
0xb1: {  	_ =	task.clear_ibuf [dreg:s23], $0x6FFFF  }
0xb2: {  	s22 =	sld [smem:$0x0];
	_ =	sdelay $0x2  }
0xb3: {  	s24 =	sand.u32 $0x3, s4;
	s4 =	sshrl.u32 s4, $0x2  }
0xb4: {  	s2 =	sor.u32 $0x4, s24;
	s1 =	sadd.s32 s4, s22  }
0xb5: {  	s5 =	sshll.u32 s2, $0xE;
	s1 =	sshll.u32 s1, $0x11  }
0xb6: {  	s1 =	sor.u32 s1, s5  }
0xb7: {  	s25 =	sor.u32 $0x1C03, s1  }
0xb8: {  	s26 =	sor.u32 $0x1C43, s1;
	[sflag:s25] =	ssyncadd.remote.s32 $0x1  }
0xb9: {  	s28 =	sor.u32 $0x1C83, s1;
	[sflag:s26] =	ssyncadd.remote.s32 $0x1  }
0xba: {  	s31 =	sor.u32 $0x1CC3, s1;
	[sflag:s28] =	ssyncadd.remote.s32 $0x1  }
0xbb: {  	s3 =	sor.u32 $0x1D03, s1;
	[sflag:s31] =	ssyncadd.remote.s32 $0x1  }
0xbc: {  	s7 =	sor.u32 $0x1D43, s1;
	[sflag:s3] =	ssyncadd.remote.s32 $0x1  }
0xbd: {  	s8 =	sor.u32 $0x1D83, s1;
	[sflag:s7] =	ssyncadd.remote.s32 $0x1  }
0xbe: {  	s9 =	sor.u32 $0x1DC3, s1;
	[sflag:s8] =	ssyncadd.remote.s32 $0x1  }
0xbf: {  	s10 =	sor.u32 $0x1E03, s1;
	[sflag:s9] =	ssyncadd.remote.s32 $0x1  }
0xc0: {  	s11 =	sor.u32 $0x1E43, s1;
	[sflag:s10] =	ssyncadd.remote.s32 $0x1  }
0xc1: {  	s12 =	sor.u32 $0x1E83, s1;
	[sflag:s11] =	ssyncadd.remote.s32 $0x1  }
0xc2: {  	s14 =	sor.u32 $0x1EC3, s1;
	[sflag:s12] =	ssyncadd.remote.s32 $0x1  }
0xc3: {  	s15 =	sor.u32 $0x1F03, s1;
	[sflag:s14] =	ssyncadd.remote.s32 $0x1  }
0xc4: {  	s16 =	sor.u32 $0x1F43, s1;
	[sflag:s15] =	ssyncadd.remote.s32 $0x1  }
0xc5: {  	s17 =	sor.u32 $0x1F83, s1;
	[sflag:s16] =	ssyncadd.remote.s32 $0x1  }
0xc6: {  	s18 =	sor.u32 $0x1FC3, s1;
	[sflag:s17] =	ssyncadd.remote.s32 $0x1  }
0xc7: {  	s19 =	sor.u32 $0x1C04, s1;
	[sflag:s18] =	ssyncadd.remote.s32 $0x1  }
0xc8: {  	[dreg:$0x6] =	wrdreg s6;
	s20 =	sor.u32 $0x1C44, s1;
	[sflag:s19] =	ssyncadd.remote.s32 $0x1  }
0xc9: {  	s21 =	sor.u32 $0x1C84, s1;
	s22 =	sor.u32 $0x1CC4, s1;
	[sflag:s20] =	ssyncadd.remote.s32 $0x1  }
0xca: {  	s24 =	sor.u32 $0x1D04, s1;
	s25 =	sor.u32 $0x1D44, s1;
	[sflag:s21] =	ssyncadd.remote.s32 $0x1  }
0xcb: {  	s26 =	sor.u32 $0x1D84, s1;
	s28 =	sor.u32 $0x1DC4, s1;
	[sflag:s22] =	ssyncadd.remote.s32 $0x1  }
0xcc: {  	s31 =	sor.u32 $0x1E04, s1;
	s3 =	sor.u32 $0x1E44, s1;
	[sflag:s24] =	ssyncadd.remote.s32 $0x1  }
0xcd: {  	s7 =	sor.u32 $0x1E84, s1;
	s12 =	smul.u32 $0x126000, s6;
	[sflag:s25] =	ssyncadd.remote.s32 $0x1  }
0xce: {  	s8 =	sor.u32 $0x1EC4, s1;
	s6 =	smul.u32 $0x930000, s6;
	[sflag:s26] =	ssyncadd.remote.s32 $0x1  }
0xcf: {  	s9 =	sor.u32 $0x1F04, s1;
	s10 =	sor.u32 $0x1F44, s1;
	[sflag:s28] =	ssyncadd.remote.s32 $0x1  }
0xd0: {  	s11 =	sor.u32 $0x1F84, s1;
	s15 =	sshrl.u32 s6, $0x3;
	[sflag:s31] =	ssyncadd.remote.s32 $0x1  }
0xd1: {  	s14 =	sor.u32 $0x1FC4, s1;
	s2 =	sadd.s32 s13, s15;
	[sflag:s3] =	ssyncadd.remote.s32 $0x1  }
0xd2: {  	s16 =	sadd.s32 $0x1880, s2;
	s17 =	sadd.s32 $0x3100, s2;
	[sflag:s7] =	ssyncadd.remote.s32 $0x1  }
0xd3: {  	s18 =	simm.s32 $0x6200;
	s19 =	sadd.s32 $0x4980, s2;
	[sflag:s8] =	ssyncadd.remote.s32 $0x1  }
0xd4: {  	s20 =	simm.s32 $0x9300;
	s22 =	sadd.s32 $0x7A80, s2;
	[sflag:s9] =	ssyncadd.remote.s32 $0x1  }
0xd5: {  	s7 =	sadd.s32 s12, s13;
	s12 =	simm.s32 $0x3100;
	[sflag:s10] =	ssyncadd.remote.s32 $0x1  }
0xd6: {  	s8 =	simm.s32 $0xE;
	s9 =	simm.s32 $0x1;
	[sflag:s11] =	ssyncadd.remote.s32 $0x1  }
0xd7: {  	s10 =	simm.s32 $0x20;
	s11 =	simm.s32 $0x10;
	[sflag:s14] =	ssyncadd.remote.s32 $0x1  }
0xd8: {  	[spmem:s23@s10], [sflag:s8] =	dma.strided [hbm:s7@s11], $0x1880, s9, $0x10   }
0xd9: {  	[spmem:s12@s10], [sflag:s8] =	dma.strided [hbm:s16@s11], $0x1880, s9, $0x10   }
0xda: {  	s24 =	sadd.s32 $0x9300, s2;
	s2 =	sadd.s32 $0xAB80, s2;
	s12 =	sadd.s32 $0x31000, s6  }
0xdb: {  	[spmem:s18@s10], [sflag:s8] =	dma.strided [hbm:s17@s11], $0x1880, s9, $0x10   }
0xdc: {  	s25 =	simm.s32 $0x6210;
	s26 =	simm.s32 $0x9310;
	s21 =	sshrl.u32 s12, $0x3  }
0xdd: {  	[spmem:s20@s10], [sflag:s8] =	dma.strided [hbm:s19@s11], $0x1880, s9, $0x10   }
0xde: {  	s14 =	simm.s32 $0x3110;
	s3 =	sadd.s32 s21, s13;
	s13 =	simm.s32 $0xF  }
0xdf: {  	[spmem:s11@s10], [sflag:s13] =	dma.strided [hbm:s3@s11], $0x1880, s9, $0x10   }
0xe0: {  	[spmem:s14@s10], [sflag:s13] =	dma.strided [hbm:s22@s11], $0x1880, s9, $0x10   }
0xe1: {  	[spmem:s25@s10], [sflag:s13] =	dma.strided [hbm:s24@s11], $0x1880, s9, $0x10   }
0xe2: {  	[spmem:s26@s10], [sflag:s13] =	dma.strided [hbm:s2@s11], $0x1880, s9, $0x10   }
0xe3: {  	_ =	swait.ge [sflag:s8], $0x1880  }
0xe4: {  	[sflag:s8] =	ssyncset.done $0x0  }
0xe5: {  	[sflag:s8] =	ssyncadd.s32 $0xFFFFE780;
	_ =	sdelay $0x2  }
0xe6: {  	_ =	swait.ge [sflag:s8], $0x1880  }
0xe7: {  	[sflag:s8] =	ssyncset.done $0x0  }
0xe8: {  	[sflag:s8] =	ssyncadd.s32 $0xFFFFE780;
	_ =	sdelay $0x2  }
0xe9: {  	_ =	swait.ge [sflag:s8], $0x1880  }
0xea: {  	[sflag:s8] =	ssyncset.done $0x0  }
0xeb: {  	[sflag:s8] =	ssyncadd.s32 $0xFFFFE780;
	_ =	sdelay $0x2  }
0xec: {  	_ =	swait.ge [sflag:s8], $0x1880  }
0xed: {  	[sflag:s8] =	ssyncset.done $0x0  }
0xee: {  	s28 =	sor.u32 $0x1C01, s1;
	[sflag:s8] =	ssyncadd.s32 $0xFFFFE780  }
0xef: {  	s31 =	sor.u32 $0x1C41, s1;
	[sflag:s28] =	ssyncadd.remote.s32 $0x1  }
0xf0: {  	s3 =	sor.u32 $0x1C81, s1;
	[sflag:s31] =	ssyncadd.remote.s32 $0x1  }
0xf1: {  	s14 =	sor.u32 $0x1CC1, s1;
	[sflag:s3] =	ssyncadd.remote.s32 $0x1  }
0xf2: {  	s15 =	sor.u32 $0x1D01, s1;
	[sflag:s14] =	ssyncadd.remote.s32 $0x1  }
0xf3: {  	s16 =	sor.u32 $0x1D41, s1;
	[sflag:s15] =	ssyncadd.remote.s32 $0x1  }
0xf4: {  	s17 =	sor.u32 $0x1D81, s1;
	[sflag:s16] =	ssyncadd.remote.s32 $0x1  }
0xf5: {  	s18 =	sor.u32 $0x1DC1, s1;
	[sflag:s17] =	ssyncadd.remote.s32 $0x1  }
0xf6: {  	s19 =	sor.u32 $0x1E01, s1;
	[sflag:s18] =	ssyncadd.remote.s32 $0x1  }
0xf7: {  	s20 =	sor.u32 $0x1E41, s1;
	[sflag:s19] =	ssyncadd.remote.s32 $0x1  }
0xf8: {  	s21 =	sor.u32 $0x1E81, s1;
	[sflag:s20] =	ssyncadd.remote.s32 $0x1  }
0xf9: {  	s22 =	sor.u32 $0x1EC1, s1;
	[sflag:s21] =	ssyncadd.remote.s32 $0x1  }
0xfa: {  	s24 =	sor.u32 $0x1F01, s1;
	[sflag:s22] =	ssyncadd.remote.s32 $0x1  }
0xfb: {  	s25 =	sor.u32 $0x1F41, s1;
	[sflag:s24] =	ssyncadd.remote.s32 $0x1  }
0xfc: {  	s26 =	sor.u32 $0x1F81, s1;
	[sflag:s25] =	ssyncadd.remote.s32 $0x1  }
0xfd: {  	s28 =	sor.u32 $0x1FC1, s1;
	[sflag:s26] =	ssyncadd.remote.s32 $0x1  }
0xfe: {  	[sflag:s28] =	ssyncadd.remote.s32 $0x1;
	_ =	sdelay $0x2  }
0xff: {  	_ =	swait.ge [sflag:s13], $0x1880  }
0x100: {  	[sflag:s13] =	ssyncset.done $0x0  }
0x101: {  	[sflag:s13] =	ssyncadd.s32 $0xFFFFE780;
	_ =	sdelay $0x2  }
0x102: {  	_ =	swait.ge [sflag:s13], $0x1880  }
0x103: {  	[sflag:s13] =	ssyncset.done $0x0  }
0x104: {  	[sflag:s13] =	ssyncadd.s32 $0xFFFFE780;
	_ =	sdelay $0x2  }
0x105: {  	_ =	swait.ge [sflag:s13], $0x1880  }
0x106: {  	[sflag:s13] =	ssyncset.done $0x0  }
0x107: {  	[sflag:s13] =	ssyncadd.s32 $0xFFFFE780;
	_ =	sdelay $0x2  }
0x108: {  	_ =	swait.ge [sflag:s13], $0x1880  }
0x109: {  	[sflag:s13] =	ssyncset.done $0x0  }
0x10a: {  	s31 =	sor.u32 $0x1C02, s1;
	[sflag:s13] =	ssyncadd.s32 $0xFFFFE780  }
0x10b: {  	s3 =	sor.u32 $0x1C42, s1;
	[sflag:s31] =	ssyncadd.remote.s32 $0x1  }
0x10c: {  	s14 =	sor.u32 $0x1C82, s1;
	[sflag:s3] =	ssyncadd.remote.s32 $0x1  }
0x10d: {  	s30 =	simm.s32 $0xC;
	s15 =	sor.u32 $0x1CC2, s1;
	[sflag:s14] =	ssyncadd.remote.s32 $0x1  }
0x10e: {  	s29 =	sadd.s32 $0x93000, s6;
	s16 =	sor.u32 $0x1D02, s1;
	[sflag:s15] =	ssyncadd.remote.s32 $0x1  }
0x10f: {  	s2 =	simm.s32 $0x15700;
	s17 =	sor.u32 $0x1D42, s1;
	[sflag:s16] =	ssyncadd.remote.s32 $0x1  }
0x110: {  	s18 =	sor.u32 $0x1D82, s1;
	s19 =	sor.u32 $0x1DC2, s1;
	[sflag:s17] =	ssyncadd.remote.s32 $0x1  }
0x111: {  	s20 =	sor.u32 $0x1E02, s1;
	s21 =	sor.u32 $0x1E42, s1;
	[sflag:s18] =	ssyncadd.remote.s32 $0x1  }
0x112: {  	s22 =	sor.u32 $0x1E82, s1;
	s24 =	sor.u32 $0x1EC2, s1;
	[sflag:s19] =	ssyncadd.remote.s32 $0x1  }
0x113: {  	s25 =	sor.u32 $0x1F02, s1;
	s26 =	sor.u32 $0x1F42, s1;
	[sflag:s20] =	ssyncadd.remote.s32 $0x1  }
0x114: {  	s28 =	sor.u32 $0x1F82, s1;
	s31 =	sor.u32 $0x1FC2, s1;
	[sflag:s21] =	ssyncadd.remote.s32 $0x1  }
0x115: {  	s1 =	simm.s32 $0xF500;
	s14 =	simm.s32 $0xD;
	[sflag:s22] =	ssyncadd.remote.s32 $0x1  }
0x116: {  	s15 =	simm.s32 $0xC410;
	s16 =	simm.s32 $0x11;
	[sflag:s24] =	ssyncadd.remote.s32 $0x1  }
.Ltmp0:
0x117: {  	s17 =	sadd.s32 $0x1C00, s0;
	[sflag:s25] =	ssyncadd.remote.s32 $0x1;
	(pc) =	sbr.rel .LBB1_1-.Ltmp0, $3  }
0x118: {  	s0 =	simm.s32 $0x12600;
	s18 =	simm.s32 $0xF510;
	[sflag:s26] =	ssyncadd.remote.s32 $0x1  }
0x119: {  	s19 =	simm.s32 $0x12610;
	s20 =	simm.s32 $0x15710;
	[sflag:s28] =	ssyncadd.remote.s32 $0x1  }
0x11a: {  	s21 =	simm.s32 $0xB;
	s22 =	simm.s32 $0x0;
	[sflag:s31] =	ssyncadd.remote.s32 $0x1  }
.LBB1_3:
0x11b: {  	_ =	sdelay $0x1  }
0x11c: {  	s3 =	sadd.s32 s3, s12;
	_ =	swait.ge [sflag:s14], $0x10  }
0x11d: {  	s3 =	sshrl.u32 s3, $0x3;
	[sflag:s14] =	ssyncset.done $0x0  }
0x11e: {  	s3 =	sadd.s32 s17, s3;
	[sflag:s14] =	ssyncadd.s32 $0xFFFFFFF0  }
0x11f: {  	[hbm:s3@s11], [sflag:s16] =	dma.strided [spmem:s15@s10], $0x1880, s9, $0x10   }
0x120: {  	s25 =	sadd.s32 $0x1880, s3;
	s26 =	sadd.s32 $0x3100, s3;
	s3 =	sadd.s32 $0x4980, s3  }
0x121: {  	[hbm:s25@s11], [sflag:s16] =	dma.strided [spmem:s18@s10], $0x1880, s9, $0x10   }
0x122: {  	[hbm:s26@s11], [sflag:s16] =	dma.strided [spmem:s19@s10], $0x1880, s9, $0x10   }
0x123: {  	[hbm:s3@s11], [sflag:s16] =	dma.strided [spmem:s20@s10], $0x1880, s9, $0x10   }
0x124: {  	_ =	swait.ge [sflag:s16], $0x1880  }
0x125: {  	[sflag:s16] =	ssyncset.done $0x0  }
0x126: {  	[sflag:s16] =	ssyncadd.s32 $0xFFFFE780;
	_ =	sdelay $0x2  }
0x127: {  	_ =	swait.ge [sflag:s16], $0x1880  }
0x128: {  	[sflag:s16] =	ssyncset.done $0x0  }
0x129: {  	[sflag:s16] =	ssyncadd.s32 $0xFFFFE780;
	_ =	sdelay $0x2  }
0x12a: {  	_ =	swait.ge [sflag:s16], $0x1880  }
0x12b: {  	[sflag:s16] =	ssyncset.done $0x0  }
0x12c: {  	[sflag:s16] =	ssyncadd.s32 $0xFFFFE780;
	_ =	sdelay $0x1  }
0x12d: {  	s28 =	simm.s32 $0x1C04  }
0x12e: {  	s31 =	sor.u32 s5, s28;
	_ =	swait.ge [sflag:s16], $0x1880  }
0x12f: {  	s26 =	simm.s32 $0x1C44;
	s3 =	sshll.u32 s24, $0x11;
	[sflag:s16] =	ssyncset.done $0x0  }
0x130: {  	s25 =	sor.u32 s5, s26;
	s24 =	sor.u32 s3, s31;
	[sflag:s16] =	ssyncadd.s32 $0xFFFFE780  }
0x131: {  	s28 =	sor.u32 s3, s25;
	s31 =	simm.s32 $0x1C84;
	[sflag:s24] =	ssyncadd.remote.s32 $0x1  }
0x132: {  	s25 =	sor.u32 s5, s31;
	[sflag:s28] =	ssyncadd.remote.s32 $0x1;
	s28 =	simm.s32 $0x1CC4  }
0x133: {  	s26 =	sor.u32 s3, s25;
	s25 =	sor.u32 s5, s28  }
0x134: {  	[sflag:s26] =	ssyncadd.remote.s32 $0x1;
	s26 =	simm.s32 $0x1D04;
	s31 =	sor.u32 s3, s25  }
0x135: {  	s25 =	sor.u32 s5, s26;
	[sflag:s31] =	ssyncadd.remote.s32 $0x1;
	s31 =	simm.s32 $0x1D44  }
0x136: {  	s28 =	sor.u32 s3, s25;
	s25 =	sor.u32 s5, s31  }
0x137: {  	[sflag:s28] =	ssyncadd.remote.s32 $0x1;
	s28 =	simm.s32 $0x1D84;
	s26 =	sor.u32 s3, s25  }
0x138: {  	s25 =	sor.u32 s5, s28;
	[sflag:s26] =	ssyncadd.remote.s32 $0x1;
	s26 =	simm.s32 $0x1DC4  }
0x139: {  	s31 =	sor.u32 s3, s25;
	s25 =	sor.u32 s5, s26  }
0x13a: {  	[sflag:s31] =	ssyncadd.remote.s32 $0x1;
	s31 =	simm.s32 $0x1E04;
	s28 =	sor.u32 s3, s25  }
0x13b: {  	s25 =	sor.u32 s5, s31;
	[sflag:s28] =	ssyncadd.remote.s32 $0x1;
	s28 =	simm.s32 $0x1E44  }
0x13c: {  	s26 =	sor.u32 s3, s25;
	s25 =	sor.u32 s5, s28  }
0x13d: {  	[sflag:s26] =	ssyncadd.remote.s32 $0x1;
	s26 =	simm.s32 $0x1E84;
	s31 =	sor.u32 s3, s25  }
0x13e: {  	s25 =	sor.u32 s5, s26;
	[sflag:s31] =	ssyncadd.remote.s32 $0x1;
	s31 =	simm.s32 $0x1EC4  }
0x13f: {  	s28 =	sor.u32 s3, s25;
	s25 =	sor.u32 s5, s31  }
0x140: {  	[sflag:s28] =	ssyncadd.remote.s32 $0x1;
	s28 =	simm.s32 $0x1F04;
	s26 =	sor.u32 s3, s25  }
0x141: {  	s25 =	sor.u32 s5, s28;
	[sflag:s26] =	ssyncadd.remote.s32 $0x1;
	s26 =	simm.s32 $0x1F44  }
0x142: {  	s31 =	sor.u32 s3, s25;
	s25 =	sor.u32 s5, s26  }
0x143: {  	[sflag:s31] =	ssyncadd.remote.s32 $0x1;
	s31 =	simm.s32 $0x1F84;
	s28 =	sor.u32 s3, s25  }
0x144: {  	s25 =	sor.u32 s5, s31;
	[sflag:s28] =	ssyncadd.remote.s32 $0x1;
	s28 =	simm.s32 $0x1FC4  }
0x145: {  	s26 =	sor.u32 s3, s25;
	s25 =	sor.u32 s5, s28  }
0x146: {  	[sflag:s26] =	ssyncadd.remote.s32 $0x1;
	s31 =	sor.u32 s3, s25  }
0x147: {  	[sflag:s31] =	ssyncadd.remote.s32 $0x1;
	_ =	sdelay $0x1  }
0x148: {  	s0 =	simm.s32 @p0 $0xA  }
0x149: {  	_ =	swait.ge @p0 [sflag:s0], $0x10  }
0x14a: {  	[sflag:s0] =	ssyncset.done @p0 $0x0  }
0x14b: {  	[sflag:s0] =	ssyncadd.s32 @p0 $0xFFFFFFF0;
	_ =	sdelay $0x1  }
0x14c: {  	s0 =	simm.s32 @p0 $0xB  }
0x14d: {  	_ =	swait.ge @p0 [sflag:s0], $0x10  }
0x14e: {  	[sflag:s0] =	ssyncset.done @p0 $0x0  }
0x14f: {  	[sflag:s0] =	ssyncadd.s32 @p0 $0xFFFFFFF0  }
0x150: {  	_ =	strace @p0 $0x90000046  }
0x151: {  	s0 =	simm.s32 @p0 $0x9;
	_ =	strace @p0 $0x80000048  }
0x152: {  	_ =	swait.ge @p0 [sflag:s0], $0x1  }
0x153: {  	[sflag:s0] =	ssyncadd.s32 @p0 $0xFFFFFFFF  }
0x154: {  	_ =	strace @p0 $0x90000048  }
0x155: {  	_ =	sfence @p0  }
0x156: {  	s0 =	sld @p0 [smem:$0x0];
	_ =	sdelay $0x1  }
0x157: {  	s1 =	srdreg.scid @p0  }
0x158: {  	s1 =	sshll.u32 @p0 s1, $0xD  }
0x159: {  	s1 =	sand.u32 @p0 $0x4000, s1;
	s2 =	rddreg @p0 [dreg:$0x6];
	s0 =	sadd.s32 @p0 s4, s0  }
0x15a: {  	s1 =	sor.u32 @p0 s1, s2;
	s0 =	sshll.u32 @p0 s0, $0x11  }
0x15b: {  	s0 =	sor.u32 @p0 s0, s1  }
0x15c: {  	s0 =	sadd.s32 @p0 $0x8F2B, s0  }
0x15d: {  	[sflag:s0] =	ssyncadd.remote.s32 @p0 $0x1  }
0x15e: {  	_ =	sfence.sel @p0 $0xFFFF  }
0x15f: {  	[dreg:$0x0] =	wrdreg @p0 $0xFFFFFFFF;
	(pc) =	sbr.abs @p0 _section_cstart, $3  }
0x160: {  	s0 =	simm.s32 @p0 $0x0;
	[dreg:$0x1] =	wrdreg @p0 $0xFFFFFFFF  }
0x161: {  	_ =	task.clear_ibuf @p0 [dreg:s0], $0x2FFFF;
	_ =	strace @p0 $0x9FFFFFFF  }
0x162: {  	(tm) =	ssettm @p0 $0x7FFFFFFF  }
0x163: {  	_ =	sdelay $0x1  }
0x164: {  	_ =	swait.ge [sflag:s13], $0x1880  }
0x165: {  	[sflag:s13] =	ssyncset.done $0x0  }
0x166: {  	[sflag:s13] =	ssyncadd.s32 $0xFFFFE780;
	_ =	sdelay $0x2  }
0x167: {  	_ =	swait.ge [sflag:s13], $0x1880  }
0x168: {  	[sflag:s13] =	ssyncset.done $0x0  }
0x169: {  	[sflag:s13] =	ssyncadd.s32 $0xFFFFE780;
	_ =	sdelay $0x2  }
0x16a: {  	_ =	swait.ge [sflag:s13], $0x1880  }
0x16b: {  	[sflag:s13] =	ssyncset.done $0x0  }
0x16c: {  	[sflag:s13] =	ssyncadd.s32 $0xFFFFE780;
	_ =	sdelay $0x2  }
0x16d: {  	s24 =	simm.s32 $0x1C02;
	_ =	swait.ge [sflag:s13], $0x1880  }
0x16e: {  	s25 =	simm.s32 $0x1C42;
	s24 =	sor.u32 s5, s24;
	[sflag:s13] =	ssyncset.done $0x0  }
0x16f: {  	s25 =	sor.u32 s5, s25;
	s24 =	sor.u32 s3, s24;
	[sflag:s13] =	ssyncadd.s32 $0xFFFFE780  }
0x170: {  	s31 =	simm.s32 $0x1C82;
	s28 =	sor.u32 s3, s25;
	[sflag:s24] =	ssyncadd.remote.s32 $0x1  }
0x171: {  	s25 =	sor.u32 s5, s31;
	[sflag:s28] =	ssyncadd.remote.s32 $0x1;
	s28 =	simm.s32 $0x1CC2  }
0x172: {  	s26 =	sor.u32 s3, s25;
	s25 =	sor.u32 s5, s28  }
0x173: {  	[sflag:s26] =	ssyncadd.remote.s32 $0x1;
	s26 =	simm.s32 $0x1D02;
	s31 =	sor.u32 s3, s25  }
0x174: {  	s25 =	sor.u32 s5, s26;
	[sflag:s31] =	ssyncadd.remote.s32 $0x1;
	s31 =	simm.s32 $0x1D42  }
0x175: {  	s28 =	sor.u32 s3, s25;
	s25 =	sor.u32 s5, s31  }
0x176: {  	[sflag:s28] =	ssyncadd.remote.s32 $0x1;
	s28 =	simm.s32 $0x1D82;
	s26 =	sor.u32 s3, s25  }
0x177: {  	s25 =	sor.u32 s5, s28;
	[sflag:s26] =	ssyncadd.remote.s32 $0x1;
	s26 =	simm.s32 $0x1DC2  }
0x178: {  	s31 =	sor.u32 s3, s25;
	s25 =	sor.u32 s5, s26  }
0x179: {  	[sflag:s31] =	ssyncadd.remote.s32 $0x1;
	s31 =	simm.s32 $0x1E02;
	s28 =	sor.u32 s3, s25  }
0x17a: {  	s25 =	sor.u32 s5, s31;
	[sflag:s28] =	ssyncadd.remote.s32 $0x1;
	s28 =	simm.s32 $0x1E42  }
0x17b: {  	s26 =	sor.u32 s3, s25;
	s25 =	sor.u32 s5, s28  }
0x17c: {  	[sflag:s26] =	ssyncadd.remote.s32 $0x1;
	s26 =	simm.s32 $0x1E82;
	s31 =	sor.u32 s3, s25  }
0x17d: {  	s25 =	sor.u32 s5, s26;
	[sflag:s31] =	ssyncadd.remote.s32 $0x1;
	s31 =	simm.s32 $0x1EC2  }
0x17e: {  	s28 =	sor.u32 s3, s25;
	s25 =	sor.u32 s5, s31  }
0x17f: {  	[sflag:s28] =	ssyncadd.remote.s32 $0x1;
	s28 =	simm.s32 $0x1F02;
	s26 =	sor.u32 s3, s25  }
0x180: {  	s25 =	sor.u32 s5, s28;
	[sflag:s26] =	ssyncadd.remote.s32 $0x1;
	s26 =	simm.s32 $0x1F42  }
0x181: {  	s31 =	sor.u32 s3, s25;
	s25 =	sor.u32 s5, s26  }
0x182: {  	[sflag:s31] =	ssyncadd.remote.s32 $0x1;
	s31 =	simm.s32 $0x1F82;
	s28 =	sor.u32 s3, s25  }
0x183: {  	s25 =	sor.u32 s5, s31;
	[sflag:s28] =	ssyncadd.remote.s32 $0x1;
	s28 =	simm.s32 $0x1FC2  }
0x184: {  	s26 =	sor.u32 s3, s25;
	s25 =	sor.u32 s5, s28  }
0x185: {  	[sflag:s26] =	ssyncadd.remote.s32 $0x1;
	s31 =	sor.u32 s3, s25  }
0x186: {  	s23 =	sadd.s32 $0x62000, s23;
	s22 =	sadd.s32 $0xC400, s22;
	[sflag:s31] =	ssyncadd.remote.s32 $0x1  }
.LBB1_1:
0x187: {  	p0 =	seq.s32 s22, $0x119C00  }
0x188: {  	s3 =	simm.s32 @!p0 $0xA  }
0x189: {  	s24 =	sadd.s32 @!p0 s22, s7;
	s25 =	simm.s32 @!p0 $0x1;
	_ =	swait.ge @!p0 [sflag:s3], $0x10  }
0x18a: {  	s26 =	simm.s32 @!p0 $0x20;
	s28 =	simm.s32 @!p0 $0x10;
	[sflag:s3] =	ssyncset.done @!p0 $0x0  }
0x18b: {  	s31 =	simm.s32 @!p0 $0x0;
	[sflag:s3] =	ssyncadd.s32 @!p0 $0xFFFFFFF0;
	s3 =	sadd.s32 @!p0 $0xC400, s24  }
0x18c: {  	[spmem:s31@s26], [sflag:s8] =	dma.strided @!p0 [hbm:s3@s28], $0x1880, s25, $0x10   }
0x18d: {  	s3 =	sadd.s32 @!p0 $0xDC80, s24;
	s31 =	simm.s32 @!p0 $0x3100  }
0x18e: {  	[spmem:s31@s26], [sflag:s8] =	dma.strided @!p0 [hbm:s3@s28], $0x1880, s25, $0x10   }
0x18f: {  	s3 =	sadd.s32 @!p0 $0xF500, s24;
	s31 =	simm.s32 @!p0 $0x6200  }
0x190: {  	[spmem:s31@s26], [sflag:s8] =	dma.strided @!p0 [hbm:s3@s28], $0x1880, s25, $0x10   }
0x191: {  	s3 =	sadd.s32 @!p0 $0x10D80, s24;
	s24 =	simm.s32 @!p0 $0x9300  }
0x192: {  	[spmem:s24@s26], [sflag:s8] =	dma.strided @!p0 [hbm:s3@s28], $0x1880, s25, $0x10   }
0x193: {  	s3 =	smov.u32 s23  }
0x194: {  	s3 =	simm.s32 @p0 $0x8CE000  }
0x195: {  	_ =	swait.ge [sflag:s30], $0x10;
	s25 =	sadd.s32 s6, s3  }
0x196: {  	[sflag:s30] =	ssyncset.done $0x0;
	s24 =	sshrl.u32 s25, $0x3  }
0x197: {  	s26 =	simm.s32 $0xC400;
	[sflag:s30] =	ssyncadd.s32 $0xFFFFFFF0;
	s24 =	sadd.s32 s17, s24  }
0x198: {  	[hbm:s24@s11], [sflag:s11] =	dma.strided [spmem:s26@s10], $0x1880, s9, $0x10   }
0x199: {  	s28 =	sadd.s32 $0x1880, s24;
	s31 =	sadd.s32 $0x3100, s24;
	s24 =	sadd.s32 $0x4980, s24  }
0x19a: {  	[hbm:s28@s11], [sflag:s11] =	dma.strided [spmem:s1@s10], $0x1880, s9, $0x10   }
0x19b: {  	[hbm:s31@s11], [sflag:s11] =	dma.strided [spmem:s0@s10], $0x1880, s9, $0x10   }
0x19c: {  	[hbm:s24@s11], [sflag:s11] =	dma.strided [spmem:s2@s10], $0x1880, s9, $0x10   }
0x19d: {  	_ =	swait.ge [sflag:s11], $0x1880  }
0x19e: {  	[sflag:s11] =	ssyncset.done $0x0  }
0x19f: {  	[sflag:s11] =	ssyncadd.s32 $0xFFFFE780;
	_ =	sdelay $0x2  }
0x1a0: {  	_ =	swait.ge [sflag:s11], $0x1880  }
0x1a1: {  	[sflag:s11] =	ssyncset.done $0x0  }
0x1a2: {  	[sflag:s11] =	ssyncadd.s32 $0xFFFFE780;
	_ =	sdelay $0x2  }
0x1a3: {  	_ =	swait.ge [sflag:s11], $0x1880  }
0x1a4: {  	[sflag:s11] =	ssyncset.done $0x0  }
0x1a5: {  	[sflag:s11] =	ssyncadd.s32 $0xFFFFE780;
	_ =	sdelay $0x2  }
0x1a6: {  	_ =	swait.ge [sflag:s11], $0x1880  }
0x1a7: {  	[sflag:s11] =	ssyncset.done $0x0  }
0x1a8: {  	[sflag:s11] =	ssyncadd.s32 $0xFFFFE780  }
0x1a9: {  	s26 =	sld [smem:$0x0];
	_ =	sdelay $0x3  }
0x1aa: {  	s28 =	simm.s32 $0x1C03;
	s24 =	sadd.s32 s4, s26  }
0x1ab: {  	s25 =	sor.u32 s5, s28;
	s31 =	simm.s32 $0x1C43;
	s26 =	sshll.u32 s24, $0x11  }
0x1ac: {  	s28 =	sor.u32 s5, s31;
	s25 =	sor.u32 s26, s25  }
0x1ad: {  	s31 =	simm.s32 $0x1C83;
	[sflag:s25] =	ssyncadd.remote.s32 $0x1;
	s25 =	sor.u32 s26, s28  }
0x1ae: {  	s28 =	sor.u32 s5, s31;
	s31 =	simm.s32 $0x1CC3;
	[sflag:s25] =	ssyncadd.remote.s32 $0x1  }
0x1af: {  	s25 =	sor.u32 s26, s28;
	s28 =	sor.u32 s5, s31;
	s31 =	simm.s32 $0x1D03  }
0x1b0: {  	[sflag:s25] =	ssyncadd.remote.s32 $0x1;
	s25 =	sor.u32 s26, s28;
	s28 =	sor.u32 s5, s31  }
0x1b1: {  	s31 =	simm.s32 $0x1D43;
	[sflag:s25] =	ssyncadd.remote.s32 $0x1;
	s25 =	sor.u32 s26, s28  }
0x1b2: {  	s28 =	sor.u32 s5, s31;
	s31 =	simm.s32 $0x1D83;
	[sflag:s25] =	ssyncadd.remote.s32 $0x1  }
0x1b3: {  	s25 =	sor.u32 s26, s28;
	s28 =	sor.u32 s5, s31;
	s31 =	simm.s32 $0x1DC3  }
0x1b4: {  	[sflag:s25] =	ssyncadd.remote.s32 $0x1;
	s25 =	sor.u32 s26, s28;
	s28 =	sor.u32 s5, s31  }
0x1b5: {  	s31 =	simm.s32 $0x1E03;
	[sflag:s25] =	ssyncadd.remote.s32 $0x1;
	s25 =	sor.u32 s26, s28  }
0x1b6: {  	s28 =	sor.u32 s5, s31;
	s31 =	simm.s32 $0x1E43;
	[sflag:s25] =	ssyncadd.remote.s32 $0x1  }
0x1b7: {  	s25 =	sor.u32 s26, s28;
	s28 =	sor.u32 s5, s31;
	s31 =	simm.s32 $0x1E83  }
0x1b8: {  	[sflag:s25] =	ssyncadd.remote.s32 $0x1;
	s25 =	sor.u32 s26, s28;
	s28 =	sor.u32 s5, s31  }
0x1b9: {  	s31 =	simm.s32 $0x1EC3;
	[sflag:s25] =	ssyncadd.remote.s32 $0x1;
	s25 =	sor.u32 s26, s28  }
0x1ba: {  	s28 =	sor.u32 s5, s31;
	s31 =	simm.s32 $0x1F03;
	[sflag:s25] =	ssyncadd.remote.s32 $0x1  }
0x1bb: {  	s25 =	sor.u32 s26, s28;
	s28 =	sor.u32 s5, s31;
	s31 =	simm.s32 $0x1F43  }
0x1bc: {  	[sflag:s25] =	ssyncadd.remote.s32 $0x1;
	s25 =	sor.u32 s26, s28;
	s28 =	sor.u32 s5, s31  }
0x1bd: {  	s31 =	simm.s32 $0x1F83;
	[sflag:s25] =	ssyncadd.remote.s32 $0x1;
	s25 =	sor.u32 s26, s28  }
.Ltmp1:
0x1be: {  	s28 =	sor.u32 s5, s31;
	s31 =	simm.s32 $0x1FC3;
	(pc) =	sbr.rel @p0 .LBB1_3-.Ltmp1, $3  }
0x1bf: {  	[sflag:s25] =	ssyncadd.remote.s32 $0x1;
	s25 =	sor.u32 s26, s28;
	s28 =	sor.u32 s5, s31  }
0x1c0: {  	[sflag:s25] =	ssyncadd.remote.s32 $0x1;
	s31 =	sor.u32 s26, s28  }
0x1c1: {  	s24 =	sand.u32 $0x7FFFFFFF, s24;
	[sflag:s31] =	ssyncadd.remote.s32 $0x1  }
0x1c2: {  	_ =	sdelay $0x1  }
0x1c3: {  	_ =	swait.ge [sflag:s8], $0x1880  }
0x1c4: {  	[sflag:s8] =	ssyncset.done $0x0  }
0x1c5: {  	[sflag:s8] =	ssyncadd.s32 $0xFFFFE780;
	_ =	sdelay $0x2  }
0x1c6: {  	_ =	swait.ge [sflag:s8], $0x1880  }
0x1c7: {  	[sflag:s8] =	ssyncset.done $0x0  }
0x1c8: {  	[sflag:s8] =	ssyncadd.s32 $0xFFFFE780;
	_ =	sdelay $0x2  }
0x1c9: {  	_ =	swait.ge [sflag:s8], $0x1880  }
0x1ca: {  	[sflag:s8] =	ssyncset.done $0x0  }
0x1cb: {  	[sflag:s8] =	ssyncadd.s32 $0xFFFFE780;
	_ =	sdelay $0x2  }
0x1cc: {  	s25 =	simm.s32 $0x1C01;
	_ =	swait.ge [sflag:s8], $0x1880  }
0x1cd: {  	s26 =	sshll.u32 s24, $0x11;
	s25 =	sor.u32 s5, s25;
	[sflag:s8] =	ssyncset.done $0x0  }
0x1ce: {  	s28 =	simm.s32 $0x1C41;
	s25 =	sor.u32 s26, s25;
	[sflag:s8] =	ssyncadd.s32 $0xFFFFE780  }
0x1cf: {  	s31 =	simm.s32 $0x1C81;
	s28 =	sor.u32 s5, s28;
	[sflag:s25] =	ssyncadd.remote.s32 $0x1  }
0x1d0: {  	s25 =	sor.u32 s26, s28;
	s28 =	sor.u32 s5, s31;
	s31 =	simm.s32 $0x1CC1  }
0x1d1: {  	[sflag:s25] =	ssyncadd.remote.s32 $0x1;
	s25 =	sor.u32 s26, s28;
	s28 =	sor.u32 s5, s31  }
0x1d2: {  	s31 =	simm.s32 $0x1D01;
	[sflag:s25] =	ssyncadd.remote.s32 $0x1;
	s25 =	sor.u32 s26, s28  }
0x1d3: {  	s28 =	sor.u32 s5, s31;
	s31 =	simm.s32 $0x1D41;
	[sflag:s25] =	ssyncadd.remote.s32 $0x1  }
0x1d4: {  	s25 =	sor.u32 s26, s28;
	s28 =	sor.u32 s5, s31;
	s31 =	simm.s32 $0x1D81  }
0x1d5: {  	[sflag:s25] =	ssyncadd.remote.s32 $0x1;
	s25 =	sor.u32 s26, s28;
	s28 =	sor.u32 s5, s31  }
0x1d6: {  	s31 =	simm.s32 $0x1DC1;
	[sflag:s25] =	ssyncadd.remote.s32 $0x1;
	s25 =	sor.u32 s26, s28  }
0x1d7: {  	s28 =	sor.u32 s5, s31;
	s31 =	simm.s32 $0x1E01;
	[sflag:s25] =	ssyncadd.remote.s32 $0x1  }
0x1d8: {  	s25 =	sor.u32 s26, s28;
	s28 =	sor.u32 s5, s31;
	s31 =	simm.s32 $0x1E41  }
0x1d9: {  	[sflag:s25] =	ssyncadd.remote.s32 $0x1;
	s25 =	sor.u32 s26, s28;
	s28 =	sor.u32 s5, s31  }
0x1da: {  	s31 =	simm.s32 $0x1E81;
	[sflag:s25] =	ssyncadd.remote.s32 $0x1;
	s25 =	sor.u32 s26, s28  }
0x1db: {  	s28 =	sor.u32 s5, s31;
	s31 =	simm.s32 $0x1EC1;
	[sflag:s25] =	ssyncadd.remote.s32 $0x1  }
0x1dc: {  	s25 =	sor.u32 s26, s28;
	s28 =	sor.u32 s5, s31;
	s31 =	simm.s32 $0x1F01  }
0x1dd: {  	[sflag:s25] =	ssyncadd.remote.s32 $0x1;
	s25 =	sor.u32 s26, s28;
	s28 =	sor.u32 s5, s31  }
0x1de: {  	s31 =	simm.s32 $0x1F41;
	[sflag:s25] =	ssyncadd.remote.s32 $0x1;
	s25 =	sor.u32 s26, s28  }
0x1df: {  	s28 =	sor.u32 s5, s31;
	s31 =	simm.s32 $0x1F81;
	[sflag:s25] =	ssyncadd.remote.s32 $0x1  }
0x1e0: {  	s25 =	sor.u32 s26, s28;
	s28 =	sor.u32 s5, s31;
	s31 =	simm.s32 $0x1FC1  }
0x1e1: {  	[sflag:s25] =	ssyncadd.remote.s32 $0x1;
	s25 =	sor.u32 s26, s28;
	s28 =	sor.u32 s5, s31  }
0x1e2: {  	[sflag:s25] =	ssyncadd.remote.s32 $0x1;
	s31 =	sor.u32 s26, s28  }
0x1e3: {  	[sflag:s31] =	ssyncadd.remote.s32 $0x1;
	_ =	sdelay $0x2  }
0x1e4: {  	_ =	swait.ge [sflag:s21], $0x10  }
0x1e5: {  	s28 =	sld [smem:$0x3FD0];
	_ =	sdelay $0x1  }
0x1e6: {  	s26 =	sadd.s32 s3, s29  }
0x1e7: {  	s25 =	sshrl.u32 s26, $0x3;
	[sflag:s21] =	ssyncset.done $0x0  }
0x1e8: {  	[sflag:s21] =	ssyncadd.s32 $0xFFFFFFF0;
	s25 =	sadd.s32 s28, s25  }
0x1e9: {  	[spmem:s11@s10], [sflag:s13] =	dma.strided [hbm:s25@s11], $0x1880, s9, $0x10   }
0x1ea: {  	s31 =	simm.s32 $0x3110;
	s26 =	sadd.s32 $0x1880, s25  }
0x1eb: {  	[spmem:s31@s10], [sflag:s13] =	dma.strided [hbm:s26@s11], $0x1880, s9, $0x10   }
.Ltmp2:
0x1ec: {  	s26 =	sadd.s32 $0x3100, s25;
	s31 =	simm.s32 $0x6210;
	(pc) =	sbr.rel .LBB1_3-.Ltmp2, $3  }
0x1ed: {  	[spmem:s31@s10], [sflag:s13] =	dma.strided [hbm:s26@s11], $0x1880, s9, $0x10   }
0x1ee: {  	s25 =	sadd.s32 $0x4980, s25;
	s31 =	simm.s32 $0x9310  }
0x1ef: {  	[spmem:s31@s10], [sflag:s13] =	dma.strided [hbm:s25@s11], $0x1880, s9, $0x10   }
tec
execute0_lowered:
.L_overlay_start_1:
0x0: {  	(tag) =	ssettag $0x1  }
0x1: {  	s2 =	rddreg [dreg:$0x0]  }
0x2: {  	s8 =	rddreg [dreg:$0x1]  }
0x3: {  	s9 =	rddreg [dreg:$0x2]  }
0x4: {  	s0 =	rddreg [dreg:$0x3]  }
0x5: {  	s5 =	srdreg.scid;
	_ =	strace $0x80000047;
	s1 =	stileid.u32  }
0x6: {  	s12 =	simm.s32 $0xC400;
	s13 =	simm.s32 $0x5;
	s15 =	simm.s32 $0x80  }
0x7: {  	s16 =	simm.s32 $0x100;
	s17 =	simm.s32 $0x18400;
	s18 =	simm.s32 $0x100000  }
0x8: {  	s20 =	simm.s32 $0x3;
	s21 =	simm.s32 $0x2;
	s22 =	simm.s32 $0x4  }
0x9: {  	s23 =	simm.s32 $0x0;
	s3 =	sand.u32 $0x1, s5;
	s2 =	sadd.s32 $0x400, s2  }
0xa: {  	s7 =	smul.u32 $0x6200, s1;
	s14 =	sand.u32 $0x3, s1;
	s31 =	sand.u32 $0x3, s5  }
0xb: {  	s5 =	sshrl.u32 s5, $0x2;
	s4 =	ssub.s32 $0x2, s3;
	s3 =	smul.u32 $0x300, s3  }
0xc: {  	s19 =	sor.u32 $0x4, s31;
	p0 =	sne.s32 s14, $0x0;
	s14 =	simm.s32 $0x1  }
0xd: {  	s6 =	sshrl.u32 s4, $0x1;
	s11 =	sor.u32 $0x80, s7;
	s19 =	sshll.u32 s19, $0xE  }
0xe: {  	s10 =	ssub.s32 s4, s6;
	s3 =	sor.u32 s1, s3;
	s4 =	sadd.s32 s7, s8  }
0xf: {  	s6 =	sadd.s32 s7, s9;
	s8 =	sadd.s32 s11, s8;
	s9 =	sadd.s32 s11, s9  }
0x10: {  	s11 =	simm.s32 $0x0;
	s7 =	sor.u32 $0x10, s3;
	s10 =	smax.u32 s10, $0x1  }
.LBB2_1:
0x11: {  	[tilespmem:s12], [sflag:$0x5] =	stream.linear.gather [hbm4b:s2+s11], $0xC000, $0x38;
	[tilespmem:$0x1B500] =	vst v63  }
0x12: {  	_ =	swait.ge [sflag:s13], $0xC000  }
0x13: {  	[sflag:s13] =	ssyncset.done $0x0  }
0x14: {  	s24 =	simm.s32 $0x0;
	[sflag:s13] =	ssyncadd.s32 $0xFFFF4000  }
.LBB2_2:
0x15: {  	_ =	swait.ge [sflag:s14], $0x1  }
0x16: {  	[sflag:s14] =	ssyncset.done $0x0  }
0x17: {  	[sflag:s14] =	ssyncadd.s32 $0xFFFFFFFF  }
0x18: {  	[tilespmem:s17], [sflag:$0x5] =	stream.strided.gather [spmem:s4], $0x3100, s16, s15, $0x38;
	[tilespmem:$0x1B500] =	vst v63  }
0x19: {  	_ =	swait.ge [sflag:s13], $0x3100  }
0x1a: {  	[sflag:s13] =	ssyncset.done $0x0  }
0x1b: {  	[sflag:s13] =	ssyncadd.s32 $0xFFFFCF00  }
0x1c: {  	s25 =	sshll.u32 s24, $0x5;
	[smem:s18], [sflag:$0x0] =	smem.add.s32 $0x0  }
0x1d: {  	s26 =	sadd.s32 s3, s25;
	_ =	swait.done [sflag:s11]  }
0x1e: {  	p1 =	seq.s32 s26, $0x0;
	s28 =	ssyncread [sflag:$0x0]  }
0x1f: {  	p1 =	por !p0, !p1  }
0x20: {  	s29 =	simm.s32 $0x1;
	p1 =	por !p1, !p1  }
0x21: {  	s26 =	sshrl.u32 s26, $0x2;
	s29 =	simm.s32 @!p1 $0x0;
	s31 =	sadd.s32 s5, s28  }
0x22: {  	s29 =	ssub.s32 s26, s29;
	s26 =	sshll.u32 s31, $0x11  }
0x23: {  	[sflag:s11] =	ssyncset.s32 $0x0;
	s26 =	sor.u32 s26, s19  }
0x24: {  	[sflag:s11] =	ssyncset.done $0x0;
	s26 =	sor.u32 $0xA, s26  }
0x25: {  	[sflag:s26] =	ssyncadd.remote.s32 $0x1;
	s26 =	simm.s32 $0x18440  }
0x26: {  	s30 =	sshra.s32 s29, $0x1F;
	v0 =	vld [tilespmem:s26+$0x30]  }
0x27: {  	s30 =	smul.u32 $0x2AAAAAAB, s30;
	v1 =	vld [tilespmem:s26+$0xFFFFFFD0]  }
0x28: {  	s28 =	smulhi.u32 $0x2AAAAAAB, s29;
	v2 =	vld [tilespmem:s26+$0xFFFFFFE0]  }
0x29: {  	v3 =	vld [tilespmem:s26+$0xFFFFFFF0]  }
0x2a: {  	s28 =	sadd.s32 s30, s28;
	v4 =	vld [tilespmem:s26+$0x0]  }
0x2b: {  	s30 =	sshrl.u32 s28, $0x1F;
	s28 =	sshrl.u32 s28, $0x5;
	v5 =	vld [tilespmem:s26+$0x10]  }
0x2c: {  	s28 =	sadd.s32 s30, s28;
	v6 =	vld [tilespmem:s26+$0x20]  }
0x2d: {  	s28 =	smul.u32 $0xC0, s28;
	v7 =	vld [tilespmem:s26+$0xFFFFFFC0]  }
0x2e: {  	v0 =	vmul.f32 $3.187500000e+01, v0;
	v1 =	vmul.f32 $3.187500000e+01, v1  }
0x2f: {  	s28 =	ssub.s32 s29, s28;
	v2 =	vmul.f32 $3.187500000e+01, v2;
	v3 =	vmul.f32 $3.187500000e+01, v3  }
0x30: {  	s29 =	sshll.u32 s28, $0x8;
	v4 =	vmul.f32 $3.187500000e+01, v4;
	v5 =	vmul.f32 $3.187500000e+01, v5  }
0x31: {  	p1 =	slt.s32 s28, $0x0;
	s28 =	sadd.s32 $0xC000, s29;
	v6 =	vmul.f32 $3.187500000e+01, v6;
	v8 =	vadd.f32 $1.275000000e+02, v0;
	v1 =	vadd.f32 $1.275000000e+02, v1  }
0x32: {  	s29 =	smov.u32 @p1 s28;
	v7 =	vmul.f32 $3.187500000e+01, v7;
	v2 =	vadd.f32 $1.275000000e+02, v2;
	v3 =	vadd.f32 $1.275000000e+02, v3  }
0x33: {  	v0 =	vmov s29;
	v4 =	vadd.f32 $1.275000000e+02, v4;
	v5 =	vadd.f32 $1.275000000e+02, v5  }
0x34: {  	v6 =	vadd.f32 $1.275000000e+02, v6;
	v7 =	vadd.f32 $1.275000000e+02, v7;
	v9 =	vmax.f32 v8, $0.0e+00  }
0x35: {  	v10 =	vmax.f32 v1, $0.0e+00;
	v11 =	vmax.f32 v2, $0.0e+00;
	v12 =	vmax.f32 v3, $0.0e+00  }
0x36: {  	v14 =	vmax.f32 v4, $0.0e+00;
	v15 =	vmax.f32 v5, $0.0e+00;
	v16 =	vmax.f32 v6, $0.0e+00  }
0x37: {  	v17 =	vmax.f32 v7, $0.0e+00;
	v9 =	vmin.f32 v9, $2.530000000e+02;
	v10 =	vmin.f32 v10, $2.530000000e+02  }
0x38: {  	v11 =	vmin.f32 v11, $2.530000000e+02;
	v17 =	vmin.f32 v17, $2.530000000e+02;
	v9 =	vtrunc.f32 v9  }
0x39: {  	v12 =	vmin.f32 v12, $2.530000000e+02;
	v17 =	vtrunc.f32 v17;
	v9 =	vcvt.f32.s32 v9  }
0x3a: {  	v14 =	vmin.f32 v14, $2.530000000e+02;
	v10 =	vtrunc.f32 v10;
	v11 =	vtrunc.f32 v11  }
0x3b: {  	v12 =	vtrunc.f32 v12;
	v14 =	vtrunc.f32 v14;
	v13 =	vadd.s32 v9, v0  }
0x3c: {  	v15 =	vmin.f32 v15, $2.530000000e+02;
	v11 =	vcvt.f32.s32 v11;
	v9 =	vcvt.s32.f32 v9  }
0x3d: {  	v16 =	vmin.f32 v16, $2.530000000e+02;
	v15 =	vtrunc.f32 v15;
	v12 =	vcvt.f32.s32 v12  }
0x3e: {  	v16 =	vtrunc.f32 v16;
	v8 =	vsub.f32 v8, v9;
	v9 =	vadd.s32 v11, v0  }
0x3f: {  	v17 =	vcvt.f32.s32 v17;
	v10 =	vcvt.f32.s32 v10;
	v21 =	vadd.s32 v12, v0  }
0x40: {  	v15 =	vcvt.f32.s32 v15;
	v12 =	vcvt.s32.f32 v12;
	v13 =	vld.idx.msk [tilespmem:v13+s12+$0x0], $0xffff  }
0x41: {  	s28 =	simm.s32 $0x184C0;
	v16 =	vcvt.f32.s32 v16;
	v19 =	vadd.s32 v10, v0;
	v10 =	vcvt.s32.f32 v10  }
0x42: {  	v18 =	vadd.s32 v17, v0;
	v17 =	vcvt.s32.f32 v17;
	v12 =	vsub.f32 v3, v12;
	v3 =	vld [tilespmem:s28+$0x30]  }
0x43: {  	v14 =	vcvt.f32.s32 v14;
	v10 =	vsub.f32 v1, v10;
	v1 =	vcvt.s32.f32 v16;
	v9 =	vld.idx.msk [tilespmem:v9+s12+$0x0], $0xffff  }
0x44: {  	v22 =	vadd.s32 v15, v0;
	v15 =	vcvt.s32.f32 v15;
	v7 =	vsub.f32 v7, v17;
	v17 =	vld.idx.msk [tilespmem:v21+s12+$0x0], $0xffff  }
0x45: {  	v11 =	vcvt.s32.f32 v11;
	v1 =	vsub.f32 v6, v1;
	v20 =	vshll.u32 v13, $0x10  }
0x46: {  	v6 =	vld [tilespmem:s28+$0xFFFFFFE0];
	v8 =	vmul.f32 v20, v8;
	v20 =	vadd.s32 v14, v0;
	v14 =	vcvt.s32.f32 v14  }
0x47: {  	v25 =	vsub.f32 v5, v15;
	v11 =	vsub.f32 v2, v11;
	v18 =	vld.idx.msk [tilespmem:v18+s12+$0x0], $0xffff;
	v13 =	vand.u32 $0xFFFF0000, v13  }
0x48: {  	v5 =	vshll.u32 v9, $0x10;
	v8 =	vadd.f32 v13, v8;
	v13 =	vld.idx.msk [tilespmem:v19+s12+$0x0], $0xffff;
	v23 =	vsub.f32 v4, v14  }
0x49: {  	v4 =	vld [tilespmem:s28+$0xFFFFFFD0];
	v19 =	vmul.f32 $3.187500000e+01, v3;
	v3 =	vmul.f32 v5, v11;
	v5 =	vshll.u32 v17, $0x10  }
0x4a: {  	v5 =	vmul.f32 v5, v12;
	v12 =	vld [tilespmem:s28+$0xFFFFFFC0]  }
0x4b: {  	v15 =	vld [tilespmem:s28+$0xFFFFFFF0];
	v6 =	vmul.f32 $3.187500000e+01, v6  }
0x4c: {  	v2 =	vshll.u32 v18, $0x10  }
0x4d: {  	v7 =	vmul.f32 v2, v7;
	v6 =	vadd.f32 $1.275000000e+02, v6;
	v14 =	vand.u32 $0xFFFF0000, v18  }
0x4e: {  	v18 =	vand.u32 $0xFFFF0000, v13;
	v2 =	vshll.u32 v13, $0x10;
	v13 =	vld [tilespmem:s28+$0x0];
	v11 =	vmul.f32 $3.187500000e+01, v4  }
0x4f: {  	v10 =	vmul.f32 v2, v10;
	v2 =	vand.u32 $0xFFFF0000, v9;
	v9 =	vld [tilespmem:s28+$0x10];
	v12 =	vmul.f32 $3.187500000e+01, v12  }
0x50: {  	v7 =	vadd.f32 v14, v7;
	v14 =	vadd.f32 $1.275000000e+02, v11;
	v11 =	vmul.f32 $3.187500000e+01, v15  }
0x51: {  	v21 =	vld [tilespmem:s28+$0x20];
	v4 =	vand.u32 $0xFFFF0000, v17;
	v17 =	vadd.f32 $1.275000000e+02, v19;
	v19 =	vadd.f32 $1.275000000e+02, v12  }
0x52: {  	v16 =	vadd.s32 v16, v0;
	v15 =	vadd.f32 v18, v10;
	v24 =	vadd.f32 $1.275000000e+02, v11  }
0x53: {  	v10 =	vmul.f32 $3.187500000e+01, v13;
	v13 =	vmax.f32 v17, $0.0e+00;
	v30 =	vmax.f32 v19, $0.0e+00  }
0x54: {  	v9 =	vmul.f32 $3.187500000e+01, v9;
	v11 =	vmin.f32 v13, $2.530000000e+02;
	v13 =	vmax.f32 v6, $0.0e+00  }
0x55: {  	v12 =	vmax.f32 v24, $0.0e+00;
	v30 =	vmin.f32 v30, $2.530000000e+02;
	v26 =	vadd.f32 $1.275000000e+02, v10  }
0x56: {  	v10 =	vmul.f32 $3.187500000e+01, v21;
	v11 =	vtrunc.f32 v11;
	v13 =	vmin.f32 v13, $2.530000000e+02  }
0x57: {  	v16 =	vld.idx.msk [tilespmem:v16+s12+$0x0], $0xffff;
	v12 =	vmin.f32 v12, $2.530000000e+02;
	v30 =	vtrunc.f32 v30;
	v27 =	vadd.f32 $1.275000000e+02, v9  }
0x58: {  	v9 =	vcvt.f32.s32 v11;
	v11 =	vmax.f32 v14, $0.0e+00;
	v13 =	vtrunc.f32 v13  }
0x59: {  	v33 =	vtrunc.f32 v12;
	v30 =	vcvt.f32.s32 v30;
	v28 =	vadd.f32 $1.275000000e+02, v10  }
0x5a: {  	v10 =	vld.idx.msk [tilespmem:v20+s12+$0x0], $0xffff;
	v21 =	vmax.f32 v26, $0.0e+00;
	v11 =	vmin.f32 v11, $2.530000000e+02;
	v35 =	vcvt.f32.s32 v13  }
0x5b: {  	v20 =	vld.idx.msk [tilespmem:v22+s12+$0x0], $0xffff;
	v18 =	vadd.s32 v9, v0;
	v22 =	vmax.f32 v27, $0.0e+00;
	v21 =	vmin.f32 v21, $2.530000000e+02  }
0x5c: {  	v31 =	vtrunc.f32 v11;
	v11 =	vshll.u32 v16, $0x10;
	v9 =	vcvt.s32.f32 v9  }
0x5d: {  	v29 =	vmax.f32 v28, $0.0e+00;
	v22 =	vmin.f32 v22, $2.530000000e+02;
	v21 =	vtrunc.f32 v21  }
0x5e: {  	[tilespmem:s26+$0xFFFFFFC0] =	vst v7;
	v31 =	vcvt.f32.s32 v31;
	v36 =	vadd.s32 v35, v0;
	v7 =	vcvt.s32.f32 v35  }
0x5f: {  	v29 =	vmin.f32 v29, $2.530000000e+02;
	v22 =	vtrunc.f32 v22;
	v21 =	vcvt.f32.s32 v21  }
0x60: {  	v9 =	vsub.f32 v17, v9;
	v29 =	vtrunc.f32 v29;
	v17 =	vcvt.f32.s32 v22;
	v18 =	vld.idx.msk [tilespmem:v18+s12+$0x0], $0xffff  }
0x61: {  	v22 =	vadd.s32 v30, v0;
	v61 =	vadd.s32 v31, v0;
	v30 =	vcvt.s32.f32 v30  }
0x62: {  	[tilespmem:s26+$0xFFFFFFD0] =	vst v15;
	v31 =	vcvt.s32.f32 v31;
	v15 =	vsub.f32 v6, v7;
	v32 =	vshll.u32 v10, $0x10  }
0x63: {  	v34 =	vshll.u32 v20, $0x10;
	v12 =	vand.u32 $0xFFFF0000, v10;
	v13 =	vand.u32 $0xFFFF0000, v20  }
0x64: {  	v20 =	vcvt.f32.s32 v33;
	v29 =	vcvt.f32.s32 v29;
	v19 =	vsub.f32 v19, v30  }
0x65: {  	v63 =	vcvt.s32.f32 v17;
	v25 =	vmul.f32 v34, v25;
	v10 =	vshll.u32 v18, $0x10  }
0x66: {  	[tilespmem:s26+$0x30] =	vst v8;
	v37 =	vadd.s32 v20, v0;
	v8 =	vadd.s32 v29, v0;
	v9 =	vmul.f32 v10, v9  }
0x67: {  	v62 =	vcvt.s32.f32 v20;
	v29 =	vcvt.s32.f32 v29;
	v18 =	vand.u32 $0xFFFF0000, v18  }
0x68: {  	v20 =	vld.idx.msk [tilespmem:v36+s12+$0x0], $0xffff;
	v7 =	vsub.f32 v27, v63;
	v10 =	vadd.s32 v21, v0;
	v38 =	vadd.f32 v18, v9  }
0x69: {  	v22 =	vld.idx.msk [tilespmem:v22+s12+$0x0], $0xffff;
	v9 =	vadd.s32 v17, v0;
	v18 =	vand.u32 $0xFFFF0000, v16;
	v16 =	vcvt.s32.f32 v21  }
0x6a: {  	v17 =	vsub.f32 v14, v31;
	v21 =	vld.idx.msk [tilespmem:v61+s12+$0x0], $0xffff;
	v14 =	vsub.f32 v24, v62;
	v24 =	vmul.f32 v32, v23  }
0x6b: {  	s30 =	simm.s32 $0x18540;
	s29 =	simm.s32 $0x80;
	v23 =	vsub.f32 v28, v29;
	[tilespmem:s28+$0x30] =	vst v38;
	v6 =	vsub.f32 v26, v16;
	v16 =	vld.idx.msk [tilespmem:v37+s12+$0x0], $0xffff  }
.LBB2_3:
0x6c: {  	v26 =	vld [tilespmem:s30+$0x30];
	s29 =	sadd.s32 $0x80, s29;
	v2 =	vadd.f32 v2, v3;
	v3 =	vadd.f32 v4, v5;
	v4 =	vmul.f32 v11, v1  }
0x6d: {  	v11 =	vadd.f32 v12, v24;
	v5 =	vld [tilespmem:s30+$0xFFFFFFD0];
	p1 =	slt.u32 s29, $0x3080;
	v12 =	vadd.f32 v13, v25;
	v1 =	vmov v23  }
0x6e: {  	v23 =	vand.u32 $0xFFFF0000, v22;
	v22 =	vshll.u32 v22, $0x10;
	v13 =	vld [tilespmem:s30+$0xFFFFFFE0];
	[tilespmem:s26+$0xFFFFFFE0] =	vst v2;
	v18 =	vadd.f32 v18, v4  }
0x6f: {  	v19 =	vmul.f32 v22, v19;
	v22 =	vand.u32 $0xFFFF0000, v21;
	v2 =	vshll.u32 v21, $0x10;
	v24 =	vld [tilespmem:s30+$0xFFFFFFF0];
	[tilespmem:s26+$0xFFFFFFF0] =	vst v3  }
0x70: {  	v17 =	vmul.f32 v2, v17;
	v2 =	vand.u32 $0xFFFF0000, v20;
	v3 =	vshll.u32 v20, $0x10;
	v21 =	vld [tilespmem:s30+$0x0];
	[tilespmem:s26+$0x0] =	vst v11  }
0x71: {  	v3 =	vmul.f32 v3, v15;
	v15 =	vshll.u32 v16, $0x10;
	v11 =	vld [tilespmem:s30+$0x10];
	v20 =	vmul.f32 $3.187500000e+01, v26;
	[tilespmem:s26+$0x10] =	vst v12  }
0x72: {  	v4 =	vand.u32 $0xFFFF0000, v16;
	v12 =	vmul.f32 $3.187500000e+01, v5;
	v25 =	vld [tilespmem:s30+$0x20];
	v5 =	vmul.f32 v15, v14;
	[tilespmem:s26+$0x20] =	vst v18;
	s26 =	smov.u32 s28;
	s28 =	smov.u32 s30  }
0x73: {  	v16 =	vadd.f32 v23, v19;
	v14 =	vld [tilespmem:s30+$0xFFFFFFC0];
	v13 =	vmul.f32 $3.187500000e+01, v13;
	v15 =	vadd.f32 $1.275000000e+02, v20  }
0x74: {  	v17 =	vadd.f32 v22, v17;
	v20 =	vadd.f32 $1.275000000e+02, v12;
	v12 =	vmul.f32 $3.187500000e+01, v24;
	v10 =	vld.idx.msk [tilespmem:v10+s12+$0x0], $0xffff  }
0x75: {  	v23 =	vadd.f32 $1.275000000e+02, v13;
	v13 =	vmul.f32 $3.187500000e+01, v21;
	v18 =	vmax.f32 v15, $0.0e+00;
	[tilespmem:s26+$0xFFFFFFC0] =	vst v16;
	v9 =	vld.idx.msk [tilespmem:v9+s12+$0x0], $0xffff  }
0x76: {  	v16 =	vadd.f32 $1.275000000e+02, v12;
	v11 =	vmul.f32 $3.187500000e+01, v11;
	v12 =	vmin.f32 v18, $2.530000000e+02;
	[tilespmem:s26+$0xFFFFFFD0] =	vst v17;
	v17 =	vld.idx.msk [tilespmem:v8+s12+$0x0], $0xffff  }
0x77: {  	v26 =	vadd.f32 $1.275000000e+02, v13;
	v8 =	vmul.f32 $3.187500000e+01, v25;
	v12 =	vtrunc.f32 v12  }
0x78: {  	v13 =	vmul.f32 $3.187500000e+01, v14;
	v27 =	vadd.f32 $1.275000000e+02, v11;
	v12 =	vcvt.f32.s32 v12  }
0x79: {  	v11 =	vmax.f32 v20, $0.0e+00;
	v14 =	vmax.f32 v23, $0.0e+00;
	v25 =	vadd.f32 $1.275000000e+02, v8  }
0x7a: {  	v8 =	vmax.f32 v16, $0.0e+00;
	v19 =	vadd.f32 $1.275000000e+02, v13;
	v13 =	vadd.s32 v12, v0  }
0x7b: {  	v18 =	vmax.f32 v26, $0.0e+00;
	v21 =	vmax.f32 v27, $0.0e+00;
	v22 =	vmax.f32 v25, $0.0e+00  }
0x7c: {  	v11 =	vmin.f32 v11, $2.530000000e+02;
	v14 =	vmin.f32 v14, $2.530000000e+02;
	v24 =	vmax.f32 v19, $0.0e+00  }
0x7d: {  	v8 =	vmin.f32 v8, $2.530000000e+02;
	v18 =	vmin.f32 v18, $2.530000000e+02;
	v24 =	vmin.f32 v24, $2.530000000e+02  }
0x7e: {  	v21 =	vmin.f32 v21, $2.530000000e+02;
	v22 =	vmin.f32 v22, $2.530000000e+02;
	v24 =	vtrunc.f32 v24  }
0x7f: {  	v30 =	vshll.u32 v10, $0x10;
	v28 =	vtrunc.f32 v11;
	v14 =	vtrunc.f32 v14;
	v29 =	vld.idx.msk [tilespmem:v13+s12+$0x0], $0xffff  }
0x80: {  	v31 =	vshll.u32 v9, $0x10;
	v8 =	vtrunc.f32 v8;
	v18 =	vtrunc.f32 v18  }
0x81: {  	v11 =	vshll.u32 v17, $0x10;
	v21 =	vtrunc.f32 v21;
	v22 =	vtrunc.f32 v22  }
0x82: {  	v32 =	vcvt.s32.f32 v12;
	v12 =	vand.u32 $0xFFFF0000, v10;
	v24 =	vcvt.f32.s32 v24  }
0x83: {  	v28 =	vcvt.f32.s32 v28;
	v14 =	vcvt.f32.s32 v14;
	v13 =	vand.u32 $0xFFFF0000, v9  }
0x84: {  	v33 =	vcvt.f32.s32 v8;
	v34 =	vcvt.f32.s32 v18;
	v8 =	vsub.f32 v15, v32  }
0x85: {  	v15 =	vcvt.f32.s32 v21;
	v32 =	vcvt.f32.s32 v22;
	v9 =	vshll.u32 v29, $0x10  }
0x86: {  	v35 =	vadd.s32 v28, v0;
	v21 =	vadd.s32 v24, v0;
	v8 =	vmul.f32 v9, v8  }
0x87: {  	v36 =	vadd.s32 v14, v0;
	v37 =	vadd.s32 v33, v0;
	v18 =	vand.u32 $0xFFFF0000, v29  }
0x88: {  	v10 =	vadd.s32 v34, v0;
	v9 =	vadd.s32 v15, v0;
	v18 =	vadd.f32 v18, v8  }
0x89: {  	v22 =	vcvt.s32.f32 v24;
	v24 =	vcvt.s32.f32 v28;
	v8 =	vadd.s32 v32, v0  }
.Ltmp3:
0x8a: {  	v14 =	vcvt.s32.f32 v14;
	v28 =	vcvt.s32.f32 v33;
	[tilespmem:s30+$0x30] =	vst v18;
	v18 =	vand.u32 $0xFFFF0000, v17;
	(pc) =	sbr.rel @p1 .LBB2_3-.Ltmp3, $4  }
0x8b: {  	v33 =	vcvt.s32.f32 v15;
	v19 =	vsub.f32 v19, v22;
	v29 =	vcvt.s32.f32 v34;
	v22 =	vld.idx.msk [tilespmem:v21+s12+$0x0], $0xffff  }
0x8c: {  	v15 =	vsub.f32 v23, v14;
	v23 =	vcvt.s32.f32 v32;
	v17 =	vsub.f32 v20, v24;
	v21 =	vld.idx.msk [tilespmem:v35+s12+$0x0], $0xffff  }
0x8d: {  	v14 =	vsub.f32 v16, v28;
	v24 =	vmul.f32 v30, v6;
	v6 =	vsub.f32 v26, v29;
	v20 =	vld.idx.msk [tilespmem:v36+s12+$0x0], $0xffff  }
0x8e: {  	v23 =	vsub.f32 v25, v23;
	v25 =	vmul.f32 v31, v7;
	v7 =	vsub.f32 v27, v33;
	s30 =	sadd.s32 $0x80, s30;
	v16 =	vld.idx.msk [tilespmem:v37+s12+$0x0], $0xffff  }
0x8f: {  	_ =	sdelay $0x2  }
0x90: {  	v0 =	vadd.f32 v2, v3  }
0x91: {  	v2 =	vadd.f32 v4, v5;
	v1 =	vmul.f32 v11, v1;
	v3 =	vadd.f32 v12, v24;
	v4 =	vld.idx.msk [tilespmem:v10+s12+$0x0], $0xffff  }
0x92: {  	v9 =	vld.idx.msk [tilespmem:v9+s12+$0x0], $0xffff;
	v5 =	vadd.f32 v13, v25;
	v10 =	vand.u32 $0xFFFF0000, v22;
	v11 =	vshll.u32 v22, $0x10  }
0x93: {  	v8 =	vld.idx.msk [tilespmem:v8+s12+$0x0], $0xffff;
	[tilespmem:s26+$0xFFFFFFE0] =	vst v0;
	v0 =	vadd.f32 v18, v1;
	v1 =	vmul.f32 v11, v19;
	v11 =	vshll.u32 v21, $0x10  }
0x94: {  	v12 =	vand.u32 $0xFFFF0000, v21;
	[tilespmem:s26+$0xFFFFFFF0] =	vst v2;
	v2 =	vmul.f32 v11, v17;
	v11 =	vshll.u32 v20, $0x10  }
0x95: {  	[tilespmem:s26+$0x0] =	vst v3;
	v13 =	vand.u32 $0xFFFF0000, v20;
	v3 =	vmul.f32 v11, v15;
	v11 =	vshll.u32 v16, $0x10  }
0x96: {  	[tilespmem:s26+$0x10] =	vst v5;
	v5 =	vand.u32 $0xFFFF0000, v16;
	v1 =	vadd.f32 v10, v1;
	v11 =	vmul.f32 v11, v14  }
0x97: {  	[tilespmem:s26+$0x20] =	vst v0;
	v0 =	vadd.f32 v12, v2;
	v2 =	vshll.u32 v4, $0x10;
	v10 =	vshll.u32 v9, $0x10  }
0x98: {  	[tilespmem:s28+$0xFFFFFFC0] =	vst v1;
	v1 =	vshll.u32 v8, $0x10;
	v2 =	vmul.f32 v2, v6;
	v3 =	vadd.f32 v13, v3  }
0x99: {  	[tilespmem:s28+$0xFFFFFFD0] =	vst v0;
	v0 =	vand.u32 $0xFFFF0000, v4;
	v4 =	vmul.f32 v10, v7;
	v5 =	vadd.f32 v5, v11  }
0x9a: {  	v6 =	vand.u32 $0xFFFF0000, v9;
	v1 =	vmul.f32 v1, v23;
	v0 =	vadd.f32 v0, v2;
	[tilespmem:s28+$0xFFFFFFE0] =	vst v3  }
0x9b: {  	v2 =	vand.u32 $0xFFFF0000, v8;
	v3 =	vadd.f32 v6, v4;
	[tilespmem:s28+$0xFFFFFFF0] =	vst v5  }
0x9c: {  	v1 =	vadd.f32 v2, v1;
	[tilespmem:s28+$0x0] =	vst v0  }
0x9d: {  	[tilespmem:s28+$0x10] =	vst v3  }
0x9e: {  	[tilespmem:s28+$0x20] =	vst v1  }
0x9f: {  	_ =	swait.ge [sflag:s20], $0x1  }
0xa0: {  	[sflag:s20] =	ssyncset.done $0x0  }
0xa1: {  	[sflag:s20] =	ssyncadd.s32 $0xFFFFFFFF  }
0xa2: {  	[spmem:s6] =	stream.strided.scatter [tilespmem:s17], [sflag:$0x5], $0x3100, s16, s15, $0x38;
	[tilespmem:$0x1B500] =	vst v63  }
0xa3: {  	_ =	swait.ge [sflag:s13], $0x3100  }
0xa4: {  	[sflag:s13] =	ssyncset.done $0x0  }
0xa5: {  	[sflag:s13] =	ssyncadd.s32 $0xFFFFCF00  }
0xa6: {  	[smem:s18], [sflag:$0x0] =	smem.add.s32 $0x0  }
0xa7: {  	_ =	swait.done [sflag:s11]  }
0xa8: {  	s30 =	ssyncread [sflag:$0x0];
	_ =	sdelay $0x2  }
0xa9: {  	s26 =	sadd.s32 s5, s30  }
0xaa: {  	s26 =	sshll.u32 s26, $0x11  }
0xab: {  	[sflag:s11] =	ssyncset.s32 $0x0;
	s26 =	sor.u32 s26, s19  }
0xac: {  	[sflag:s11] =	ssyncset.done $0x0;
	s26 =	sor.u32 $0xC, s26  }
0xad: {  	[sflag:s26] =	ssyncadd.remote.s32 $0x1  }
0xae: {  	_ =	swait.ge [sflag:s21], $0x1  }
0xaf: {  	[sflag:s21] =	ssyncset.done $0x0  }
0xb0: {  	[sflag:s21] =	ssyncadd.s32 $0xFFFFFFFF  }
0xb1: {  	[tilespmem:s17], [sflag:$0x5] =	stream.strided.gather [spmem:s8], $0x3100, s16, s15, $0x38;
	[tilespmem:$0x1B500] =	vst v63  }
0xb2: {  	_ =	swait.ge [sflag:s13], $0x3100  }
0xb3: {  	[sflag:s13] =	ssyncset.done $0x0  }
0xb4: {  	[sflag:s13] =	ssyncadd.s32 $0xFFFFCF00  }
0xb5: {  	[smem:s18], [sflag:$0x0] =	smem.add.s32 $0x0  }
0xb6: {  	_ =	swait.done [sflag:s11]  }
0xb7: {  	s31 =	ssyncread [sflag:$0x0];
	_ =	sdelay $0x2  }
0xb8: {  	s26 =	sadd.s32 s5, s31  }
0xb9: {  	s26 =	sshll.u32 s26, $0x11  }
0xba: {  	[sflag:s11] =	ssyncset.s32 $0x0;
	s26 =	sor.u32 s26, s19  }
0xbb: {  	[sflag:s11] =	ssyncset.done $0x0;
	s26 =	sor.u32 $0xB, s26  }
0xbc: {  	[sflag:s26] =	ssyncadd.remote.s32 $0x1;
	s26 =	simm.s32 $0x18440  }
0xbd: {  	v0 =	vld [tilespmem:s26+$0x30]  }
0xbe: {  	v1 =	vld [tilespmem:s26+$0xFFFFFFD0]  }
0xbf: {  	v2 =	vld [tilespmem:s26+$0xFFFFFFE0]  }
0xc0: {  	v3 =	vld [tilespmem:s26+$0xFFFFFFF0]  }
0xc1: {  	s25 =	sadd.s32 s25, s7;
	v4 =	vld [tilespmem:s26+$0x0]  }
0xc2: {  	s25 =	sshrl.u32 s25, $0x2;
	v5 =	vld [tilespmem:s26+$0x10]  }
0xc3: {  	s28 =	smulhi.u32 $0xAAAAAAB, s25;
	v6 =	vld [tilespmem:s26+$0x20]  }
0xc4: {  	v7 =	vld [tilespmem:s26+$0xFFFFFFC0]  }
0xc5: {  	s28 =	sshrl.u32 s28, $0x3;
	v0 =	vmul.f32 $3.187500000e+01, v0;
	v1 =	vmul.f32 $3.187500000e+01, v1  }
0xc6: {  	s28 =	smul.u32 $0xC0, s28;
	v2 =	vmul.f32 $3.187500000e+01, v2;
	v3 =	vmul.f32 $3.187500000e+01, v3  }
0xc7: {  	v4 =	vmul.f32 $3.187500000e+01, v4;
	v5 =	vmul.f32 $3.187500000e+01, v5  }
0xc8: {  	s25 =	ssub.s32 s25, s28;
	v6 =	vmul.f32 $3.187500000e+01, v6;
	v8 =	vadd.f32 $1.275000000e+02, v0;
	v1 =	vadd.f32 $1.275000000e+02, v1  }
0xc9: {  	s25 =	sshll.u32 s25, $0x8;
	v7 =	vmul.f32 $3.187500000e+01, v7;
	v2 =	vadd.f32 $1.275000000e+02, v2;
	v3 =	vadd.f32 $1.275000000e+02, v3  }
0xca: {  	v0 =	vmov s25;
	v4 =	vadd.f32 $1.275000000e+02, v4;
	v5 =	vadd.f32 $1.275000000e+02, v5  }
0xcb: {  	v6 =	vadd.f32 $1.275000000e+02, v6;
	v7 =	vadd.f32 $1.275000000e+02, v7;
	v9 =	vmax.f32 v8, $0.0e+00  }
0xcc: {  	v10 =	vmax.f32 v1, $0.0e+00;
	v11 =	vmax.f32 v2, $0.0e+00;
	v12 =	vmax.f32 v3, $0.0e+00  }
0xcd: {  	v14 =	vmax.f32 v4, $0.0e+00;
	v15 =	vmax.f32 v5, $0.0e+00;
	v16 =	vmax.f32 v6, $0.0e+00  }
0xce: {  	v17 =	vmax.f32 v7, $0.0e+00;
	v9 =	vmin.f32 v9, $2.530000000e+02;
	v10 =	vmin.f32 v10, $2.530000000e+02  }
0xcf: {  	v11 =	vmin.f32 v11, $2.530000000e+02;
	v17 =	vmin.f32 v17, $2.530000000e+02;
	v9 =	vtrunc.f32 v9  }
0xd0: {  	v12 =	vmin.f32 v12, $2.530000000e+02;
	v17 =	vtrunc.f32 v17;
	v9 =	vcvt.f32.s32 v9  }
0xd1: {  	v14 =	vmin.f32 v14, $2.530000000e+02;
	v10 =	vtrunc.f32 v10;
	v11 =	vtrunc.f32 v11  }
0xd2: {  	v12 =	vtrunc.f32 v12;
	v14 =	vtrunc.f32 v14;
	v13 =	vadd.s32 v9, v0  }
0xd3: {  	v15 =	vmin.f32 v15, $2.530000000e+02;
	v11 =	vcvt.f32.s32 v11;
	v9 =	vcvt.s32.f32 v9  }
0xd4: {  	v16 =	vmin.f32 v16, $2.530000000e+02;
	v15 =	vtrunc.f32 v15;
	v12 =	vcvt.f32.s32 v12  }
0xd5: {  	v16 =	vtrunc.f32 v16;
	v8 =	vsub.f32 v8, v9;
	v9 =	vadd.s32 v11, v0  }
0xd6: {  	v17 =	vcvt.f32.s32 v17;
	v10 =	vcvt.f32.s32 v10;
	v21 =	vadd.s32 v12, v0  }
0xd7: {  	v15 =	vcvt.f32.s32 v15;
	v12 =	vcvt.s32.f32 v12;
	v13 =	vld.idx.msk [tilespmem:v13+s12+$0x0], $0xffff  }
0xd8: {  	s25 =	simm.s32 $0x184C0;
	v16 =	vcvt.f32.s32 v16;
	v19 =	vadd.s32 v10, v0;
	v10 =	vcvt.s32.f32 v10  }
0xd9: {  	v18 =	vadd.s32 v17, v0;
	v17 =	vcvt.s32.f32 v17;
	v12 =	vsub.f32 v3, v12;
	v3 =	vld [tilespmem:s25+$0x30]  }
0xda: {  	v14 =	vcvt.f32.s32 v14;
	v10 =	vsub.f32 v1, v10;
	v1 =	vcvt.s32.f32 v16;
	v9 =	vld.idx.msk [tilespmem:v9+s12+$0x0], $0xffff  }
0xdb: {  	v22 =	vadd.s32 v15, v0;
	v15 =	vcvt.s32.f32 v15;
	v7 =	vsub.f32 v7, v17;
	v17 =	vld.idx.msk [tilespmem:v21+s12+$0x0], $0xffff  }
0xdc: {  	v11 =	vcvt.s32.f32 v11;
	v1 =	vsub.f32 v6, v1;
	v20 =	vshll.u32 v13, $0x10  }
0xdd: {  	v6 =	vld [tilespmem:s25+$0xFFFFFFE0];
	v8 =	vmul.f32 v20, v8;
	v20 =	vadd.s32 v14, v0;
	v14 =	vcvt.s32.f32 v14  }
0xde: {  	v25 =	vsub.f32 v5, v15;
	v11 =	vsub.f32 v2, v11;
	v18 =	vld.idx.msk [tilespmem:v18+s12+$0x0], $0xffff;
	v13 =	vand.u32 $0xFFFF0000, v13  }
0xdf: {  	v5 =	vshll.u32 v9, $0x10;
	v8 =	vadd.f32 v13, v8;
	v13 =	vld.idx.msk [tilespmem:v19+s12+$0x0], $0xffff;
	v23 =	vsub.f32 v4, v14  }
0xe0: {  	v4 =	vld [tilespmem:s25+$0xFFFFFFD0];
	v19 =	vmul.f32 $3.187500000e+01, v3;
	v3 =	vmul.f32 v5, v11;
	v5 =	vshll.u32 v17, $0x10  }
0xe1: {  	v5 =	vmul.f32 v5, v12;
	v12 =	vld [tilespmem:s25+$0xFFFFFFC0]  }
0xe2: {  	v15 =	vld [tilespmem:s25+$0xFFFFFFF0];
	v6 =	vmul.f32 $3.187500000e+01, v6  }
0xe3: {  	v2 =	vshll.u32 v18, $0x10  }
0xe4: {  	v7 =	vmul.f32 v2, v7;
	v6 =	vadd.f32 $1.275000000e+02, v6;
	v14 =	vand.u32 $0xFFFF0000, v18  }
0xe5: {  	v18 =	vand.u32 $0xFFFF0000, v13;
	v2 =	vshll.u32 v13, $0x10;
	v13 =	vld [tilespmem:s25+$0x0];
	v11 =	vmul.f32 $3.187500000e+01, v4  }
0xe6: {  	v10 =	vmul.f32 v2, v10;
	v2 =	vand.u32 $0xFFFF0000, v9;
	v9 =	vld [tilespmem:s25+$0x10];
	v12 =	vmul.f32 $3.187500000e+01, v12  }
0xe7: {  	v7 =	vadd.f32 v14, v7;
	v14 =	vadd.f32 $1.275000000e+02, v11;
	v11 =	vmul.f32 $3.187500000e+01, v15  }
0xe8: {  	v21 =	vld [tilespmem:s25+$0x20];
	v4 =	vand.u32 $0xFFFF0000, v17;
	v17 =	vadd.f32 $1.275000000e+02, v19;
	v19 =	vadd.f32 $1.275000000e+02, v12  }
0xe9: {  	v16 =	vadd.s32 v16, v0;
	v15 =	vadd.f32 v18, v10;
	v24 =	vadd.f32 $1.275000000e+02, v11  }
0xea: {  	v10 =	vmul.f32 $3.187500000e+01, v13;
	v13 =	vmax.f32 v17, $0.0e+00;
	v30 =	vmax.f32 v19, $0.0e+00  }
0xeb: {  	v9 =	vmul.f32 $3.187500000e+01, v9;
	v11 =	vmin.f32 v13, $2.530000000e+02;
	v13 =	vmax.f32 v6, $0.0e+00  }
0xec: {  	v12 =	vmax.f32 v24, $0.0e+00;
	v30 =	vmin.f32 v30, $2.530000000e+02;
	v26 =	vadd.f32 $1.275000000e+02, v10  }
0xed: {  	v10 =	vmul.f32 $3.187500000e+01, v21;
	v11 =	vtrunc.f32 v11;
	v13 =	vmin.f32 v13, $2.530000000e+02  }
0xee: {  	v16 =	vld.idx.msk [tilespmem:v16+s12+$0x0], $0xffff;
	v12 =	vmin.f32 v12, $2.530000000e+02;
	v30 =	vtrunc.f32 v30;
	v27 =	vadd.f32 $1.275000000e+02, v9  }
0xef: {  	v9 =	vcvt.f32.s32 v11;
	v11 =	vmax.f32 v14, $0.0e+00;
	v13 =	vtrunc.f32 v13  }
0xf0: {  	v33 =	vtrunc.f32 v12;
	v30 =	vcvt.f32.s32 v30;
	v28 =	vadd.f32 $1.275000000e+02, v10  }
0xf1: {  	v10 =	vld.idx.msk [tilespmem:v20+s12+$0x0], $0xffff;
	v21 =	vmax.f32 v26, $0.0e+00;
	v11 =	vmin.f32 v11, $2.530000000e+02;
	v35 =	vcvt.f32.s32 v13  }
0xf2: {  	v20 =	vld.idx.msk [tilespmem:v22+s12+$0x0], $0xffff;
	v18 =	vadd.s32 v9, v0;
	v22 =	vmax.f32 v27, $0.0e+00;
	v21 =	vmin.f32 v21, $2.530000000e+02  }
0xf3: {  	v31 =	vtrunc.f32 v11;
	v11 =	vshll.u32 v16, $0x10;
	v9 =	vcvt.s32.f32 v9  }
0xf4: {  	v29 =	vmax.f32 v28, $0.0e+00;
	v22 =	vmin.f32 v22, $2.530000000e+02;
	v21 =	vtrunc.f32 v21  }
0xf5: {  	[tilespmem:s26+$0xFFFFFFC0] =	vst v7;
	v31 =	vcvt.f32.s32 v31;
	v36 =	vadd.s32 v35, v0;
	v7 =	vcvt.s32.f32 v35  }
0xf6: {  	v29 =	vmin.f32 v29, $2.530000000e+02;
	v22 =	vtrunc.f32 v22;
	v21 =	vcvt.f32.s32 v21  }
0xf7: {  	v9 =	vsub.f32 v17, v9;
	v29 =	vtrunc.f32 v29;
	v17 =	vcvt.f32.s32 v22;
	v18 =	vld.idx.msk [tilespmem:v18+s12+$0x0], $0xffff  }
0xf8: {  	v22 =	vadd.s32 v30, v0;
	v61 =	vadd.s32 v31, v0;
	v30 =	vcvt.s32.f32 v30  }
0xf9: {  	[tilespmem:s26+$0xFFFFFFD0] =	vst v15;
	v31 =	vcvt.s32.f32 v31;
	v15 =	vsub.f32 v6, v7;
	v32 =	vshll.u32 v10, $0x10  }
0xfa: {  	v34 =	vshll.u32 v20, $0x10;
	v12 =	vand.u32 $0xFFFF0000, v10;
	v13 =	vand.u32 $0xFFFF0000, v20  }
0xfb: {  	v20 =	vcvt.f32.s32 v33;
	v29 =	vcvt.f32.s32 v29;
	v19 =	vsub.f32 v19, v30  }
0xfc: {  	v63 =	vcvt.s32.f32 v17;
	v25 =	vmul.f32 v34, v25;
	v10 =	vshll.u32 v18, $0x10  }
0xfd: {  	[tilespmem:s26+$0x30] =	vst v8;
	v37 =	vadd.s32 v20, v0;
	v8 =	vadd.s32 v29, v0;
	v9 =	vmul.f32 v10, v9  }
0xfe: {  	v62 =	vcvt.s32.f32 v20;
	v29 =	vcvt.s32.f32 v29;
	v18 =	vand.u32 $0xFFFF0000, v18  }
0xff: {  	v20 =	vld.idx.msk [tilespmem:v36+s12+$0x0], $0xffff;
	v7 =	vsub.f32 v27, v63;
	v10 =	vadd.s32 v21, v0;
	v38 =	vadd.f32 v18, v9  }
0x100: {  	v22 =	vld.idx.msk [tilespmem:v22+s12+$0x0], $0xffff;
	v9 =	vadd.s32 v17, v0;
	v18 =	vand.u32 $0xFFFF0000, v16;
	v16 =	vcvt.s32.f32 v21  }
0x101: {  	v17 =	vsub.f32 v14, v31;
	v21 =	vld.idx.msk [tilespmem:v61+s12+$0x0], $0xffff;
	v14 =	vsub.f32 v24, v62;
	v24 =	vmul.f32 v32, v23  }
0x102: {  	s29 =	simm.s32 $0x18540;
	s28 =	simm.s32 $0x80;
	v23 =	vsub.f32 v28, v29;
	[tilespmem:s25+$0x30] =	vst v38;
	v6 =	vsub.f32 v26, v16;
	v16 =	vld.idx.msk [tilespmem:v37+s12+$0x0], $0xffff  }
.LBB2_5:
0x103: {  	v26 =	vld [tilespmem:s29+$0x30];
	s28 =	sadd.s32 $0x80, s28;
	v2 =	vadd.f32 v2, v3;
	v3 =	vadd.f32 v4, v5;
	v4 =	vmul.f32 v11, v1  }
0x104: {  	v11 =	vadd.f32 v12, v24;
	v5 =	vld [tilespmem:s29+$0xFFFFFFD0];
	p1 =	slt.u32 s28, $0x3080;
	v12 =	vadd.f32 v13, v25;
	v1 =	vmov v23  }
0x105: {  	v23 =	vand.u32 $0xFFFF0000, v22;
	v22 =	vshll.u32 v22, $0x10;
	v13 =	vld [tilespmem:s29+$0xFFFFFFE0];
	[tilespmem:s26+$0xFFFFFFE0] =	vst v2;
	v18 =	vadd.f32 v18, v4  }
0x106: {  	v19 =	vmul.f32 v22, v19;
	v22 =	vand.u32 $0xFFFF0000, v21;
	v2 =	vshll.u32 v21, $0x10;
	v24 =	vld [tilespmem:s29+$0xFFFFFFF0];
	[tilespmem:s26+$0xFFFFFFF0] =	vst v3  }
0x107: {  	v17 =	vmul.f32 v2, v17;
	v2 =	vand.u32 $0xFFFF0000, v20;
	v3 =	vshll.u32 v20, $0x10;
	v21 =	vld [tilespmem:s29+$0x0];
	[tilespmem:s26+$0x0] =	vst v11  }
0x108: {  	v3 =	vmul.f32 v3, v15;
	v15 =	vshll.u32 v16, $0x10;
	v11 =	vld [tilespmem:s29+$0x10];
	v20 =	vmul.f32 $3.187500000e+01, v26;
	[tilespmem:s26+$0x10] =	vst v12  }
0x109: {  	v4 =	vand.u32 $0xFFFF0000, v16;
	v12 =	vmul.f32 $3.187500000e+01, v5;
	v25 =	vld [tilespmem:s29+$0x20];
	v5 =	vmul.f32 v15, v14;
	[tilespmem:s26+$0x20] =	vst v18;
	s26 =	smov.u32 s25;
	s25 =	smov.u32 s29  }
0x10a: {  	v16 =	vadd.f32 v23, v19;
	v14 =	vld [tilespmem:s29+$0xFFFFFFC0];
	v13 =	vmul.f32 $3.187500000e+01, v13;
	v15 =	vadd.f32 $1.275000000e+02, v20  }
0x10b: {  	v17 =	vadd.f32 v22, v17;
	v20 =	vadd.f32 $1.275000000e+02, v12;
	v12 =	vmul.f32 $3.187500000e+01, v24;
	v10 =	vld.idx.msk [tilespmem:v10+s12+$0x0], $0xffff  }
0x10c: {  	v23 =	vadd.f32 $1.275000000e+02, v13;
	v13 =	vmul.f32 $3.187500000e+01, v21;
	v18 =	vmax.f32 v15, $0.0e+00;
	[tilespmem:s26+$0xFFFFFFC0] =	vst v16;
	v9 =	vld.idx.msk [tilespmem:v9+s12+$0x0], $0xffff  }
0x10d: {  	v16 =	vadd.f32 $1.275000000e+02, v12;
	v11 =	vmul.f32 $3.187500000e+01, v11;
	v12 =	vmin.f32 v18, $2.530000000e+02;
	[tilespmem:s26+$0xFFFFFFD0] =	vst v17;
	v17 =	vld.idx.msk [tilespmem:v8+s12+$0x0], $0xffff  }
0x10e: {  	v26 =	vadd.f32 $1.275000000e+02, v13;
	v8 =	vmul.f32 $3.187500000e+01, v25;
	v12 =	vtrunc.f32 v12  }
0x10f: {  	v13 =	vmul.f32 $3.187500000e+01, v14;
	v27 =	vadd.f32 $1.275000000e+02, v11;
	v12 =	vcvt.f32.s32 v12  }
0x110: {  	v11 =	vmax.f32 v20, $0.0e+00;
	v14 =	vmax.f32 v23, $0.0e+00;
	v25 =	vadd.f32 $1.275000000e+02, v8  }
0x111: {  	v8 =	vmax.f32 v16, $0.0e+00;
	v19 =	vadd.f32 $1.275000000e+02, v13;
	v13 =	vadd.s32 v12, v0  }
0x112: {  	v18 =	vmax.f32 v26, $0.0e+00;
	v21 =	vmax.f32 v27, $0.0e+00;
	v22 =	vmax.f32 v25, $0.0e+00  }
0x113: {  	v11 =	vmin.f32 v11, $2.530000000e+02;
	v14 =	vmin.f32 v14, $2.530000000e+02;
	v24 =	vmax.f32 v19, $0.0e+00  }
0x114: {  	v8 =	vmin.f32 v8, $2.530000000e+02;
	v18 =	vmin.f32 v18, $2.530000000e+02;
	v24 =	vmin.f32 v24, $2.530000000e+02  }
0x115: {  	v21 =	vmin.f32 v21, $2.530000000e+02;
	v22 =	vmin.f32 v22, $2.530000000e+02;
	v24 =	vtrunc.f32 v24  }
0x116: {  	v30 =	vshll.u32 v10, $0x10;
	v28 =	vtrunc.f32 v11;
	v14 =	vtrunc.f32 v14;
	v29 =	vld.idx.msk [tilespmem:v13+s12+$0x0], $0xffff  }
0x117: {  	v31 =	vshll.u32 v9, $0x10;
	v8 =	vtrunc.f32 v8;
	v18 =	vtrunc.f32 v18  }
0x118: {  	v11 =	vshll.u32 v17, $0x10;
	v21 =	vtrunc.f32 v21;
	v22 =	vtrunc.f32 v22  }
0x119: {  	v32 =	vcvt.s32.f32 v12;
	v12 =	vand.u32 $0xFFFF0000, v10;
	v24 =	vcvt.f32.s32 v24  }
0x11a: {  	v28 =	vcvt.f32.s32 v28;
	v14 =	vcvt.f32.s32 v14;
	v13 =	vand.u32 $0xFFFF0000, v9  }
0x11b: {  	v33 =	vcvt.f32.s32 v8;
	v34 =	vcvt.f32.s32 v18;
	v8 =	vsub.f32 v15, v32  }
0x11c: {  	v15 =	vcvt.f32.s32 v21;
	v32 =	vcvt.f32.s32 v22;
	v9 =	vshll.u32 v29, $0x10  }
0x11d: {  	v35 =	vadd.s32 v28, v0;
	v21 =	vadd.s32 v24, v0;
	v8 =	vmul.f32 v9, v8  }
0x11e: {  	v36 =	vadd.s32 v14, v0;
	v37 =	vadd.s32 v33, v0;
	v18 =	vand.u32 $0xFFFF0000, v29  }
0x11f: {  	v10 =	vadd.s32 v34, v0;
	v9 =	vadd.s32 v15, v0;
	v18 =	vadd.f32 v18, v8  }
0x120: {  	v22 =	vcvt.s32.f32 v24;
	v24 =	vcvt.s32.f32 v28;
	v8 =	vadd.s32 v32, v0  }
.Ltmp4:
0x121: {  	v14 =	vcvt.s32.f32 v14;
	v28 =	vcvt.s32.f32 v33;
	[tilespmem:s29+$0x30] =	vst v18;
	v18 =	vand.u32 $0xFFFF0000, v17;
	(pc) =	sbr.rel @p1 .LBB2_5-.Ltmp4, $4  }
0x122: {  	v33 =	vcvt.s32.f32 v15;
	v19 =	vsub.f32 v19, v22;
	v29 =	vcvt.s32.f32 v34;
	v22 =	vld.idx.msk [tilespmem:v21+s12+$0x0], $0xffff  }
0x123: {  	v15 =	vsub.f32 v23, v14;
	v23 =	vcvt.s32.f32 v32;
	v17 =	vsub.f32 v20, v24;
	v21 =	vld.idx.msk [tilespmem:v35+s12+$0x0], $0xffff  }
0x124: {  	v14 =	vsub.f32 v16, v28;
	v24 =	vmul.f32 v30, v6;
	v6 =	vsub.f32 v26, v29;
	v20 =	vld.idx.msk [tilespmem:v36+s12+$0x0], $0xffff  }
0x125: {  	v23 =	vsub.f32 v25, v23;
	v25 =	vmul.f32 v31, v7;
	v7 =	vsub.f32 v27, v33;
	s29 =	sadd.s32 $0x80, s29;
	v16 =	vld.idx.msk [tilespmem:v37+s12+$0x0], $0xffff  }
0x126: {  	_ =	sdelay $0x2  }
0x127: {  	v0 =	vadd.f32 v2, v3  }
0x128: {  	v39 =	vadd.f32 v4, v5;
	v1 =	vmul.f32 v11, v1;
	v40 =	vadd.f32 v12, v24;
	v41 =	vld.idx.msk [tilespmem:v10+s12+$0x0], $0xffff  }
0x129: {  	v9 =	vld.idx.msk [tilespmem:v9+s12+$0x0], $0xffff;
	v42 =	vadd.f32 v13, v25;
	v43 =	vand.u32 $0xFFFF0000, v22;
	v44 =	vshll.u32 v22, $0x10  }
0x12a: {  	v8 =	vld.idx.msk [tilespmem:v8+s12+$0x0], $0xffff;
	[tilespmem:s26+$0xFFFFFFE0] =	vst v0;
	v45 =	vadd.f32 v18, v1;
	v46 =	vmul.f32 v44, v19;
	v47 =	vshll.u32 v21, $0x10  }
0x12b: {  	v48 =	vand.u32 $0xFFFF0000, v21;
	[tilespmem:s26+$0xFFFFFFF0] =	vst v39;
	v49 =	vmul.f32 v47, v17;
	v50 =	vshll.u32 v20, $0x10  }
0x12c: {  	[tilespmem:s26+$0x0] =	vst v40;
	v51 =	vand.u32 $0xFFFF0000, v20;
	v52 =	vmul.f32 v50, v15;
	v53 =	vshll.u32 v16, $0x10  }
0x12d: {  	[tilespmem:s26+$0x10] =	vst v42;
	v54 =	vand.u32 $0xFFFF0000, v16;
	v1 =	vadd.f32 v43, v46;
	v11 =	vmul.f32 v53, v14  }
0x12e: {  	[tilespmem:s26+$0x20] =	vst v45;
	v55 =	vadd.f32 v48, v49;
	v56 =	vshll.u32 v41, $0x10;
	v57 =	vshll.u32 v9, $0x10  }
0x12f: {  	v58 =	vshll.u32 v8, $0x10;
	[tilespmem:s25+$0xFFFFFFC0] =	vst v1;
	v2 =	vmul.f32 v56, v6;
	v3 =	vadd.f32 v51, v52  }
0x130: {  	v59 =	vand.u32 $0xFFFF0000, v41;
	v60 =	vmul.f32 v57, v7;
	[tilespmem:s25+$0xFFFFFFD0] =	vst v55;
	v5 =	vadd.f32 v54, v11  }
0x131: {  	v61 =	vand.u32 $0xFFFF0000, v9;
	v1 =	vmul.f32 v58, v23;
	v0 =	vadd.f32 v59, v2;
	[tilespmem:s25+$0xFFFFFFE0] =	vst v3  }
0x132: {  	v62 =	vand.u32 $0xFFFF0000, v8;
	v63 =	vadd.f32 v61, v60;
	[tilespmem:s25+$0xFFFFFFF0] =	vst v5  }
0x133: {  	v1 =	vadd.f32 v62, v1;
	[tilespmem:s25+$0x0] =	vst v0  }
0x134: {  	[tilespmem:s25+$0x10] =	vst v63  }
0x135: {  	[tilespmem:s25+$0x20] =	vst v1  }
0x136: {  	_ =	swait.ge [sflag:s22], $0x1  }
0x137: {  	[sflag:s22] =	ssyncset.done $0x0  }
0x138: {  	[sflag:s22] =	ssyncadd.s32 $0xFFFFFFFF  }
0x139: {  	[spmem:s9] =	stream.strided.scatter [tilespmem:s17], [sflag:$0x5], $0x3100, s16, s15, $0x38;
	[tilespmem:$0x1B500] =	vst v63  }
0x13a: {  	_ =	swait.ge [sflag:s13], $0x3100  }
0x13b: {  	[sflag:s13] =	ssyncset.done $0x0  }
0x13c: {  	[sflag:s13] =	ssyncadd.s32 $0xFFFFCF00  }
0x13d: {  	[smem:s18], [sflag:$0x0] =	smem.add.s32 $0x0  }
0x13e: {  	_ =	swait.done [sflag:s11]  }
0x13f: {  	s31 =	ssyncread [sflag:$0x0]  }
0x140: {  	s24 =	sadd.s32 $0x1, s24  }
0x141: {  	p1 =	sne.s32 s24, $0x18  }
.Ltmp5:
0x142: {  	s25 =	sadd.s32 s5, s31;
	(pc) =	sbr.rel @p1 .LBB2_2-.Ltmp5, $4  }
0x143: {  	s25 =	sshll.u32 s25, $0x11  }
0x144: {  	[sflag:s11] =	ssyncset.s32 $0x0;
	s25 =	sor.u32 s25, s19  }
0x145: {  	[sflag:s11] =	ssyncset.done $0x0;
	s25 =	sor.u32 $0xD, s25  }
0x146: {  	[sflag:s25] =	ssyncadd.remote.s32 $0x1  }
0x147: {  	s23 =	sadd.s32 $0x1, s23  }
0x148: {  	_ =	swait.ge [sflag:s20], $0x1;
	p1 =	sne.s32 s23, s10  }
.Ltmp6:
0x149: {  	[sflag:s20] =	ssyncset.done $0x0;
	(pc) =	sbr.rel @p1 .LBB2_1-.Ltmp6, $4  }
0x14a: {  	[sflag:s20] =	ssyncadd.s32 $0xFFFFFFFF  }
0x14b: {  	_ =	swait.ge [sflag:s22], $0x1  }
0x14c: {  	[sflag:s22] =	ssyncset.done $0x0  }
0x14d: {  	[sflag:s22] =	ssyncadd.s32 $0xFFFFFFFF  }
0x14e: {  	_ =	sfence.sel $0x180000  }
0x14f: {  	[bflag:$0x0] =	sbarrier.arrive $0xFFFF  }
0x150: {  	p0 =	sne.s32 s1, $0x0;
	_ =	strace $0x90000047  }
0x151: {  	s0 =	sadd.s32 @!p0 $0x100000, s0;
	[bflag:$0x2] =	sbarrier.arrive $0xFFFF  }
0x152: {  	[sflag:s0] =	ssyncadd.tile.s32 @!p0 $0x1;
	_ =	shalt  }
.Lfunc_end2:
_tile_overlayer_lowered:
.L_overlay_start_2:
0x153: {  	(tag) =	ssettag $0x2  }
0x154: {  	s0 =	rddreg [dreg:$0x0];
	s2 =	stileid.u32  }
0x155: {  	s1 =	rddreg [dreg:$0x1];
	p0 =	sne.s32 s2, $0x0  }
0x156: {  	s3 =	rddreg [dreg:$0x2];
	[bflag:$0x3] =	sbarrier.arrive $0xFFFF;
	s2 =	simm.s32 @!p0 $0x1C05  }
0x157: {  	[timem:s3], [sflag:s2] =	dma.local @!p0 [hbm:s0], s1  }
0x158: {  	s0 =	simm.s32 @!p0 $0x5  }
0x159: {  	_ =	swait.ge @!p0 [sflag:s0], s1  }
0x15a: {  	s1 =	ssub.s32 @!p0 $0x0, s1;
	[sflag:s0] =	ssyncset.done @!p0 $0x0  }
0x15b: {  	[sflag:s0] =	ssyncadd.s32 @!p0 s1  }
0x15c: {  	[bflag:$0x3] =	sbarrier.arrive $0xFFFF  }
0x15d: {  	_ =	shalt  }

</sc_bundles>
